<compile_context>
chip_gen: v7x
topology: tpu7x:2x2x1
jax: 0.10.2.dev20260603
libtpu: 0.0.44.dev20260713+nightly
codegen_flags: <defaults>
</compile_context>

<pallas_src>
import functools

import jax
import jax.numpy as jnp
from jax import lax
from jax.experimental import pallas as pl
from jax.experimental.pallas import tpu as pltpu
from jax.experimental.pallas import tpu_sc as plsc

N = 10000
E = 320000
D = 128
G = 128
EPS = 1e-5

NC = 2
NS = 16
NW = NC * NS
CHUNK = 128
NCH = 80
HCH = NCH // 2
EPW = NCH * CHUNK
EPAD = NW * EPW
NPAD = 10240
RPT = NPAD // NS


def _sc_agg_body(h_hbm, src_hbm, dst_hbm, z128_hbm, agg_out,
                 src_v, dst_v, rows_a, rows_b, acc_sh, sem_a, sem_b):
    c = lax.axis_index("c")
    s = lax.axis_index("s")
    wid = s * NC + c
    pltpu.sync_copy(z128_hbm.at[pl.ds(s * RPT, RPT)], acc_sh.at[pl.ds(s * RPT, RPT)])
    plsc.subcore_barrier()

    for half in range(2):
        pltpu.sync_copy(src_hbm.at[wid].at[half], src_v)
        pltpu.sync_copy(dst_hbm.at[wid].at[half], dst_v)

        pltpu.async_copy(h_hbm.at[src_v.at[0]], rows_a, sem_a)

        def step(i, carry):
            pltpu.make_async_copy(h_hbm.at[src_v.at[0]], rows_a, sem_a).wait()
            pltpu.async_copy(h_hbm.at[src_v.at[2 * i + 1]], rows_b, sem_b)
            pltpu.sync_copy(rows_a, acc_sh.at[dst_v.at[2 * i]], add=True)
            pltpu.make_async_copy(h_hbm.at[src_v.at[0]], rows_b, sem_b).wait()

            @pl.when(i < HCH // 2 - 1)
            def _():
                pltpu.async_copy(h_hbm.at[src_v.at[2 * i + 2]], rows_a, sem_a)

            pltpu.sync_copy(rows_b, acc_sh.at[dst_v.at[2 * i + 1]], add=True)
            return carry

        lax.fori_loop(0, HCH // 2, step, 0)
    plsc.subcore_barrier()
    pltpu.sync_copy(acc_sh.at[pl.ds(s * RPT, RPT)], agg_out.at[c].at[pl.ds(s * RPT, RPT)])


def _sc_cnt_body(dst_hbm, cnt_out, dst_v, hist_v):
    c = lax.axis_index("c")
    s = lax.axis_index("s")
    wid = s * NC + c
    zeros16 = jnp.zeros((16,), jnp.float32)
    ones16 = jnp.ones((16,), jnp.float32)

    def zstep(i, carry):
        hist_v[pl.ds(i * 16, 16)] = zeros16
        return carry

    lax.fori_loop(0, NPAD // 16, zstep, 0)

    for half in range(2):
        pltpu.sync_copy(dst_hbm.at[wid].at[half], dst_v)

        def step(i, carry):
            idx = dst_v[i >> 3, pl.ds((i & 7) * 16, 16)]
            plsc.addupdate_scatter(hist_v, [idx], ones16)
            return carry

        lax.fori_loop(0, HCH * CHUNK // 16, step, 0)
    pltpu.sync_copy(hist_v, cnt_out.at[pl.ds(wid * NPAD, NPAD)])


@functools.lru_cache(maxsize=None)
def _get_sc_kernels():
    mesh = plsc.VectorSubcoreMesh(core_axis_name="c", subcore_axis_name="s")
    sc_agg = pl.kernel(
        _sc_agg_body,
        out_type=jax.ShapeDtypeStruct((NC, NPAD, D), jnp.float32),
        mesh=mesh,
        scratch_types=[
            pltpu.VMEM((HCH, CHUNK), jnp.int32),
            pltpu.VMEM((HCH, CHUNK), jnp.int32),
            pltpu.VMEM((CHUNK, D), jnp.float32),
            pltpu.VMEM((CHUNK, D), jnp.float32),
            pltpu.VMEM_SHARED((NPAD, D), jnp.float32),
            pltpu.SemaphoreType.DMA,
            pltpu.SemaphoreType.DMA,
        ],
    )
    sc_cnt = pl.kernel(
        _sc_cnt_body,
        out_type=jax.ShapeDtypeStruct((NW * NPAD,), jnp.float32),
        mesh=mesh,
        scratch_types=[
            pltpu.VMEM((HCH, CHUNK), jnp.int32),
            pltpu.VMEM((NPAD,), jnp.float32),
        ],
        compiler_params=pltpu.CompilerParams(needs_layout_passes=False),
    )
    return sc_agg, sc_cnt


def _tc_layer_first_body(agg_ref, cnt_ref, h_ref, wl_ref, wr_ref, b_ref, g_ref,
                         be_ref, out_ref, inv_ref):
    cnt = jnp.sum(cnt_ref[...], axis=0)
    inv = 1.0 / jnp.maximum(cnt, 1.0)
    inv_ref[...] = inv
    agg3 = (agg_ref[0] + agg_ref[1]).reshape(NPAD // 128, 128, D) * inv[:, :, None]
    agg = agg3.reshape(NPAD, D)[:N]
    z = (jnp.dot(agg, wl_ref[...], preferred_element_type=jnp.float32)
         + jnp.dot(h_ref[...], wr_ref[...], preferred_element_type=jnp.float32)
         + b_ref[...])
    z = jnp.maximum(z, 0.0)
    mu = jnp.mean(z, axis=0, keepdims=True)
    var = jnp.mean((z - mu) ** 2, axis=0, keepdims=True)
    out_ref[...] = (z - mu) * jax.lax.rsqrt(var + EPS) * g_ref[...] + be_ref[...]


def _tc_layer_body(agg_ref, inv_ref, h_ref, wl_ref, wr_ref, b_ref, g_ref,
                   be_ref, out_ref):
    agg3 = (agg_ref[0] + agg_ref[1]).reshape(NPAD // 128, 128, D) * inv_ref[...][:, :, None]
    agg = agg3.reshape(NPAD, D)[:N]
    z = (jnp.dot(agg, wl_ref[...], preferred_element_type=jnp.float32)
         + jnp.dot(h_ref[...], wr_ref[...], preferred_element_type=jnp.float32)
         + b_ref[...])
    z = jnp.maximum(z, 0.0)
    mu = jnp.mean(z, axis=0, keepdims=True)
    var = jnp.mean((z - mu) ** 2, axis=0, keepdims=True)
    out_ref[...] = (z - mu) * jax.lax.rsqrt(var + EPS) * g_ref[...] + be_ref[...]


def _tc_final_body(agg_ref, inv_ref, h_ref, wl_ref, wr_ref, b_ref, g_ref,
                   be_ref, batch_ref, fcw_ref, fcb_ref, out_ref):
    agg3 = (agg_ref[0] + agg_ref[1]).reshape(NPAD // 128, 128, D) * inv_ref[...][:, :, None]
    agg = agg3.reshape(NPAD, D)[:N]
    z = (jnp.dot(agg, wl_ref[...], preferred_element_type=jnp.float32)
         + jnp.dot(h_ref[...], wr_ref[...], preferred_element_type=jnp.float32)
         + b_ref[...])
    z = jnp.maximum(z, 0.0)
    mu = jnp.mean(z, axis=0, keepdims=True)
    var = jnp.mean((z - mu) ** 2, axis=0, keepdims=True)
    h = (z - mu) * jax.lax.rsqrt(var + EPS) * g_ref[...] + be_ref[...]
    gids = jax.lax.broadcasted_iota(jnp.int32, (G, N), 0)
    mask = (gids == batch_ref[...]).astype(jnp.float32)
    pooled = jnp.dot(mask, h, preferred_element_type=jnp.float32)
    logit = jnp.dot(pooled, fcw_ref[...], preferred_element_type=jnp.float32) + fcb_ref[...]
    out_ref[...] = 1.0 / (1.0 + jnp.exp(-logit))


_tc_layer_first = pl.pallas_call(
    _tc_layer_first_body,
    out_shape=(jax.ShapeDtypeStruct((N, D), jnp.float32),
               jax.ShapeDtypeStruct((NPAD // 128, 128), jnp.float32)),
)

_tc_layer = pl.pallas_call(
    _tc_layer_body,
    out_shape=jax.ShapeDtypeStruct((N, D), jnp.float32),
)

_tc_final = pl.pallas_call(
    _tc_final_body,
    out_shape=jax.ShapeDtypeStruct((G, 1), jnp.float32),
)


def kernel(x, edge_index, edge_attr, batch, Wl0, Wr0, b0, g0, be0, Wl1, Wr1,
           b1, g1, be1, Wl2, Wr2, b2, g2, be2, fcW, fcb):
    pad = EPAD - edge_index.shape[1]
    src3 = jnp.concatenate(
        [edge_index[0], jnp.zeros((pad,), jnp.int32)]).reshape(NW, 2, HCH, CHUNK)
    pad_dst = N + jnp.arange(pad, dtype=jnp.int32) % (NPAD - N)
    dst3 = jnp.concatenate([edge_index[1], pad_dst]).reshape(NW, 2, HCH, CHUNK)
    z128 = jnp.zeros((NPAD, D), jnp.float32)
    sc_agg, sc_cnt = _get_sc_kernels()
    cntp = sc_cnt(dst3).reshape(NW, NPAD // 128, 128)
    aggp = sc_agg(x, src3, dst3, z128)
    h1, inv = _tc_layer_first(aggp, cntp, x, Wl0, Wr0, b0.reshape(1, D),
                              g0.reshape(1, D), be0.reshape(1, D))
    aggp = sc_agg(h1, src3, dst3, z128)
    h2 = _tc_layer(aggp, inv, h1, Wl1, Wr1, b1.reshape(1, D),
                   g1.reshape(1, D), be1.reshape(1, D))
    aggp = sc_agg(h2, src3, dst3, z128)
    out = _tc_final(aggp, inv, h2, Wl2, Wr2, b2.reshape(1, D),
                    g2.reshape(1, D), be2.reshape(1, D),
                    batch.reshape(1, N), fcW, fcb.reshape(1, 1))
    return out

# --- scband reference (transcript-rebuilt; emitter-appended) ---
"""Pipeline reference for scband-graph-sage-20633022890229 (READ-ONLY COPY).

The authoritative reference and input builder live on the scoring server;
editing this copy changes nothing except your own understanding.
"""

import jax, jax.numpy as jnp
import numpy as np

N = 10000
E = 320000
D = 128
H = 128
G = 128
EPS = 1e-5


def setup_inputs(seed: int = 0) -> dict:
    key = jax.random.key(seed)
    ks = jax.random.split(key, 24)
    inp = {}
    inp["x"] = jax.random.normal(ks[0], (N, D), dtype=jnp.float32)
    inp["edge_index"] = jax.random.randint(ks[1], (2, E), 0, N, dtype=jnp.int32)
    inp["edge_attr"] = jax.random.normal(ks[2], (E, 4), dtype=jnp.float32)
    inp["batch"] = jnp.sort(jax.random.randint(ks[3], (N,), 0, G, dtype=jnp.int32))
    dims = [(D, H), (H, H), (H, H)]
    ki = 4
    for l, (din, dout) in enumerate(dims):
        s = 1.0 / np.sqrt(din)
        inp[f"Wl{l}"] = jax.random.uniform(ks[ki], (din, dout), minval=-s, maxval=s, dtype=jnp.float32); ki += 1
        inp[f"Wr{l}"] = jax.random.uniform(ks[ki], (din, dout), minval=-s, maxval=s, dtype=jnp.float32); ki += 1
        inp[f"b{l}"] = jax.random.uniform(ks[ki], (dout,), minval=-s, maxval=s, dtype=jnp.float32); ki += 1
        inp[f"g{l}"] = jnp.ones((dout,), dtype=jnp.float32)
        inp[f"be{l}"] = jnp.zeros((dout,), dtype=jnp.float32)
    s = 1.0 / np.sqrt(H)
    inp["fcW"] = jax.random.uniform(ks[ki], (H, 1), minval=-s, maxval=s, dtype=jnp.float32); ki += 1
    inp["fcb"] = jax.random.uniform(ks[ki], (1,), minval=-s, maxval=s, dtype=jnp.float32)
    return inp


def _sage_conv(x, edge_index, Wl, Wr, b):
    src = edge_index[0]
    dst = edge_index[1]
    msg = x[src]  # gather
    agg = jax.ops.segment_sum(msg, dst, num_segments=N)  # scatter-add
    cnt = jax.ops.segment_sum(jnp.ones((msg.shape[0], 1), dtype=x.dtype), dst, num_segments=N)
    agg = agg / jnp.maximum(cnt, 1.0)  # mean aggregation
    return agg @ Wl + x @ Wr + b


def _batch_norm(x, g, be):
    mu = jnp.mean(x, axis=0)
    var = jnp.mean((x - mu) ** 2, axis=0)
    return (x - mu) / jnp.sqrt(var + EPS) * g + be


def reference(x, edge_index, edge_attr, batch, Wl0, Wr0, b0, g0, be0, Wl1, Wr1, b1, g1, be1, Wl2, Wr2, b2, g2, be2, fcW, fcb):
    params = [(Wl0, Wr0, b0, g0, be0), (Wl1, Wr1, b1, g1, be1), (Wl2, Wr2, b2, g2, be2)]
    h = x
    for (Wl, Wr, b, g, be) in params:
        h = _sage_conv(h, edge_index, Wl, Wr, b)
        h = jax.nn.relu(h)
        h = _batch_norm(h, g, be)
    pooled = jax.ops.segment_sum(h, batch, num_segments=G)  # global_add_pool
    out = pooled @ fcW + fcb
    return jax.nn.sigmoid(out)

if __name__ == "__main__":
    import jax
    _d = setup_inputs()
    print(jax.jit(kernel)(*tuple(_d.values())))

</pallas_src>

<mosaic_0001>
#map = affine_map<(d0, d1) -> (0, 0, 0, 0)>
#map1 = affine_map<(d0, d1) -> (0)>
module attributes {stable_mosaic.version = 14 : i64} {
  func.func @_sc_cnt_body(%arg0: i32, %arg1: i32, %arg2: memref<32x2x40x128xi32, #tpu.memory_space<hbm>>, %arg3: memref<327680xf32, #tpu.memory_space<hbm>>, %arg4: memref<40x128xi32, #tpu.memory_space<vmem>>, %arg5: memref<10240xf32, #tpu.memory_space<vmem>>) attributes {dimension_semantics = [#tpu.dimension_semantics<core_parallel>, #tpu.dimension_semantics<subcore_parallel>], iteration_bounds = array<i64: 2, 16>, scalar_prefetch = 0 : i64, scratch_operands = 2 : i64, tpu.core_type = #tpu.core_type<sc_vector_subcore>, window_params = [{transform_indices = #map}, {transform_indices = #map1}]} {
    %mul3A = arith.constant 2 : i32
    %mul3A_0 = arith.muli %arg1, %mul3A : i32
    %add3A = arith.addi %mul3A_0, %arg0 : i32
    %broadcast_in_dim3A = arith.constant 0.000000e+00 : f32
    %broadcast_in_dim3A_1 = vector.broadcast %broadcast_in_dim3A : f32 to vector<16xf32>
    %broadcast_in_dim3A_2 = arith.constant 1.000000e+00 : f32
    %broadcast_in_dim3A_3 = vector.broadcast %broadcast_in_dim3A_2 : f32 to vector<16xf32>
    %scan3A = arith.constant 0 : i32
    %scan3A_4 = arith.constant 0 : i32
    %scan3A_5 = arith.constant 640 : i32
    %scan3A_6 = arith.addi %scan3A_4, %scan3A_5 : i32
    %scan3A_7 = arith.constant 1 : i32
    scf.for %scan3A_24 = %scan3A_4 to %scan3A_6 step %scan3A_7  : i32 {
      %mul3A_25 = arith.constant 16 : i32
      %mul3A_26 = arith.muli %scan3A_24, %mul3A_25 : i32
      %swap3A = arith.index_cast %mul3A_26 : i32 to index
      %swap3A_27 = tpu.vector_load %arg5[%swap3A] {strides = array<i32>} : memref<10240xf32, #tpu.memory_space<vmem>>, vector<16xf32>,
      tpu.vector_store %arg5[%swap3A], %broadcast_in_dim3A_1 {strides = array<i32>} : memref<10240xf32, #tpu.memory_space<vmem>>, vector<16xf32>,
    }
    %scan3A_8 = arith.constant 640 : i32
    %run_scoped3A = arith.constant 0 : i32
    "tpu.region"() ({
      %run_scoped3A_24 = tpu.sem_alloc : memref<!tpu.dma_semaphore, #tpu.memory_space<semaphore_mem>>
      %dma_start3A = arith.constant 0 : i32
      %dma_start3A_25 = arith.constant 0 : i32
      %dma_start3A_26 = arith.constant 0 : i32
      %dma_start3A_27 = tpu.memref_slice %arg2[%add3A, %dma_start3A, %dma_start3A_25, %dma_start3A_26] : memref<32x2x40x128xi32, #tpu.memory_space<hbm>> -> memref<1x2x40x128xi32, #tpu.memory_space<hbm>>
      %dma_start3A_28 = tpu.memref_squeeze %dma_start3A_27 : memref<1x2x40x128xi32, #tpu.memory_space<hbm>> -> memref<2x40x128xi32, #tpu.memory_space<hbm>>
      %dma_start3A_29 = arith.constant 0 : i32
      %dma_start3A_30 = arith.constant 0 : i32
      %dma_start3A_31 = tpu.memref_slice %dma_start3A_28[%run_scoped3A, %dma_start3A_29, %dma_start3A_30] : memref<2x40x128xi32, #tpu.memory_space<hbm>> -> memref<1x40x128xi32, #tpu.memory_space<hbm>>
      %dma_start3A_32 = tpu.memref_squeeze %dma_start3A_31 : memref<1x40x128xi32, #tpu.memory_space<hbm>> -> memref<40x128xi32, #tpu.memory_space<hbm>>
      %dma_start3A_33 = arith.constant 0 : i32
      %dma_start3A_34 = arith.constant 0 : i32
      %dma_start3A_35 = arith.constant 0 : i32
      %dma_start3A_36 = tpu.memref_slice %arg2[%add3A, %dma_start3A_33, %dma_start3A_34, %dma_start3A_35] : memref<32x2x40x128xi32, #tpu.memory_space<hbm>> -> memref<1x2x40x128xi32, #tpu.memory_space<hbm>>
      %dma_start3A_37 = tpu.memref_squeeze %dma_start3A_36 : memref<1x2x40x128xi32, #tpu.memory_space<hbm>> -> memref<2x40x128xi32, #tpu.memory_space<hbm>>
      %dma_start3A_38 = arith.constant 0 : i32
      %dma_start3A_39 = arith.constant 0 : i32
      %dma_start3A_40 = tpu.memref_slice %dma_start3A_37[%run_scoped3A, %dma_start3A_38, %dma_start3A_39] : memref<2x40x128xi32, #tpu.memory_space<hbm>> -> memref<1x40x128xi32, #tpu.memory_space<hbm>>
      %dma_start3A_41 = tpu.memref_squeeze %dma_start3A_40 : memref<1x40x128xi32, #tpu.memory_space<hbm>> -> memref<40x128xi32, #tpu.memory_space<hbm>>
      tpu.enqueue_dma source(%dma_start3A_41 : memref<40x128xi32, #tpu.memory_space<hbm>>) target(%arg4 : memref<40x128xi32, #tpu.memory_space<vmem>>) target_semaphore(%run_scoped3A_24 : memref<!tpu.dma_semaphore, #tpu.memory_space<semaphore_mem>>)
      %dma_wait3A = arith.constant 0 : i32
      %dma_wait3A_42 = arith.constant 0 : i32
      %dma_wait3A_43 = arith.constant 0 : i32
      %dma_wait3A_44 = tpu.memref_slice %arg2[%add3A, %dma_wait3A, %dma_wait3A_42, %dma_wait3A_43] : memref<32x2x40x128xi32, #tpu.memory_space<hbm>> -> memref<1x2x40x128xi32, #tpu.memory_space<hbm>>
      %dma_wait3A_45 = tpu.memref_squeeze %dma_wait3A_44 : memref<1x2x40x128xi32, #tpu.memory_space<hbm>> -> memref<2x40x128xi32, #tpu.memory_space<hbm>>
      %dma_wait3A_46 = arith.constant 0 : i32
      %dma_wait3A_47 = arith.constant 0 : i32
      %dma_wait3A_48 = tpu.memref_slice %dma_wait3A_45[%run_scoped3A, %dma_wait3A_46, %dma_wait3A_47] : memref<2x40x128xi32, #tpu.memory_space<hbm>> -> memref<1x40x128xi32, #tpu.memory_space<hbm>>
      %dma_wait3A_49 = tpu.memref_squeeze %dma_wait3A_48 : memref<1x40x128xi32, #tpu.memory_space<hbm>> -> memref<40x128xi32, #tpu.memory_space<hbm>>
      %dma_wait3A_50 = arith.constant 0 : i32
      %dma_wait3A_51 = arith.constant 0 : i32
      %dma_wait3A_52 = arith.constant 0 : i32
      %dma_wait3A_53 = tpu.memref_slice %arg2[%add3A, %dma_wait3A_50, %dma_wait3A_51, %dma_wait3A_52] : memref<32x2x40x128xi32, #tpu.memory_space<hbm>> -> memref<1x2x40x128xi32, #tpu.memory_space<hbm>>
      %dma_wait3A_54 = tpu.memref_squeeze %dma_wait3A_53 : memref<1x2x40x128xi32, #tpu.memory_space<hbm>> -> memref<2x40x128xi32, #tpu.memory_space<hbm>>
      %dma_wait3A_55 = arith.constant 0 : i32
      %dma_wait3A_56 = arith.constant 0 : i32
      %dma_wait3A_57 = tpu.memref_slice %dma_wait3A_54[%run_scoped3A, %dma_wait3A_55, %dma_wait3A_56] : memref<2x40x128xi32, #tpu.memory_space<hbm>> -> memref<1x40x128xi32, #tpu.memory_space<hbm>>
      %dma_wait3A_58 = tpu.memref_squeeze %dma_wait3A_57 : memref<1x40x128xi32, #tpu.memory_space<hbm>> -> memref<40x128xi32, #tpu.memory_space<hbm>>
      tpu.wait_dma2 semaphore(%run_scoped3A_24 : memref<!tpu.dma_semaphore, #tpu.memory_space<semaphore_mem>>) src(%dma_wait3A_58 : memref<40x128xi32, #tpu.memory_space<hbm>>) dst(%arg4 : memref<40x128xi32, #tpu.memory_space<vmem>>)
      tpu.yield
    }) : () -> ()
    %scan3A_9 = arith.constant 0 : i32
    %scan3A_10 = arith.constant 0 : i32
    %scan3A_11 = arith.constant 320 : i32
    %scan3A_12 = arith.addi %scan3A_10, %scan3A_11 : i32
    %scan3A_13 = arith.constant 1 : i32
    scf.for %scan3A_24 = %scan3A_10 to %scan3A_12 step %scan3A_13  : i32 {
      %shift_right_arithmetic3A = arith.constant 3 : i32
      %shift_right_arithmetic3A_25 = arith.shrsi %scan3A_24, %shift_right_arithmetic3A : i32
      %and3A = arith.constant 7 : i32
      %and3A_26 = arith.andi %scan3A_24, %and3A : i32
      %mul3A_27 = arith.constant 16 : i32
      %mul3A_28 = arith.muli %and3A_26, %mul3A_27 : i32
      %get3A = arith.index_cast %shift_right_arithmetic3A_25 : i32 to index
      %get3A_29 = arith.index_cast %mul3A_28 : i32 to index
      %get3A_30 = tpu.vector_load %arg4[%get3A, %get3A_29] {strides = array<i32>} : memref<40x128xi32, #tpu.memory_space<vmem>>, vector<16xi32>,
      tpu.vector_store_idx %arg5[%get3A_30], %broadcast_in_dim3A_3 {add = true} : memref<10240xf32, #tpu.memory_space<vmem>>[vector<16xi32>], vector<16xf32>,
    }
    %scan3A_14 = arith.constant 320 : i32
    %run_scoped3A_15 = arith.constant 1 : i32
    "tpu.region"() ({
      %run_scoped3A_24 = tpu.sem_alloc : memref<!tpu.dma_semaphore, #tpu.memory_space<semaphore_mem>>
      %dma_start3A = arith.constant 0 : i32
      %dma_start3A_25 = arith.constant 0 : i32
      %dma_start3A_26 = arith.constant 0 : i32
      %dma_start3A_27 = tpu.memref_slice %arg2[%add3A, %dma_start3A, %dma_start3A_25, %dma_start3A_26] : memref<32x2x40x128xi32, #tpu.memory_space<hbm>> -> memref<1x2x40x128xi32, #tpu.memory_space<hbm>>
      %dma_start3A_28 = tpu.memref_squeeze %dma_start3A_27 : memref<1x2x40x128xi32, #tpu.memory_space<hbm>> -> memref<2x40x128xi32, #tpu.memory_space<hbm>>
      %dma_start3A_29 = arith.constant 0 : i32
      %dma_start3A_30 = arith.constant 0 : i32
      %dma_start3A_31 = tpu.memref_slice %dma_start3A_28[%run_scoped3A_15, %dma_start3A_29, %dma_start3A_30] : memref<2x40x128xi32, #tpu.memory_space<hbm>> -> memref<1x40x128xi32, #tpu.memory_space<hbm>>
      %dma_start3A_32 = tpu.memref_squeeze %dma_start3A_31 : memref<1x40x128xi32, #tpu.memory_space<hbm>> -> memref<40x128xi32, #tpu.memory_space<hbm>>
      %dma_start3A_33 = arith.constant 0 : i32
      %dma_start3A_34 = arith.constant 0 : i32
      %dma_start3A_35 = arith.constant 0 : i32
      %dma_start3A_36 = tpu.memref_slice %arg2[%add3A, %dma_start3A_33, %dma_start3A_34, %dma_start3A_35] : memref<32x2x40x128xi32, #tpu.memory_space<hbm>> -> memref<1x2x40x128xi32, #tpu.memory_space<hbm>>
      %dma_start3A_37 = tpu.memref_squeeze %dma_start3A_36 : memref<1x2x40x128xi32, #tpu.memory_space<hbm>> -> memref<2x40x128xi32, #tpu.memory_space<hbm>>
      %dma_start3A_38 = arith.constant 0 : i32
      %dma_start3A_39 = arith.constant 0 : i32
      %dma_start3A_40 = tpu.memref_slice %dma_start3A_37[%run_scoped3A_15, %dma_start3A_38, %dma_start3A_39] : memref<2x40x128xi32, #tpu.memory_space<hbm>> -> memref<1x40x128xi32, #tpu.memory_space<hbm>>
      %dma_start3A_41 = tpu.memref_squeeze %dma_start3A_40 : memref<1x40x128xi32, #tpu.memory_space<hbm>> -> memref<40x128xi32, #tpu.memory_space<hbm>>
      tpu.enqueue_dma source(%dma_start3A_41 : memref<40x128xi32, #tpu.memory_space<hbm>>) target(%arg4 : memref<40x128xi32, #tpu.memory_space<vmem>>) target_semaphore(%run_scoped3A_24 : memref<!tpu.dma_semaphore, #tpu.memory_space<semaphore_mem>>)
      %dma_wait3A = arith.constant 0 : i32
      %dma_wait3A_42 = arith.constant 0 : i32
      %dma_wait3A_43 = arith.constant 0 : i32
      %dma_wait3A_44 = tpu.memref_slice %arg2[%add3A, %dma_wait3A, %dma_wait3A_42, %dma_wait3A_43] : memref<32x2x40x128xi32, #tpu.memory_space<hbm>> -> memref<1x2x40x128xi32, #tpu.memory_space<hbm>>
      %dma_wait3A_45 = tpu.memref_squeeze %dma_wait3A_44 : memref<1x2x40x128xi32, #tpu.memory_space<hbm>> -> memref<2x40x128xi32, #tpu.memory_space<hbm>>
      %dma_wait3A_46 = arith.constant 0 : i32
      %dma_wait3A_47 = arith.constant 0 : i32
      %dma_wait3A_48 = tpu.memref_slice %dma_wait3A_45[%run_scoped3A_15, %dma_wait3A_46, %dma_wait3A_47] : memref<2x40x128xi32, #tpu.memory_space<hbm>> -> memref<1x40x128xi32, #tpu.memory_space<hbm>>
      %dma_wait3A_49 = tpu.memref_squeeze %dma_wait3A_48 : memref<1x40x128xi32, #tpu.memory_space<hbm>> -> memref<40x128xi32, #tpu.memory_space<hbm>>
      %dma_wait3A_50 = arith.constant 0 : i32
      %dma_wait3A_51 = arith.constant 0 : i32
      %dma_wait3A_52 = arith.constant 0 : i32
      %dma_wait3A_53 = tpu.memref_slice %arg2[%add3A, %dma_wait3A_50, %dma_wait3A_51, %dma_wait3A_52] : memref<32x2x40x128xi32, #tpu.memory_space<hbm>> -> memref<1x2x40x128xi32, #tpu.memory_space<hbm>>
      %dma_wait3A_54 = tpu.memref_squeeze %dma_wait3A_53 : memref<1x2x40x128xi32, #tpu.memory_space<hbm>> -> memref<2x40x128xi32, #tpu.memory_space<hbm>>
      %dma_wait3A_55 = arith.constant 0 : i32
      %dma_wait3A_56 = arith.constant 0 : i32
      %dma_wait3A_57 = tpu.memref_slice %dma_wait3A_54[%run_scoped3A_15, %dma_wait3A_55, %dma_wait3A_56] : memref<2x40x128xi32, #tpu.memory_space<hbm>> -> memref<1x40x128xi32, #tpu.memory_space<hbm>>
      %dma_wait3A_58 = tpu.memref_squeeze %dma_wait3A_57 : memref<1x40x128xi32, #tpu.memory_space<hbm>> -> memref<40x128xi32, #tpu.memory_space<hbm>>
      tpu.wait_dma2 semaphore(%run_scoped3A_24 : memref<!tpu.dma_semaphore, #tpu.memory_space<semaphore_mem>>) src(%dma_wait3A_58 : memref<40x128xi32, #tpu.memory_space<hbm>>) dst(%arg4 : memref<40x128xi32, #tpu.memory_space<vmem>>)
      tpu.yield
    }) : () -> ()
    %scan3A_16 = arith.constant 0 : i32
    %scan3A_17 = arith.constant 0 : i32
    %scan3A_18 = arith.constant 320 : i32
    %scan3A_19 = arith.addi %scan3A_17, %scan3A_18 : i32
    %scan3A_20 = arith.constant 1 : i32
    scf.for %scan3A_24 = %scan3A_17 to %scan3A_19 step %scan3A_20  : i32 {
      %shift_right_arithmetic3A = arith.constant 3 : i32
      %shift_right_arithmetic3A_25 = arith.shrsi %scan3A_24, %shift_right_arithmetic3A : i32
      %and3A = arith.constant 7 : i32
      %and3A_26 = arith.andi %scan3A_24, %and3A : i32
      %mul3A_27 = arith.constant 16 : i32
      %mul3A_28 = arith.muli %and3A_26, %mul3A_27 : i32
      %get3A = arith.index_cast %shift_right_arithmetic3A_25 : i32 to index
      %get3A_29 = arith.index_cast %mul3A_28 : i32 to index
      %get3A_30 = tpu.vector_load %arg4[%get3A, %get3A_29] {strides = array<i32>} : memref<40x128xi32, #tpu.memory_space<vmem>>, vector<16xi32>,
      tpu.vector_store_idx %arg5[%get3A_30], %broadcast_in_dim3A_3 {add = true} : memref<10240xf32, #tpu.memory_space<vmem>>[vector<16xi32>], vector<16xf32>,
    }
    %scan3A_21 = arith.constant 320 : i32
    %mul3A_22 = arith.constant 10240 : i32
    %mul3A_23 = arith.muli %add3A, %mul3A_22 : i32
    "tpu.region"() ({
      %run_scoped3A_24 = tpu.sem_alloc : memref<!tpu.dma_semaphore, #tpu.memory_space<semaphore_mem>>
      %dma_start3A = tpu.memref_slice %arg3[%mul3A_23] : memref<327680xf32, #tpu.memory_space<hbm>> -> memref<10240xf32, #tpu.memory_space<hbm>>
      %dma_start3A_25 = tpu.memref_slice %arg3[%mul3A_23] : memref<327680xf32, #tpu.memory_space<hbm>> -> memref<10240xf32, #tpu.memory_space<hbm>>
      tpu.enqueue_dma source(%arg5 : memref<10240xf32, #tpu.memory_space<vmem>>) target(%dma_start3A_25 : memref<10240xf32, #tpu.memory_space<hbm>>) target_semaphore(%run_scoped3A_24 : memref<!tpu.dma_semaphore, #tpu.memory_space<semaphore_mem>>)
      %dma_wait3A = tpu.memref_slice %arg3[%mul3A_23] : memref<327680xf32, #tpu.memory_space<hbm>> -> memref<10240xf32, #tpu.memory_space<hbm>>
      %dma_wait3A_26 = tpu.memref_slice %arg3[%mul3A_23] : memref<327680xf32, #tpu.memory_space<hbm>> -> memref<10240xf32, #tpu.memory_space<hbm>>
      tpu.wait_dma2 semaphore(%run_scoped3A_24 : memref<!tpu.dma_semaphore, #tpu.memory_space<semaphore_mem>>) src(%arg5 : memref<10240xf32, #tpu.memory_space<vmem>>) dst(%dma_wait3A_26 : memref<10240xf32, #tpu.memory_space<hbm>>)
      tpu.yield
    }) : () -> ()
    return
  }
}

#map = affine_map<(d0, d1) -> (0, 0)>
#map1 = affine_map<(d0, d1) -> (0, 0, 0, 0)>
#map2 = affine_map<(d0, d1) -> (0, 0, 0)>
module attributes {stable_mosaic.version = 14 : i64} {
  func.func @_sc_agg_body(%arg0: i32, %arg1: i32, %arg2: memref<10000x128xf32, #tpu.memory_space<hbm>>, %arg3: memref<32x2x40x128xi32, #tpu.memory_space<hbm>>, %arg4: memref<32x2x40x128xi32, #tpu.memory_space<hbm>>, %arg5: memref<10240x128xf32, #tpu.memory_space<hbm>>, %arg6: memref<2x10240x128xf32, #tpu.memory_space<hbm>>, %arg7: memref<40x128xi32, #tpu.memory_space<vmem>>, %arg8: memref<40x128xi32, #tpu.memory_space<vmem>>, %arg9: memref<128x128xf32, #tpu.memory_space<vmem>>, %arg10: memref<128x128xf32, #tpu.memory_space<vmem>>, %arg11: memref<10240x128xf32, #tpu.memory_space<vmem_shared>>, %arg12: memref<!tpu.dma_semaphore, #tpu.memory_space<semaphore_mem>>, %arg13: memref<!tpu.dma_semaphore, #tpu.memory_space<semaphore_mem>>) attributes {dimension_semantics = [#tpu.dimension_semantics<core_parallel>, #tpu.dimension_semantics<subcore_parallel>], iteration_bounds = array<i64: 2, 16>, scalar_prefetch = 0 : i64, scratch_operands = 7 : i64, tpu.core_type = #tpu.core_type<sc_vector_subcore>, window_params = [{transform_indices = #map}, {transform_indices = #map1}, {transform_indices = #map1}, {transform_indices = #map}, {transform_indices = #map2}]} {
    %mul3A = arith.constant 2 : i32
    %mul3A_0 = arith.muli %arg1, %mul3A : i32
    %add3A = arith.addi %mul3A_0, %arg0 : i32
    %mul3A_1 = arith.constant 640 : i32
    %mul3A_2 = arith.muli %arg1, %mul3A_1 : i32
    %mul3A_3 = arith.constant 640 : i32
    %mul3A_4 = arith.muli %arg1, %mul3A_3 : i32
    "tpu.region"() ({
      %run_scoped3A_37 = tpu.sem_alloc : memref<!tpu.dma_semaphore, #tpu.memory_space<semaphore_mem>>
      %dma_start3A_38 = arith.constant 0 : i32
      %dma_start3A_39 = tpu.memref_slice %arg11[%mul3A_4, %dma_start3A_38] : memref<10240x128xf32, #tpu.memory_space<vmem_shared>> -> memref<640x128xf32, #tpu.memory_space<vmem_shared>>
      %dma_start3A_40 = arith.constant 0 : i32
      %dma_start3A_41 = tpu.memref_slice %arg5[%mul3A_2, %dma_start3A_40] : memref<10240x128xf32, #tpu.memory_space<hbm>> -> memref<640x128xf32, #tpu.memory_space<hbm>>
      tpu.enqueue_dma source(%dma_start3A_41 : memref<640x128xf32, #tpu.memory_space<hbm>>) target(%dma_start3A_39 : memref<640x128xf32, #tpu.memory_space<vmem_shared>>) target_semaphore(%run_scoped3A_37 : memref<!tpu.dma_semaphore, #tpu.memory_space<semaphore_mem>>)
      %dma_wait3A = arith.constant 0 : i32
      %dma_wait3A_42 = tpu.memref_slice %arg11[%mul3A_4, %dma_wait3A] : memref<10240x128xf32, #tpu.memory_space<vmem_shared>> -> memref<640x128xf32, #tpu.memory_space<vmem_shared>>
      %dma_wait3A_43 = arith.constant 0 : i32
      %dma_wait3A_44 = tpu.memref_slice %arg5[%mul3A_2, %dma_wait3A_43] : memref<10240x128xf32, #tpu.memory_space<hbm>> -> memref<640x128xf32, #tpu.memory_space<hbm>>
      tpu.wait_dma2 semaphore(%run_scoped3A_37 : memref<!tpu.dma_semaphore, #tpu.memory_space<semaphore_mem>>) src(%dma_wait3A_44 : memref<640x128xf32, #tpu.memory_space<hbm>>) dst(%dma_wait3A_42 : memref<640x128xf32, #tpu.memory_space<vmem_shared>>)
      tpu.yield
    }) : () -> ()
    %barrier3A = arith.constant 0 : index
    tpu.barrier barrier_id(%barrier3A)
    %run_scoped3A = arith.constant 0 : i32
    "tpu.region"() ({
      %run_scoped3A_37 = tpu.sem_alloc : memref<!tpu.dma_semaphore, #tpu.memory_space<semaphore_mem>>
      %dma_start3A_38 = arith.constant 0 : i32
      %dma_start3A_39 = arith.constant 0 : i32
      %dma_start3A_40 = arith.constant 0 : i32
      %dma_start3A_41 = tpu.memref_slice %arg3[%add3A, %dma_start3A_38, %dma_start3A_39, %dma_start3A_40] : memref<32x2x40x128xi32, #tpu.memory_space<hbm>> -> memref<1x2x40x128xi32, #tpu.memory_space<hbm>>
      %dma_start3A_42 = tpu.memref_squeeze %dma_start3A_41 : memref<1x2x40x128xi32, #tpu.memory_space<hbm>> -> memref<2x40x128xi32, #tpu.memory_space<hbm>>
      %dma_start3A_43 = arith.constant 0 : i32
      %dma_start3A_44 = arith.constant 0 : i32
      %dma_start3A_45 = tpu.memref_slice %dma_start3A_42[%run_scoped3A, %dma_start3A_43, %dma_start3A_44] : memref<2x40x128xi32, #tpu.memory_space<hbm>> -> memref<1x40x128xi32, #tpu.memory_space<hbm>>
      %dma_start3A_46 = tpu.memref_squeeze %dma_start3A_45 : memref<1x40x128xi32, #tpu.memory_space<hbm>> -> memref<40x128xi32, #tpu.memory_space<hbm>>
      %dma_start3A_47 = arith.constant 0 : i32
      %dma_start3A_48 = arith.constant 0 : i32
      %dma_start3A_49 = arith.constant 0 : i32
      %dma_start3A_50 = tpu.memref_slice %arg3[%add3A, %dma_start3A_47, %dma_start3A_48, %dma_start3A_49] : memref<32x2x40x128xi32, #tpu.memory_space<hbm>> -> memref<1x2x40x128xi32, #tpu.memory_space<hbm>>
      %dma_start3A_51 = tpu.memref_squeeze %dma_start3A_50 : memref<1x2x40x128xi32, #tpu.memory_space<hbm>> -> memref<2x40x128xi32, #tpu.memory_space<hbm>>
      %dma_start3A_52 = arith.constant 0 : i32
      %dma_start3A_53 = arith.constant 0 : i32
      %dma_start3A_54 = tpu.memref_slice %dma_start3A_51[%run_scoped3A, %dma_start3A_52, %dma_start3A_53] : memref<2x40x128xi32, #tpu.memory_space<hbm>> -> memref<1x40x128xi32, #tpu.memory_space<hbm>>
      %dma_start3A_55 = tpu.memref_squeeze %dma_start3A_54 : memref<1x40x128xi32, #tpu.memory_space<hbm>> -> memref<40x128xi32, #tpu.memory_space<hbm>>
      tpu.enqueue_dma source(%dma_start3A_55 : memref<40x128xi32, #tpu.memory_space<hbm>>) target(%arg7 : memref<40x128xi32, #tpu.memory_space<vmem>>) target_semaphore(%run_scoped3A_37 : memref<!tpu.dma_semaphore, #tpu.memory_space<semaphore_mem>>)
      %dma_wait3A = arith.constant 0 : i32
      %dma_wait3A_56 = arith.constant 0 : i32
      %dma_wait3A_57 = arith.constant 0 : i32
      %dma_wait3A_58 = tpu.memref_slice %arg3[%add3A, %dma_wait3A, %dma_wait3A_56, %dma_wait3A_57] : memref<32x2x40x128xi32, #tpu.memory_space<hbm>> -> memref<1x2x40x128xi32, #tpu.memory_space<hbm>>
      %dma_wait3A_59 = tpu.memref_squeeze %dma_wait3A_58 : memref<1x2x40x128xi32, #tpu.memory_space<hbm>> -> memref<2x40x128xi32, #tpu.memory_space<hbm>>
      %dma_wait3A_60 = arith.constant 0 : i32
      %dma_wait3A_61 = arith.constant 0 : i32
      %dma_wait3A_62 = tpu.memref_slice %dma_wait3A_59[%run_scoped3A, %dma_wait3A_60, %dma_wait3A_61] : memref<2x40x128xi32, #tpu.memory_space<hbm>> -> memref<1x40x128xi32, #tpu.memory_space<hbm>>
      %dma_wait3A_63 = tpu.memref_squeeze %dma_wait3A_62 : memref<1x40x128xi32, #tpu.memory_space<hbm>> -> memref<40x128xi32, #tpu.memory_space<hbm>>
      %dma_wait3A_64 = arith.constant 0 : i32
      %dma_wait3A_65 = arith.constant 0 : i32
      %dma_wait3A_66 = arith.constant 0 : i32
      %dma_wait3A_67 = tpu.memref_slice %arg3[%add3A, %dma_wait3A_64, %dma_wait3A_65, %dma_wait3A_66] : memref<32x2x40x128xi32, #tpu.memory_space<hbm>> -> memref<1x2x40x128xi32, #tpu.memory_space<hbm>>
      %dma_wait3A_68 = tpu.memref_squeeze %dma_wait3A_67 : memref<1x2x40x128xi32, #tpu.memory_space<hbm>> -> memref<2x40x128xi32, #tpu.memory_space<hbm>>
      %dma_wait3A_69 = arith.constant 0 : i32
      %dma_wait3A_70 = arith.constant 0 : i32
      %dma_wait3A_71 = tpu.memref_slice %dma_wait3A_68[%run_scoped3A, %dma_wait3A_69, %dma_wait3A_70] : memref<2x40x128xi32, #tpu.memory_space<hbm>> -> memref<1x40x128xi32, #tpu.memory_space<hbm>>
      %dma_wait3A_72 = tpu.memref_squeeze %dma_wait3A_71 : memref<1x40x128xi32, #tpu.memory_space<hbm>> -> memref<40x128xi32, #tpu.memory_space<hbm>>
      tpu.wait_dma2 semaphore(%run_scoped3A_37 : memref<!tpu.dma_semaphore, #tpu.memory_space<semaphore_mem>>) src(%dma_wait3A_72 : memref<40x128xi32, #tpu.memory_space<hbm>>) dst(%arg7 : memref<40x128xi32, #tpu.memory_space<vmem>>)
      tpu.yield
    }) : () -> ()
    %run_scoped3A_5 = arith.constant 0 : i32
    "tpu.region"() ({
      %run_scoped3A_37 = tpu.sem_alloc : memref<!tpu.dma_semaphore, #tpu.memory_space<semaphore_mem>>
      %dma_start3A_38 = arith.constant 0 : i32
      %dma_start3A_39 = arith.constant 0 : i32
      %dma_start3A_40 = arith.constant 0 : i32
      %dma_start3A_41 = tpu.memref_slice %arg4[%add3A, %dma_start3A_38, %dma_start3A_39, %dma_start3A_40] : memref<32x2x40x128xi32, #tpu.memory_space<hbm>> -> memref<1x2x40x128xi32, #tpu.memory_space<hbm>>
      %dma_start3A_42 = tpu.memref_squeeze %dma_start3A_41 : memref<1x2x40x128xi32, #tpu.memory_space<hbm>> -> memref<2x40x128xi32, #tpu.memory_space<hbm>>
      %dma_start3A_43 = arith.constant 0 : i32
      %dma_start3A_44 = arith.constant 0 : i32
      %dma_start3A_45 = tpu.memref_slice %dma_start3A_42[%run_scoped3A_5, %dma_start3A_43, %dma_start3A_44] : memref<2x40x128xi32, #tpu.memory_space<hbm>> -> memref<1x40x128xi32, #tpu.memory_space<hbm>>
      %dma_start3A_46 = tpu.memref_squeeze %dma_start3A_45 : memref<1x40x128xi32, #tpu.memory_space<hbm>> -> memref<40x128xi32, #tpu.memory_space<hbm>>
      %dma_start3A_47 = arith.constant 0 : i32
      %dma_start3A_48 = arith.constant 0 : i32
      %dma_start3A_49 = arith.constant 0 : i32
      %dma_start3A_50 = tpu.memref_slice %arg4[%add3A, %dma_start3A_47, %dma_start3A_48, %dma_start3A_49] : memref<32x2x40x128xi32, #tpu.memory_space<hbm>> -> memref<1x2x40x128xi32, #tpu.memory_space<hbm>>
      %dma_start3A_51 = tpu.memref_squeeze %dma_start3A_50 : memref<1x2x40x128xi32, #tpu.memory_space<hbm>> -> memref<2x40x128xi32, #tpu.memory_space<hbm>>
      %dma_start3A_52 = arith.constant 0 : i32
      %dma_start3A_53 = arith.constant 0 : i32
      %dma_start3A_54 = tpu.memref_slice %dma_start3A_51[%run_scoped3A_5, %dma_start3A_52, %dma_start3A_53] : memref<2x40x128xi32, #tpu.memory_space<hbm>> -> memref<1x40x128xi32, #tpu.memory_space<hbm>>
      %dma_start3A_55 = tpu.memref_squeeze %dma_start3A_54 : memref<1x40x128xi32, #tpu.memory_space<hbm>> -> memref<40x128xi32, #tpu.memory_space<hbm>>
      tpu.enqueue_dma source(%dma_start3A_55 : memref<40x128xi32, #tpu.memory_space<hbm>>) target(%arg8 : memref<40x128xi32, #tpu.memory_space<vmem>>) target_semaphore(%run_scoped3A_37 : memref<!tpu.dma_semaphore, #tpu.memory_space<semaphore_mem>>)
      %dma_wait3A = arith.constant 0 : i32
      %dma_wait3A_56 = arith.constant 0 : i32
      %dma_wait3A_57 = arith.constant 0 : i32
      %dma_wait3A_58 = tpu.memref_slice %arg4[%add3A, %dma_wait3A, %dma_wait3A_56, %dma_wait3A_57] : memref<32x2x40x128xi32, #tpu.memory_space<hbm>> -> memref<1x2x40x128xi32, #tpu.memory_space<hbm>>
      %dma_wait3A_59 = tpu.memref_squeeze %dma_wait3A_58 : memref<1x2x40x128xi32, #tpu.memory_space<hbm>> -> memref<2x40x128xi32, #tpu.memory_space<hbm>>
      %dma_wait3A_60 = arith.constant 0 : i32
      %dma_wait3A_61 = arith.constant 0 : i32
      %dma_wait3A_62 = tpu.memref_slice %dma_wait3A_59[%run_scoped3A_5, %dma_wait3A_60, %dma_wait3A_61] : memref<2x40x128xi32, #tpu.memory_space<hbm>> -> memref<1x40x128xi32, #tpu.memory_space<hbm>>
      %dma_wait3A_63 = tpu.memref_squeeze %dma_wait3A_62 : memref<1x40x128xi32, #tpu.memory_space<hbm>> -> memref<40x128xi32, #tpu.memory_space<hbm>>
      %dma_wait3A_64 = arith.constant 0 : i32
      %dma_wait3A_65 = arith.constant 0 : i32
      %dma_wait3A_66 = arith.constant 0 : i32
      %dma_wait3A_67 = tpu.memref_slice %arg4[%add3A, %dma_wait3A_64, %dma_wait3A_65, %dma_wait3A_66] : memref<32x2x40x128xi32, #tpu.memory_space<hbm>> -> memref<1x2x40x128xi32, #tpu.memory_space<hbm>>
      %dma_wait3A_68 = tpu.memref_squeeze %dma_wait3A_67 : memref<1x2x40x128xi32, #tpu.memory_space<hbm>> -> memref<2x40x128xi32, #tpu.memory_space<hbm>>
      %dma_wait3A_69 = arith.constant 0 : i32
      %dma_wait3A_70 = arith.constant 0 : i32
      %dma_wait3A_71 = tpu.memref_slice %dma_wait3A_68[%run_scoped3A_5, %dma_wait3A_69, %dma_wait3A_70] : memref<2x40x128xi32, #tpu.memory_space<hbm>> -> memref<1x40x128xi32, #tpu.memory_space<hbm>>
      %dma_wait3A_72 = tpu.memref_squeeze %dma_wait3A_71 : memref<1x40x128xi32, #tpu.memory_space<hbm>> -> memref<40x128xi32, #tpu.memory_space<hbm>>
      tpu.wait_dma2 semaphore(%run_scoped3A_37 : memref<!tpu.dma_semaphore, #tpu.memory_space<semaphore_mem>>) src(%dma_wait3A_72 : memref<40x128xi32, #tpu.memory_space<hbm>>) dst(%arg8 : memref<40x128xi32, #tpu.memory_space<vmem>>)
      tpu.yield
    }) : () -> ()
    %dma_start3A = arith.constant 0 : i32
    %dma_start3A_6 = arith.constant 0 : i32
    %dma_start3A_7 = tpu.memref_slice %arg7[%dma_start3A, %dma_start3A_6] : memref<40x128xi32, #tpu.memory_space<vmem>> -> memref<1x128xi32, #tpu.memory_space<vmem>>
    %dma_start3A_8 = tpu.memref_squeeze %dma_start3A_7 : memref<1x128xi32, #tpu.memory_space<vmem>> -> memref<128xi32, #tpu.memory_space<vmem>>
    %dma_start3A_9 = arith.constant 0 : i32
    %dma_start3A_10 = arith.constant 0 : i32
    %dma_start3A_11 = tpu.memref_slice %arg2[%dma_start3A_9, %dma_start3A_10] : memref<10000x128xf32, #tpu.memory_space<hbm>> -> memref<10000x128xf32, #tpu.memory_space<hbm>>
    tpu.enqueue_indirect_dma source(%dma_start3A_11 : memref<10000x128xf32, #tpu.memory_space<hbm>>) target(%arg9 : memref<128x128xf32, #tpu.memory_space<vmem>>) offsets(%dma_start3A_8 : memref<128xi32, #tpu.memory_space<vmem>>) semaphore(%arg12 : memref<!tpu.dma_semaphore, #tpu.memory_space<semaphore_mem>>)
    %scan3A = arith.constant 0 : i32
    %scan3A_12 = arith.constant 0 : i32
    %scan3A_13 = arith.constant 20 : i32
    %scan3A_14 = arith.addi %scan3A_12, %scan3A_13 : i32
    %scan3A_15 = arith.constant 1 : i32
    scf.for %scan3A_37 = %scan3A_12 to %scan3A_14 step %scan3A_15  : i32 {
      %dma_wait3A = arith.constant 0 : i32
      %dma_wait3A_38 = arith.constant 0 : i32
      %dma_wait3A_39 = tpu.memref_slice %arg7[%dma_wait3A, %dma_wait3A_38] : memref<40x128xi32, #tpu.memory_space<vmem>> -> memref<1x128xi32, #tpu.memory_space<vmem>>
      %dma_wait3A_40 = tpu.memref_squeeze %dma_wait3A_39 : memref<1x128xi32, #tpu.memory_space<vmem>> -> memref<128xi32, #tpu.memory_space<vmem>>
      %dma_wait3A_41 = arith.constant 0 : i32
      %dma_wait3A_42 = arith.constant 0 : i32
      %dma_wait3A_43 = tpu.memref_slice %arg2[%dma_wait3A_41, %dma_wait3A_42] : memref<10000x128xf32, #tpu.memory_space<hbm>> -> memref<10000x128xf32, #tpu.memory_space<hbm>>
      tpu.wait_indirect_dma semaphore(%arg12 : memref<!tpu.dma_semaphore, #tpu.memory_space<semaphore_mem>>) src(%dma_wait3A_43 : memref<10000x128xf32, #tpu.memory_space<hbm>>) dst(%arg9 : memref<128x128xf32, #tpu.memory_space<vmem>>)
      %mul3A_44 = arith.constant 2 : i32
      %mul3A_45 = arith.muli %mul3A_44, %scan3A_37 : i32
      %add3A_46 = arith.constant 1 : i32
      %add3A_47 = arith.addi %mul3A_45, %add3A_46 : i32
      %dma_start3A_48 = arith.constant 0 : i32
      %dma_start3A_49 = tpu.memref_slice %arg7[%add3A_47, %dma_start3A_48] : memref<40x128xi32, #tpu.memory_space<vmem>> -> memref<1x128xi32, #tpu.memory_space<vmem>>
      %dma_start3A_50 = tpu.memref_squeeze %dma_start3A_49 : memref<1x128xi32, #tpu.memory_space<vmem>> -> memref<128xi32, #tpu.memory_space<vmem>>
      %dma_start3A_51 = arith.constant 0 : i32
      %dma_start3A_52 = arith.constant 0 : i32
      %dma_start3A_53 = tpu.memref_slice %arg2[%dma_start3A_51, %dma_start3A_52] : memref<10000x128xf32, #tpu.memory_space<hbm>> -> memref<10000x128xf32, #tpu.memory_space<hbm>>
      tpu.enqueue_indirect_dma source(%dma_start3A_53 : memref<10000x128xf32, #tpu.memory_space<hbm>>) target(%arg10 : memref<128x128xf32, #tpu.memory_space<vmem>>) offsets(%dma_start3A_50 : memref<128xi32, #tpu.memory_space<vmem>>) semaphore(%arg13 : memref<!tpu.dma_semaphore, #tpu.memory_space<semaphore_mem>>)
      %mul3A_54 = arith.constant 2 : i32
      %mul3A_55 = arith.muli %mul3A_54, %scan3A_37 : i32
      "tpu.region"() ({
        %run_scoped3A_69 = tpu.sem_alloc : memref<!tpu.dma_semaphore, #tpu.memory_space<semaphore_mem>>
        %dma_start3A_70 = arith.constant 0 : i32
        %dma_start3A_71 = tpu.memref_slice %arg8[%mul3A_55, %dma_start3A_70] : memref<40x128xi32, #tpu.memory_space<vmem>> -> memref<1x128xi32, #tpu.memory_space<vmem>>
        %dma_start3A_72 = tpu.memref_squeeze %dma_start3A_71 : memref<1x128xi32, #tpu.memory_space<vmem>> -> memref<128xi32, #tpu.memory_space<vmem>>
        %dma_start3A_73 = arith.constant 0 : i32
        %dma_start3A_74 = arith.constant 0 : i32
        %dma_start3A_75 = tpu.memref_slice %arg11[%dma_start3A_73, %dma_start3A_74] : memref<10240x128xf32, #tpu.memory_space<vmem_shared>> -> memref<10240x128xf32, #tpu.memory_space<vmem_shared>>
        tpu.enqueue_indirect_dma source(%arg9 : memref<128x128xf32, #tpu.memory_space<vmem>>) target(%dma_start3A_75 : memref<10240x128xf32, #tpu.memory_space<vmem_shared>>) offsets(%dma_start3A_72 : memref<128xi32, #tpu.memory_space<vmem>>) semaphore(%run_scoped3A_69 : memref<!tpu.dma_semaphore, #tpu.memory_space<semaphore_mem>>) {add = true}
        %dma_wait3A_76 = arith.constant 0 : i32
        %dma_wait3A_77 = tpu.memref_slice %arg8[%mul3A_55, %dma_wait3A_76] : memref<40x128xi32, #tpu.memory_space<vmem>> -> memref<1x128xi32, #tpu.memory_space<vmem>>
        %dma_wait3A_78 = tpu.memref_squeeze %dma_wait3A_77 : memref<1x128xi32, #tpu.memory_space<vmem>> -> memref<128xi32, #tpu.memory_space<vmem>>
        %dma_wait3A_79 = arith.constant 0 : i32
        %dma_wait3A_80 = arith.constant 0 : i32
        %dma_wait3A_81 = tpu.memref_slice %arg11[%dma_wait3A_79, %dma_wait3A_80] : memref<10240x128xf32, #tpu.memory_space<vmem_shared>> -> memref<10240x128xf32, #tpu.memory_space<vmem_shared>>
        tpu.wait_indirect_dma semaphore(%run_scoped3A_69 : memref<!tpu.dma_semaphore, #tpu.memory_space<semaphore_mem>>) src(%arg9 : memref<128x128xf32, #tpu.memory_space<vmem>>) dst(%dma_wait3A_81 : memref<10240x128xf32, #tpu.memory_space<vmem_shared>>)
        tpu.yield
      }) : () -> ()
      %dma_wait3A_56 = arith.constant 0 : i32
      %dma_wait3A_57 = arith.constant 0 : i32
      %dma_wait3A_58 = tpu.memref_slice %arg7[%dma_wait3A_56, %dma_wait3A_57] : memref<40x128xi32, #tpu.memory_space<vmem>> -> memref<1x128xi32, #tpu.memory_space<vmem>>
      %dma_wait3A_59 = tpu.memref_squeeze %dma_wait3A_58 : memref<1x128xi32, #tpu.memory_space<vmem>> -> memref<128xi32, #tpu.memory_space<vmem>>
      %dma_wait3A_60 = arith.constant 0 : i32
      %dma_wait3A_61 = arith.constant 0 : i32
      %dma_wait3A_62 = tpu.memref_slice %arg2[%dma_wait3A_60, %dma_wait3A_61] : memref<10000x128xf32, #tpu.memory_space<hbm>> -> memref<10000x128xf32, #tpu.memory_space<hbm>>
      tpu.wait_indirect_dma semaphore(%arg13 : memref<!tpu.dma_semaphore, #tpu.memory_space<semaphore_mem>>) src(%dma_wait3A_62 : memref<10000x128xf32, #tpu.memory_space<hbm>>) dst(%arg10 : memref<128x128xf32, #tpu.memory_space<vmem>>)
      %lt3A = arith.constant 19 : i32
      %lt3A_63 = arith.cmpi slt, %scan3A_37, %lt3A : i32
      %convert_element_type3A = arith.extui %lt3A_63 : i1 to i32
      %cond3A = arith.constant 0 : i32
      %cond3A_64 = arith.cmpi ne, %convert_element_type3A, %cond3A : i32
      scf.if %cond3A_64 {
        %mul3A_69 = arith.constant 2 : i32
        %mul3A_70 = arith.muli %mul3A_69, %scan3A_37 : i32
        %add3A_71 = arith.constant 2 : i32
        %add3A_72 = arith.addi %mul3A_70, %add3A_71 : i32
        %dma_start3A_73 = arith.constant 0 : i32
        %dma_start3A_74 = tpu.memref_slice %arg7[%add3A_72, %dma_start3A_73] : memref<40x128xi32, #tpu.memory_space<vmem>> -> memref<1x128xi32, #tpu.memory_space<vmem>>
        %dma_start3A_75 = tpu.memref_squeeze %dma_start3A_74 : memref<1x128xi32, #tpu.memory_space<vmem>> -> memref<128xi32, #tpu.memory_space<vmem>>
        %dma_start3A_76 = arith.constant 0 : i32
        %dma_start3A_77 = arith.constant 0 : i32
        %dma_start3A_78 = tpu.memref_slice %arg2[%dma_start3A_76, %dma_start3A_77] : memref<10000x128xf32, #tpu.memory_space<hbm>> -> memref<10000x128xf32, #tpu.memory_space<hbm>>
        tpu.enqueue_indirect_dma source(%dma_start3A_78 : memref<10000x128xf32, #tpu.memory_space<hbm>>) target(%arg9 : memref<128x128xf32, #tpu.memory_space<vmem>>) offsets(%dma_start3A_75 : memref<128xi32, #tpu.memory_space<vmem>>) semaphore(%arg12 : memref<!tpu.dma_semaphore, #tpu.memory_space<semaphore_mem>>)
      } else {
      }
      %mul3A_65 = arith.constant 2 : i32
      %mul3A_66 = arith.muli %mul3A_65, %scan3A_37 : i32
      %add3A_67 = arith.constant 1 : i32
      %add3A_68 = arith.addi %mul3A_66, %add3A_67 : i32
      "tpu.region"() ({
        %run_scoped3A_69 = tpu.sem_alloc : memref<!tpu.dma_semaphore, #tpu.memory_space<semaphore_mem>>
        %dma_start3A_70 = arith.constant 0 : i32
        %dma_start3A_71 = tpu.memref_slice %arg8[%add3A_68, %dma_start3A_70] : memref<40x128xi32, #tpu.memory_space<vmem>> -> memref<1x128xi32, #tpu.memory_space<vmem>>
        %dma_start3A_72 = tpu.memref_squeeze %dma_start3A_71 : memref<1x128xi32, #tpu.memory_space<vmem>> -> memref<128xi32, #tpu.memory_space<vmem>>
        %dma_start3A_73 = arith.constant 0 : i32
        %dma_start3A_74 = arith.constant 0 : i32
        %dma_start3A_75 = tpu.memref_slice %arg11[%dma_start3A_73, %dma_start3A_74] : memref<10240x128xf32, #tpu.memory_space<vmem_shared>> -> memref<10240x128xf32, #tpu.memory_space<vmem_shared>>
        tpu.enqueue_indirect_dma source(%arg10 : memref<128x128xf32, #tpu.memory_space<vmem>>) target(%dma_start3A_75 : memref<10240x128xf32, #tpu.memory_space<vmem_shared>>) offsets(%dma_start3A_72 : memref<128xi32, #tpu.memory_space<vmem>>) semaphore(%run_scoped3A_69 : memref<!tpu.dma_semaphore, #tpu.memory_space<semaphore_mem>>) {add = true}
        %dma_wait3A_76 = arith.constant 0 : i32
        %dma_wait3A_77 = tpu.memref_slice %arg8[%add3A_68, %dma_wait3A_76] : memref<40x128xi32, #tpu.memory_space<vmem>> -> memref<1x128xi32, #tpu.memory_space<vmem>>
        %dma_wait3A_78 = tpu.memref_squeeze %dma_wait3A_77 : memref<1x128xi32, #tpu.memory_space<vmem>> -> memref<128xi32, #tpu.memory_space<vmem>>
        %dma_wait3A_79 = arith.constant 0 : i32
        %dma_wait3A_80 = arith.constant 0 : i32
        %dma_wait3A_81 = tpu.memref_slice %arg11[%dma_wait3A_79, %dma_wait3A_80] : memref<10240x128xf32, #tpu.memory_space<vmem_shared>> -> memref<10240x128xf32, #tpu.memory_space<vmem_shared>>
        tpu.wait_indirect_dma semaphore(%run_scoped3A_69 : memref<!tpu.dma_semaphore, #tpu.memory_space<semaphore_mem>>) src(%arg10 : memref<128x128xf32, #tpu.memory_space<vmem>>) dst(%dma_wait3A_81 : memref<10240x128xf32, #tpu.memory_space<vmem_shared>>)
        tpu.yield
      }) : () -> ()
    }
    %scan3A_16 = arith.constant 20 : i32
    %run_scoped3A_17 = arith.constant 1 : i32
    "tpu.region"() ({
      %run_scoped3A_37 = tpu.sem_alloc : memref<!tpu.dma_semaphore, #tpu.memory_space<semaphore_mem>>
      %dma_start3A_38 = arith.constant 0 : i32
      %dma_start3A_39 = arith.constant 0 : i32
      %dma_start3A_40 = arith.constant 0 : i32
      %dma_start3A_41 = tpu.memref_slice %arg3[%add3A, %dma_start3A_38, %dma_start3A_39, %dma_start3A_40] : memref<32x2x40x128xi32, #tpu.memory_space<hbm>> -> memref<1x2x40x128xi32, #tpu.memory_space<hbm>>
      %dma_start3A_42 = tpu.memref_squeeze %dma_start3A_41 : memref<1x2x40x128xi32, #tpu.memory_space<hbm>> -> memref<2x40x128xi32, #tpu.memory_space<hbm>>
      %dma_start3A_43 = arith.constant 0 : i32
      %dma_start3A_44 = arith.constant 0 : i32
      %dma_start3A_45 = tpu.memref_slice %dma_start3A_42[%run_scoped3A_17, %dma_start3A_43, %dma_start3A_44] : memref<2x40x128xi32, #tpu.memory_space<hbm>> -> memref<1x40x128xi32, #tpu.memory_space<hbm>>
      %dma_start3A_46 = tpu.memref_squeeze %dma_start3A_45 : memref<1x40x128xi32, #tpu.memory_space<hbm>> -> memref<40x128xi32, #tpu.memory_space<hbm>>
      %dma_start3A_47 = arith.constant 0 : i32
      %dma_start3A_48 = arith.constant 0 : i32
      %dma_start3A_49 = arith.constant 0 : i32
      %dma_start3A_50 = tpu.memref_slice %arg3[%add3A, %dma_start3A_47, %dma_start3A_48, %dma_start3A_49] : memref<32x2x40x128xi32, #tpu.memory_space<hbm>> -> memref<1x2x40x128xi32, #tpu.memory_space<hbm>>
      %dma_start3A_51 = tpu.memref_squeeze %dma_start3A_50 : memref<1x2x40x128xi32, #tpu.memory_space<hbm>> -> memref<2x40x128xi32, #tpu.memory_space<hbm>>
      %dma_start3A_52 = arith.constant 0 : i32
      %dma_start3A_53 = arith.constant 0 : i32
      %dma_start3A_54 = tpu.memref_slice %dma_start3A_51[%run_scoped3A_17, %dma_start3A_52, %dma_start3A_53] : memref<2x40x128xi32, #tpu.memory_space<hbm>> -> memref<1x40x128xi32, #tpu.memory_space<hbm>>
      %dma_start3A_55 = tpu.memref_squeeze %dma_start3A_54 : memref<1x40x128xi32, #tpu.memory_space<hbm>> -> memref<40x128xi32, #tpu.memory_space<hbm>>
      tpu.enqueue_dma source(%dma_start3A_55 : memref<40x128xi32, #tpu.memory_space<hbm>>) target(%arg7 : memref<40x128xi32, #tpu.memory_space<vmem>>) target_semaphore(%run_scoped3A_37 : memref<!tpu.dma_semaphore, #tpu.memory_space<semaphore_mem>>)
      %dma_wait3A = arith.constant 0 : i32
      %dma_wait3A_56 = arith.constant 0 : i32
      %dma_wait3A_57 = arith.constant 0 : i32
      %dma_wait3A_58 = tpu.memref_slice %arg3[%add3A, %dma_wait3A, %dma_wait3A_56, %dma_wait3A_57] : memref<32x2x40x128xi32, #tpu.memory_space<hbm>> -> memref<1x2x40x128xi32, #tpu.memory_space<hbm>>
      %dma_wait3A_59 = tpu.memref_squeeze %dma_wait3A_58 : memref<1x2x40x128xi32, #tpu.memory_space<hbm>> -> memref<2x40x128xi32, #tpu.memory_space<hbm>>
      %dma_wait3A_60 = arith.constant 0 : i32
      %dma_wait3A_61 = arith.constant 0 : i32
      %dma_wait3A_62 = tpu.memref_slice %dma_wait3A_59[%run_scoped3A_17, %dma_wait3A_60, %dma_wait3A_61] : memref<2x40x128xi32, #tpu.memory_space<hbm>> -> memref<1x40x128xi32, #tpu.memory_space<hbm>>
      %dma_wait3A_63 = tpu.memref_squeeze %dma_wait3A_62 : memref<1x40x128xi32, #tpu.memory_space<hbm>> -> memref<40x128xi32, #tpu.memory_space<hbm>>
      %dma_wait3A_64 = arith.constant 0 : i32
      %dma_wait3A_65 = arith.constant 0 : i32
      %dma_wait3A_66 = arith.constant 0 : i32
      %dma_wait3A_67 = tpu.memref_slice %arg3[%add3A, %dma_wait3A_64, %dma_wait3A_65, %dma_wait3A_66] : memref<32x2x40x128xi32, #tpu.memory_space<hbm>> -> memref<1x2x40x128xi32, #tpu.memory_space<hbm>>
      %dma_wait3A_68 = tpu.memref_squeeze %dma_wait3A_67 : memref<1x2x40x128xi32, #tpu.memory_space<hbm>> -> memref<2x40x128xi32, #tpu.memory_space<hbm>>
      %dma_wait3A_69 = arith.constant 0 : i32
      %dma_wait3A_70 = arith.constant 0 : i32
      %dma_wait3A_71 = tpu.memref_slice %dma_wait3A_68[%run_scoped3A_17, %dma_wait3A_69, %dma_wait3A_70] : memref<2x40x128xi32, #tpu.memory_space<hbm>> -> memref<1x40x128xi32, #tpu.memory_space<hbm>>
      %dma_wait3A_72 = tpu.memref_squeeze %dma_wait3A_71 : memref<1x40x128xi32, #tpu.memory_space<hbm>> -> memref<40x128xi32, #tpu.memory_space<hbm>>
      tpu.wait_dma2 semaphore(%run_scoped3A_37 : memref<!tpu.dma_semaphore, #tpu.memory_space<semaphore_mem>>) src(%dma_wait3A_72 : memref<40x128xi32, #tpu.memory_space<hbm>>) dst(%arg7 : memref<40x128xi32, #tpu.memory_space<vmem>>)
      tpu.yield
    }) : () -> ()
    %run_scoped3A_18 = arith.constant 1 : i32
    "tpu.region"() ({
      %run_scoped3A_37 = tpu.sem_alloc : memref<!tpu.dma_semaphore, #tpu.memory_space<semaphore_mem>>
      %dma_start3A_38 = arith.constant 0 : i32
      %dma_start3A_39 = arith.constant 0 : i32
      %dma_start3A_40 = arith.constant 0 : i32
      %dma_start3A_41 = tpu.memref_slice %arg4[%add3A, %dma_start3A_38, %dma_start3A_39, %dma_start3A_40] : memref<32x2x40x128xi32, #tpu.memory_space<hbm>> -> memref<1x2x40x128xi32, #tpu.memory_space<hbm>>
      %dma_start3A_42 = tpu.memref_squeeze %dma_start3A_41 : memref<1x2x40x128xi32, #tpu.memory_space<hbm>> -> memref<2x40x128xi32, #tpu.memory_space<hbm>>
      %dma_start3A_43 = arith.constant 0 : i32
      %dma_start3A_44 = arith.constant 0 : i32
      %dma_start3A_45 = tpu.memref_slice %dma_start3A_42[%run_scoped3A_18, %dma_start3A_43, %dma_start3A_44] : memref<2x40x128xi32, #tpu.memory_space<hbm>> -> memref<1x40x128xi32, #tpu.memory_space<hbm>>
      %dma_start3A_46 = tpu.memref_squeeze %dma_start3A_45 : memref<1x40x128xi32, #tpu.memory_space<hbm>> -> memref<40x128xi32, #tpu.memory_space<hbm>>
      %dma_start3A_47 = arith.constant 0 : i32
      %dma_start3A_48 = arith.constant 0 : i32
      %dma_start3A_49 = arith.constant 0 : i32
      %dma_start3A_50 = tpu.memref_slice %arg4[%add3A, %dma_start3A_47, %dma_start3A_48, %dma_start3A_49] : memref<32x2x40x128xi32, #tpu.memory_space<hbm>> -> memref<1x2x40x128xi32, #tpu.memory_space<hbm>>
      %dma_start3A_51 = tpu.memref_squeeze %dma_start3A_50 : memref<1x2x40x128xi32, #tpu.memory_space<hbm>> -> memref<2x40x128xi32, #tpu.memory_space<hbm>>
      %dma_start3A_52 = arith.constant 0 : i32
      %dma_start3A_53 = arith.constant 0 : i32
      %dma_start3A_54 = tpu.memref_slice %dma_start3A_51[%run_scoped3A_18, %dma_start3A_52, %dma_start3A_53] : memref<2x40x128xi32, #tpu.memory_space<hbm>> -> memref<1x40x128xi32, #tpu.memory_space<hbm>>
      %dma_start3A_55 = tpu.memref_squeeze %dma_start3A_54 : memref<1x40x128xi32, #tpu.memory_space<hbm>> -> memref<40x128xi32, #tpu.memory_space<hbm>>
      tpu.enqueue_dma source(%dma_start3A_55 : memref<40x128xi32, #tpu.memory_space<hbm>>) target(%arg8 : memref<40x128xi32, #tpu.memory_space<vmem>>) target_semaphore(%run_scoped3A_37 : memref<!tpu.dma_semaphore, #tpu.memory_space<semaphore_mem>>)
      %dma_wait3A = arith.constant 0 : i32
      %dma_wait3A_56 = arith.constant 0 : i32
      %dma_wait3A_57 = arith.constant 0 : i32
      %dma_wait3A_58 = tpu.memref_slice %arg4[%add3A, %dma_wait3A, %dma_wait3A_56, %dma_wait3A_57] : memref<32x2x40x128xi32, #tpu.memory_space<hbm>> -> memref<1x2x40x128xi32, #tpu.memory_space<hbm>>
      %dma_wait3A_59 = tpu.memref_squeeze %dma_wait3A_58 : memref<1x2x40x128xi32, #tpu.memory_space<hbm>> -> memref<2x40x128xi32, #tpu.memory_space<hbm>>
      %dma_wait3A_60 = arith.constant 0 : i32
      %dma_wait3A_61 = arith.constant 0 : i32
      %dma_wait3A_62 = tpu.memref_slice %dma_wait3A_59[%run_scoped3A_18, %dma_wait3A_60, %dma_wait3A_61] : memref<2x40x128xi32, #tpu.memory_space<hbm>> -> memref<1x40x128xi32, #tpu.memory_space<hbm>>
      %dma_wait3A_63 = tpu.memref_squeeze %dma_wait3A_62 : memref<1x40x128xi32, #tpu.memory_space<hbm>> -> memref<40x128xi32, #tpu.memory_space<hbm>>
      %dma_wait3A_64 = arith.constant 0 : i32
      %dma_wait3A_65 = arith.constant 0 : i32
      %dma_wait3A_66 = arith.constant 0 : i32
      %dma_wait3A_67 = tpu.memref_slice %arg4[%add3A, %dma_wait3A_64, %dma_wait3A_65, %dma_wait3A_66] : memref<32x2x40x128xi32, #tpu.memory_space<hbm>> -> memref<1x2x40x128xi32, #tpu.memory_space<hbm>>
      %dma_wait3A_68 = tpu.memref_squeeze %dma_wait3A_67 : memref<1x2x40x128xi32, #tpu.memory_space<hbm>> -> memref<2x40x128xi32, #tpu.memory_space<hbm>>
      %dma_wait3A_69 = arith.constant 0 : i32
      %dma_wait3A_70 = arith.constant 0 : i32
      %dma_wait3A_71 = tpu.memref_slice %dma_wait3A_68[%run_scoped3A_18, %dma_wait3A_69, %dma_wait3A_70] : memref<2x40x128xi32, #tpu.memory_space<hbm>> -> memref<1x40x128xi32, #tpu.memory_space<hbm>>
      %dma_wait3A_72 = tpu.memref_squeeze %dma_wait3A_71 : memref<1x40x128xi32, #tpu.memory_space<hbm>> -> memref<40x128xi32, #tpu.memory_space<hbm>>
      tpu.wait_dma2 semaphore(%run_scoped3A_37 : memref<!tpu.dma_semaphore, #tpu.memory_space<semaphore_mem>>) src(%dma_wait3A_72 : memref<40x128xi32, #tpu.memory_space<hbm>>) dst(%arg8 : memref<40x128xi32, #tpu.memory_space<vmem>>)
      tpu.yield
    }) : () -> ()
    %dma_start3A_19 = arith.constant 0 : i32
    %dma_start3A_20 = arith.constant 0 : i32
    %dma_start3A_21 = tpu.memref_slice %arg7[%dma_start3A_19, %dma_start3A_20] : memref<40x128xi32, #tpu.memory_space<vmem>> -> memref<1x128xi32, #tpu.memory_space<vmem>>
    %dma_start3A_22 = tpu.memref_squeeze %dma_start3A_21 : memref<1x128xi32, #tpu.memory_space<vmem>> -> memref<128xi32, #tpu.memory_space<vmem>>
    %dma_start3A_23 = arith.constant 0 : i32
    %dma_start3A_24 = arith.constant 0 : i32
    %dma_start3A_25 = tpu.memref_slice %arg2[%dma_start3A_23, %dma_start3A_24] : memref<10000x128xf32, #tpu.memory_space<hbm>> -> memref<10000x128xf32, #tpu.memory_space<hbm>>
    tpu.enqueue_indirect_dma source(%dma_start3A_25 : memref<10000x128xf32, #tpu.memory_space<hbm>>) target(%arg9 : memref<128x128xf32, #tpu.memory_space<vmem>>) offsets(%dma_start3A_22 : memref<128xi32, #tpu.memory_space<vmem>>) semaphore(%arg12 : memref<!tpu.dma_semaphore, #tpu.memory_space<semaphore_mem>>)
    %scan3A_26 = arith.constant 0 : i32
    %scan3A_27 = arith.constant 0 : i32
    %scan3A_28 = arith.constant 20 : i32
    %scan3A_29 = arith.addi %scan3A_27, %scan3A_28 : i32
    %scan3A_30 = arith.constant 1 : i32
    scf.for %scan3A_37 = %scan3A_27 to %scan3A_29 step %scan3A_30  : i32 {
      %dma_wait3A = arith.constant 0 : i32
      %dma_wait3A_38 = arith.constant 0 : i32
      %dma_wait3A_39 = tpu.memref_slice %arg7[%dma_wait3A, %dma_wait3A_38] : memref<40x128xi32, #tpu.memory_space<vmem>> -> memref<1x128xi32, #tpu.memory_space<vmem>>
      %dma_wait3A_40 = tpu.memref_squeeze %dma_wait3A_39 : memref<1x128xi32, #tpu.memory_space<vmem>> -> memref<128xi32, #tpu.memory_space<vmem>>
      %dma_wait3A_41 = arith.constant 0 : i32
      %dma_wait3A_42 = arith.constant 0 : i32
      %dma_wait3A_43 = tpu.memref_slice %arg2[%dma_wait3A_41, %dma_wait3A_42] : memref<10000x128xf32, #tpu.memory_space<hbm>> -> memref<10000x128xf32, #tpu.memory_space<hbm>>
      tpu.wait_indirect_dma semaphore(%arg12 : memref<!tpu.dma_semaphore, #tpu.memory_space<semaphore_mem>>) src(%dma_wait3A_43 : memref<10000x128xf32, #tpu.memory_space<hbm>>) dst(%arg9 : memref<128x128xf32, #tpu.memory_space<vmem>>)
      %mul3A_44 = arith.constant 2 : i32
      %mul3A_45 = arith.muli %mul3A_44, %scan3A_37 : i32
      %add3A_46 = arith.constant 1 : i32
      %add3A_47 = arith.addi %mul3A_45, %add3A_46 : i32
      %dma_start3A_48 = arith.constant 0 : i32
      %dma_start3A_49 = tpu.memref_slice %arg7[%add3A_47, %dma_start3A_48] : memref<40x128xi32, #tpu.memory_space<vmem>> -> memref<1x128xi32, #tpu.memory_space<vmem>>
      %dma_start3A_50 = tpu.memref_squeeze %dma_start3A_49 : memref<1x128xi32, #tpu.memory_space<vmem>> -> memref<128xi32, #tpu.memory_space<vmem>>
      %dma_start3A_51 = arith.constant 0 : i32
      %dma_start3A_52 = arith.constant 0 : i32
      %dma_start3A_53 = tpu.memref_slice %arg2[%dma_start3A_51, %dma_start3A_52] : memref<10000x128xf32, #tpu.memory_space<hbm>> -> memref<10000x128xf32, #tpu.memory_space<hbm>>
      tpu.enqueue_indirect_dma source(%dma_start3A_53 : memref<10000x128xf32, #tpu.memory_space<hbm>>) target(%arg10 : memref<128x128xf32, #tpu.memory_space<vmem>>) offsets(%dma_start3A_50 : memref<128xi32, #tpu.memory_space<vmem>>) semaphore(%arg13 : memref<!tpu.dma_semaphore, #tpu.memory_space<semaphore_mem>>)
      %mul3A_54 = arith.constant 2 : i32
      %mul3A_55 = arith.muli %mul3A_54, %scan3A_37 : i32
      "tpu.region"() ({
        %run_scoped3A_69 = tpu.sem_alloc : memref<!tpu.dma_semaphore, #tpu.memory_space<semaphore_mem>>
        %dma_start3A_70 = arith.constant 0 : i32
        %dma_start3A_71 = tpu.memref_slice %arg8[%mul3A_55, %dma_start3A_70] : memref<40x128xi32, #tpu.memory_space<vmem>> -> memref<1x128xi32, #tpu.memory_space<vmem>>
        %dma_start3A_72 = tpu.memref_squeeze %dma_start3A_71 : memref<1x128xi32, #tpu.memory_space<vmem>> -> memref<128xi32, #tpu.memory_space<vmem>>
        %dma_start3A_73 = arith.constant 0 : i32
        %dma_start3A_74 = arith.constant 0 : i32
        %dma_start3A_75 = tpu.memref_slice %arg11[%dma_start3A_73, %dma_start3A_74] : memref<10240x128xf32, #tpu.memory_space<vmem_shared>> -> memref<10240x128xf32, #tpu.memory_space<vmem_shared>>
        tpu.enqueue_indirect_dma source(%arg9 : memref<128x128xf32, #tpu.memory_space<vmem>>) target(%dma_start3A_75 : memref<10240x128xf32, #tpu.memory_space<vmem_shared>>) offsets(%dma_start3A_72 : memref<128xi32, #tpu.memory_space<vmem>>) semaphore(%run_scoped3A_69 : memref<!tpu.dma_semaphore, #tpu.memory_space<semaphore_mem>>) {add = true}
        %dma_wait3A_76 = arith.constant 0 : i32
        %dma_wait3A_77 = tpu.memref_slice %arg8[%mul3A_55, %dma_wait3A_76] : memref<40x128xi32, #tpu.memory_space<vmem>> -> memref<1x128xi32, #tpu.memory_space<vmem>>
        %dma_wait3A_78 = tpu.memref_squeeze %dma_wait3A_77 : memref<1x128xi32, #tpu.memory_space<vmem>> -> memref<128xi32, #tpu.memory_space<vmem>>
        %dma_wait3A_79 = arith.constant 0 : i32
        %dma_wait3A_80 = arith.constant 0 : i32
        %dma_wait3A_81 = tpu.memref_slice %arg11[%dma_wait3A_79, %dma_wait3A_80] : memref<10240x128xf32, #tpu.memory_space<vmem_shared>> -> memref<10240x128xf32, #tpu.memory_space<vmem_shared>>
        tpu.wait_indirect_dma semaphore(%run_scoped3A_69 : memref<!tpu.dma_semaphore, #tpu.memory_space<semaphore_mem>>) src(%arg9 : memref<128x128xf32, #tpu.memory_space<vmem>>) dst(%dma_wait3A_81 : memref<10240x128xf32, #tpu.memory_space<vmem_shared>>)
        tpu.yield
      }) : () -> ()
      %dma_wait3A_56 = arith.constant 0 : i32
      %dma_wait3A_57 = arith.constant 0 : i32
      %dma_wait3A_58 = tpu.memref_slice %arg7[%dma_wait3A_56, %dma_wait3A_57] : memref<40x128xi32, #tpu.memory_space<vmem>> -> memref<1x128xi32, #tpu.memory_space<vmem>>
      %dma_wait3A_59 = tpu.memref_squeeze %dma_wait3A_58 : memref<1x128xi32, #tpu.memory_space<vmem>> -> memref<128xi32, #tpu.memory_space<vmem>>
      %dma_wait3A_60 = arith.constant 0 : i32
      %dma_wait3A_61 = arith.constant 0 : i32
      %dma_wait3A_62 = tpu.memref_slice %arg2[%dma_wait3A_60, %dma_wait3A_61] : memref<10000x128xf32, #tpu.memory_space<hbm>> -> memref<10000x128xf32, #tpu.memory_space<hbm>>
      tpu.wait_indirect_dma semaphore(%arg13 : memref<!tpu.dma_semaphore, #tpu.memory_space<semaphore_mem>>) src(%dma_wait3A_62 : memref<10000x128xf32, #tpu.memory_space<hbm>>) dst(%arg10 : memref<128x128xf32, #tpu.memory_space<vmem>>)
      %lt3A = arith.constant 19 : i32
      %lt3A_63 = arith.cmpi slt, %scan3A_37, %lt3A : i32
      %convert_element_type3A = arith.extui %lt3A_63 : i1 to i32
      %cond3A = arith.constant 0 : i32
      %cond3A_64 = arith.cmpi ne, %convert_element_type3A, %cond3A : i32
      scf.if %cond3A_64 {
        %mul3A_69 = arith.constant 2 : i32
        %mul3A_70 = arith.muli %mul3A_69, %scan3A_37 : i32
        %add3A_71 = arith.constant 2 : i32
        %add3A_72 = arith.addi %mul3A_70, %add3A_71 : i32
        %dma_start3A_73 = arith.constant 0 : i32
        %dma_start3A_74 = tpu.memref_slice %arg7[%add3A_72, %dma_start3A_73] : memref<40x128xi32, #tpu.memory_space<vmem>> -> memref<1x128xi32, #tpu.memory_space<vmem>>
        %dma_start3A_75 = tpu.memref_squeeze %dma_start3A_74 : memref<1x128xi32, #tpu.memory_space<vmem>> -> memref<128xi32, #tpu.memory_space<vmem>>
        %dma_start3A_76 = arith.constant 0 : i32
        %dma_start3A_77 = arith.constant 0 : i32
        %dma_start3A_78 = tpu.memref_slice %arg2[%dma_start3A_76, %dma_start3A_77] : memref<10000x128xf32, #tpu.memory_space<hbm>> -> memref<10000x128xf32, #tpu.memory_space<hbm>>
        tpu.enqueue_indirect_dma source(%dma_start3A_78 : memref<10000x128xf32, #tpu.memory_space<hbm>>) target(%arg9 : memref<128x128xf32, #tpu.memory_space<vmem>>) offsets(%dma_start3A_75 : memref<128xi32, #tpu.memory_space<vmem>>) semaphore(%arg12 : memref<!tpu.dma_semaphore, #tpu.memory_space<semaphore_mem>>)
      } else {
      }
      %mul3A_65 = arith.constant 2 : i32
      %mul3A_66 = arith.muli %mul3A_65, %scan3A_37 : i32
      %add3A_67 = arith.constant 1 : i32
      %add3A_68 = arith.addi %mul3A_66, %add3A_67 : i32
      "tpu.region"() ({
        %run_scoped3A_69 = tpu.sem_alloc : memref<!tpu.dma_semaphore, #tpu.memory_space<semaphore_mem>>
        %dma_start3A_70 = arith.constant 0 : i32
        %dma_start3A_71 = tpu.memref_slice %arg8[%add3A_68, %dma_start3A_70] : memref<40x128xi32, #tpu.memory_space<vmem>> -> memref<1x128xi32, #tpu.memory_space<vmem>>
        %dma_start3A_72 = tpu.memref_squeeze %dma_start3A_71 : memref<1x128xi32, #tpu.memory_space<vmem>> -> memref<128xi32, #tpu.memory_space<vmem>>
        %dma_start3A_73 = arith.constant 0 : i32
        %dma_start3A_74 = arith.constant 0 : i32
        %dma_start3A_75 = tpu.memref_slice %arg11[%dma_start3A_73, %dma_start3A_74] : memref<10240x128xf32, #tpu.memory_space<vmem_shared>> -> memref<10240x128xf32, #tpu.memory_space<vmem_shared>>
        tpu.enqueue_indirect_dma source(%arg10 : memref<128x128xf32, #tpu.memory_space<vmem>>) target(%dma_start3A_75 : memref<10240x128xf32, #tpu.memory_space<vmem_shared>>) offsets(%dma_start3A_72 : memref<128xi32, #tpu.memory_space<vmem>>) semaphore(%run_scoped3A_69 : memref<!tpu.dma_semaphore, #tpu.memory_space<semaphore_mem>>) {add = true}
        %dma_wait3A_76 = arith.constant 0 : i32
        %dma_wait3A_77 = tpu.memref_slice %arg8[%add3A_68, %dma_wait3A_76] : memref<40x128xi32, #tpu.memory_space<vmem>> -> memref<1x128xi32, #tpu.memory_space<vmem>>
        %dma_wait3A_78 = tpu.memref_squeeze %dma_wait3A_77 : memref<1x128xi32, #tpu.memory_space<vmem>> -> memref<128xi32, #tpu.memory_space<vmem>>
        %dma_wait3A_79 = arith.constant 0 : i32
        %dma_wait3A_80 = arith.constant 0 : i32
        %dma_wait3A_81 = tpu.memref_slice %arg11[%dma_wait3A_79, %dma_wait3A_80] : memref<10240x128xf32, #tpu.memory_space<vmem_shared>> -> memref<10240x128xf32, #tpu.memory_space<vmem_shared>>
        tpu.wait_indirect_dma semaphore(%run_scoped3A_69 : memref<!tpu.dma_semaphore, #tpu.memory_space<semaphore_mem>>) src(%arg10 : memref<128x128xf32, #tpu.memory_space<vmem>>) dst(%dma_wait3A_81 : memref<10240x128xf32, #tpu.memory_space<vmem_shared>>)
        tpu.yield
      }) : () -> ()
    }
    %scan3A_31 = arith.constant 20 : i32
    %barrier3A_32 = arith.constant 0 : index
    tpu.barrier barrier_id(%barrier3A_32)
    %mul3A_33 = arith.constant 640 : i32
    %mul3A_34 = arith.muli %arg1, %mul3A_33 : i32
    %mul3A_35 = arith.constant 640 : i32
    %mul3A_36 = arith.muli %arg1, %mul3A_35 : i32
    "tpu.region"() ({
      %run_scoped3A_37 = tpu.sem_alloc : memref<!tpu.dma_semaphore, #tpu.memory_space<semaphore_mem>>
      %dma_start3A_38 = arith.constant 0 : i32
      %dma_start3A_39 = arith.constant 0 : i32
      %dma_start3A_40 = tpu.memref_slice %arg6[%arg0, %dma_start3A_38, %dma_start3A_39] : memref<2x10240x128xf32, #tpu.memory_space<hbm>> -> memref<1x10240x128xf32, #tpu.memory_space<hbm>>
      %dma_start3A_41 = tpu.memref_squeeze %dma_start3A_40 : memref<1x10240x128xf32, #tpu.memory_space<hbm>> -> memref<10240x128xf32, #tpu.memory_space<hbm>>
      %dma_start3A_42 = arith.constant 0 : i32
      %dma_start3A_43 = tpu.memref_slice %dma_start3A_41[%mul3A_36, %dma_start3A_42] : memref<10240x128xf32, #tpu.memory_space<hbm>> -> memref<640x128xf32, #tpu.memory_space<hbm>>
      %dma_start3A_44 = arith.constant 0 : i32
      %dma_start3A_45 = tpu.memref_slice %arg11[%mul3A_34, %dma_start3A_44] : memref<10240x128xf32, #tpu.memory_space<vmem_shared>> -> memref<640x128xf32, #tpu.memory_space<vmem_shared>>
      tpu.enqueue_dma source(%dma_start3A_45 : memref<640x128xf32, #tpu.memory_space<vmem_shared>>) target(%dma_start3A_43 : memref<640x128xf32, #tpu.memory_space<hbm>>) target_semaphore(%run_scoped3A_37 : memref<!tpu.dma_semaphore, #tpu.memory_space<semaphore_mem>>)
      %dma_wait3A = arith.constant 0 : i32
      %dma_wait3A_46 = arith.constant 0 : i32
      %dma_wait3A_47 = tpu.memref_slice %arg6[%arg0, %dma_wait3A, %dma_wait3A_46] : memref<2x10240x128xf32, #tpu.memory_space<hbm>> -> memref<1x10240x128xf32, #tpu.memory_space<hbm>>
      %dma_wait3A_48 = tpu.memref_squeeze %dma_wait3A_47 : memref<1x10240x128xf32, #tpu.memory_space<hbm>> -> memref<10240x128xf32, #tpu.memory_space<hbm>>
      %dma_wait3A_49 = arith.constant 0 : i32
      %dma_wait3A_50 = tpu.memref_slice %dma_wait3A_48[%mul3A_36, %dma_wait3A_49] : memref<10240x128xf32, #tpu.memory_space<hbm>> -> memref<640x128xf32, #tpu.memory_space<hbm>>
      %dma_wait3A_51 = arith.constant 0 : i32
      %dma_wait3A_52 = tpu.memref_slice %arg11[%mul3A_34, %dma_wait3A_51] : memref<10240x128xf32, #tpu.memory_space<vmem_shared>> -> memref<640x128xf32, #tpu.memory_space<vmem_shared>>
      tpu.wait_dma2 semaphore(%run_scoped3A_37 : memref<!tpu.dma_semaphore, #tpu.memory_space<semaphore_mem>>) src(%dma_wait3A_52 : memref<640x128xf32, #tpu.memory_space<vmem_shared>>) dst(%dma_wait3A_50 : memref<640x128xf32, #tpu.memory_space<hbm>>)
      tpu.yield
    }) : () -> ()
    return
  }
}

#map = affine_map<(d0, d1) -> (0, 0)>
#map1 = affine_map<(d0, d1) -> (0, 0, 0, 0)>
#map2 = affine_map<(d0, d1) -> (0, 0, 0)>
module attributes {stable_mosaic.version = 14 : i64} {
  func.func @_sc_agg_body(%arg0: i32, %arg1: i32, %arg2: memref<10000x128xf32, #tpu.memory_space<hbm>>, %arg3: memref<32x2x40x128xi32, #tpu.memory_space<hbm>>, %arg4: memref<32x2x40x128xi32, #tpu.memory_space<hbm>>, %arg5: memref<10240x128xf32, #tpu.memory_space<hbm>>, %arg6: memref<2x10240x128xf32, #tpu.memory_space<hbm>>, %arg7: memref<40x128xi32, #tpu.memory_space<vmem>>, %arg8: memref<40x128xi32, #tpu.memory_space<vmem>>, %arg9: memref<128x128xf32, #tpu.memory_space<vmem>>, %arg10: memref<128x128xf32, #tpu.memory_space<vmem>>, %arg11: memref<10240x128xf32, #tpu.memory_space<vmem_shared>>, %arg12: memref<!tpu.dma_semaphore, #tpu.memory_space<semaphore_mem>>, %arg13: memref<!tpu.dma_semaphore, #tpu.memory_space<semaphore_mem>>) attributes {dimension_semantics = [#tpu.dimension_semantics<core_parallel>, #tpu.dimension_semantics<subcore_parallel>], iteration_bounds = array<i64: 2, 16>, scalar_prefetch = 0 : i64, scratch_operands = 7 : i64, tpu.core_type = #tpu.core_type<sc_vector_subcore>, window_params = [{transform_indices = #map}, {transform_indices = #map1}, {transform_indices = #map1}, {transform_indices = #map}, {transform_indices = #map2}]} {
    %mul3A = arith.constant 2 : i32
    %mul3A_0 = arith.muli %arg1, %mul3A : i32
    %add3A = arith.addi %mul3A_0, %arg0 : i32
    %mul3A_1 = arith.constant 640 : i32
    %mul3A_2 = arith.muli %arg1, %mul3A_1 : i32
    %mul3A_3 = arith.constant 640 : i32
    %mul3A_4 = arith.muli %arg1, %mul3A_3 : i32
    "tpu.region"() ({
      %run_scoped3A_37 = tpu.sem_alloc : memref<!tpu.dma_semaphore, #tpu.memory_space<semaphore_mem>>
      %dma_start3A_38 = arith.constant 0 : i32
      %dma_start3A_39 = tpu.memref_slice %arg11[%mul3A_4, %dma_start3A_38] : memref<10240x128xf32, #tpu.memory_space<vmem_shared>> -> memref<640x128xf32, #tpu.memory_space<vmem_shared>>
      %dma_start3A_40 = arith.constant 0 : i32
      %dma_start3A_41 = tpu.memref_slice %arg5[%mul3A_2, %dma_start3A_40] : memref<10240x128xf32, #tpu.memory_space<hbm>> -> memref<640x128xf32, #tpu.memory_space<hbm>>
      tpu.enqueue_dma source(%dma_start3A_41 : memref<640x128xf32, #tpu.memory_space<hbm>>) target(%dma_start3A_39 : memref<640x128xf32, #tpu.memory_space<vmem_shared>>) target_semaphore(%run_scoped3A_37 : memref<!tpu.dma_semaphore, #tpu.memory_space<semaphore_mem>>)
      %dma_wait3A = arith.constant 0 : i32
      %dma_wait3A_42 = tpu.memref_slice %arg11[%mul3A_4, %dma_wait3A] : memref<10240x128xf32, #tpu.memory_space<vmem_shared>> -> memref<640x128xf32, #tpu.memory_space<vmem_shared>>
      %dma_wait3A_43 = arith.constant 0 : i32
      %dma_wait3A_44 = tpu.memref_slice %arg5[%mul3A_2, %dma_wait3A_43] : memref<10240x128xf32, #tpu.memory_space<hbm>> -> memref<640x128xf32, #tpu.memory_space<hbm>>
      tpu.wait_dma2 semaphore(%run_scoped3A_37 : memref<!tpu.dma_semaphore, #tpu.memory_space<semaphore_mem>>) src(%dma_wait3A_44 : memref<640x128xf32, #tpu.memory_space<hbm>>) dst(%dma_wait3A_42 : memref<640x128xf32, #tpu.memory_space<vmem_shared>>)
      tpu.yield
    }) : () -> ()
    %barrier3A = arith.constant 0 : index
    tpu.barrier barrier_id(%barrier3A)
    %run_scoped3A = arith.constant 0 : i32
    "tpu.region"() ({
      %run_scoped3A_37 = tpu.sem_alloc : memref<!tpu.dma_semaphore, #tpu.memory_space<semaphore_mem>>
      %dma_start3A_38 = arith.constant 0 : i32
      %dma_start3A_39 = arith.constant 0 : i32
      %dma_start3A_40 = arith.constant 0 : i32
      %dma_start3A_41 = tpu.memref_slice %arg3[%add3A, %dma_start3A_38, %dma_start3A_39, %dma_start3A_40] : memref<32x2x40x128xi32, #tpu.memory_space<hbm>> -> memref<1x2x40x128xi32, #tpu.memory_space<hbm>>
      %dma_start3A_42 = tpu.memref_squeeze %dma_start3A_41 : memref<1x2x40x128xi32, #tpu.memory_space<hbm>> -> memref<2x40x128xi32, #tpu.memory_space<hbm>>
      %dma_start3A_43 = arith.constant 0 : i32
      %dma_start3A_44 = arith.constant 0 : i32
      %dma_start3A_45 = tpu.memref_slice %dma_start3A_42[%run_scoped3A, %dma_start3A_43, %dma_start3A_44] : memref<2x40x128xi32, #tpu.memory_space<hbm>> -> memref<1x40x128xi32, #tpu.memory_space<hbm>>
      %dma_start3A_46 = tpu.memref_squeeze %dma_start3A_45 : memref<1x40x128xi32, #tpu.memory_space<hbm>> -> memref<40x128xi32, #tpu.memory_space<hbm>>
      %dma_start3A_47 = arith.constant 0 : i32
      %dma_start3A_48 = arith.constant 0 : i32
      %dma_start3A_49 = arith.constant 0 : i32
      %dma_start3A_50 = tpu.memref_slice %arg3[%add3A, %dma_start3A_47, %dma_start3A_48, %dma_start3A_49] : memref<32x2x40x128xi32, #tpu.memory_space<hbm>> -> memref<1x2x40x128xi32, #tpu.memory_space<hbm>>
      %dma_start3A_51 = tpu.memref_squeeze %dma_start3A_50 : memref<1x2x40x128xi32, #tpu.memory_space<hbm>> -> memref<2x40x128xi32, #tpu.memory_space<hbm>>
      %dma_start3A_52 = arith.constant 0 : i32
      %dma_start3A_53 = arith.constant 0 : i32
      %dma_start3A_54 = tpu.memref_slice %dma_start3A_51[%run_scoped3A, %dma_start3A_52, %dma_start3A_53] : memref<2x40x128xi32, #tpu.memory_space<hbm>> -> memref<1x40x128xi32, #tpu.memory_space<hbm>>
      %dma_start3A_55 = tpu.memref_squeeze %dma_start3A_54 : memref<1x40x128xi32, #tpu.memory_space<hbm>> -> memref<40x128xi32, #tpu.memory_space<hbm>>
      tpu.enqueue_dma source(%dma_start3A_55 : memref<40x128xi32, #tpu.memory_space<hbm>>) target(%arg7 : memref<40x128xi32, #tpu.memory_space<vmem>>) target_semaphore(%run_scoped3A_37 : memref<!tpu.dma_semaphore, #tpu.memory_space<semaphore_mem>>)
      %dma_wait3A = arith.constant 0 : i32
      %dma_wait3A_56 = arith.constant 0 : i32
      %dma_wait3A_57 = arith.constant 0 : i32
      %dma_wait3A_58 = tpu.memref_slice %arg3[%add3A, %dma_wait3A, %dma_wait3A_56, %dma_wait3A_57] : memref<32x2x40x128xi32, #tpu.memory_space<hbm>> -> memref<1x2x40x128xi32, #tpu.memory_space<hbm>>
      %dma_wait3A_59 = tpu.memref_squeeze %dma_wait3A_58 : memref<1x2x40x128xi32, #tpu.memory_space<hbm>> -> memref<2x40x128xi32, #tpu.memory_space<hbm>>
      %dma_wait3A_60 = arith.constant 0 : i32
      %dma_wait3A_61 = arith.constant 0 : i32
      %dma_wait3A_62 = tpu.memref_slice %dma_wait3A_59[%run_scoped3A, %dma_wait3A_60, %dma_wait3A_61] : memref<2x40x128xi32, #tpu.memory_space<hbm>> -> memref<1x40x128xi32, #tpu.memory_space<hbm>>
      %dma_wait3A_63 = tpu.memref_squeeze %dma_wait3A_62 : memref<1x40x128xi32, #tpu.memory_space<hbm>> -> memref<40x128xi32, #tpu.memory_space<hbm>>
      %dma_wait3A_64 = arith.constant 0 : i32
      %dma_wait3A_65 = arith.constant 0 : i32
      %dma_wait3A_66 = arith.constant 0 : i32
      %dma_wait3A_67 = tpu.memref_slice %arg3[%add3A, %dma_wait3A_64, %dma_wait3A_65, %dma_wait3A_66] : memref<32x2x40x128xi32, #tpu.memory_space<hbm>> -> memref<1x2x40x128xi32, #tpu.memory_space<hbm>>
      %dma_wait3A_68 = tpu.memref_squeeze %dma_wait3A_67 : memref<1x2x40x128xi32, #tpu.memory_space<hbm>> -> memref<2x40x128xi32, #tpu.memory_space<hbm>>
      %dma_wait3A_69 = arith.constant 0 : i32
      %dma_wait3A_70 = arith.constant 0 : i32
      %dma_wait3A_71 = tpu.memref_slice %dma_wait3A_68[%run_scoped3A, %dma_wait3A_69, %dma_wait3A_70] : memref<2x40x128xi32, #tpu.memory_space<hbm>> -> memref<1x40x128xi32, #tpu.memory_space<hbm>>
      %dma_wait3A_72 = tpu.memref_squeeze %dma_wait3A_71 : memref<1x40x128xi32, #tpu.memory_space<hbm>> -> memref<40x128xi32, #tpu.memory_space<hbm>>
      tpu.wait_dma2 semaphore(%run_scoped3A_37 : memref<!tpu.dma_semaphore, #tpu.memory_space<semaphore_mem>>) src(%dma_wait3A_72 : memref<40x128xi32, #tpu.memory_space<hbm>>) dst(%arg7 : memref<40x128xi32, #tpu.memory_space<vmem>>)
      tpu.yield
    }) : () -> ()
    %run_scoped3A_5 = arith.constant 0 : i32
    "tpu.region"() ({
      %run_scoped3A_37 = tpu.sem_alloc : memref<!tpu.dma_semaphore, #tpu.memory_space<semaphore_mem>>
      %dma_start3A_38 = arith.constant 0 : i32
      %dma_start3A_39 = arith.constant 0 : i32
      %dma_start3A_40 = arith.constant 0 : i32
      %dma_start3A_41 = tpu.memref_slice %arg4[%add3A, %dma_start3A_38, %dma_start3A_39, %dma_start3A_40] : memref<32x2x40x128xi32, #tpu.memory_space<hbm>> -> memref<1x2x40x128xi32, #tpu.memory_space<hbm>>
      %dma_start3A_42 = tpu.memref_squeeze %dma_start3A_41 : memref<1x2x40x128xi32, #tpu.memory_space<hbm>> -> memref<2x40x128xi32, #tpu.memory_space<hbm>>
      %dma_start3A_43 = arith.constant 0 : i32
      %dma_start3A_44 = arith.constant 0 : i32
      %dma_start3A_45 = tpu.memref_slice %dma_start3A_42[%run_scoped3A_5, %dma_start3A_43, %dma_start3A_44] : memref<2x40x128xi32, #tpu.memory_space<hbm>> -> memref<1x40x128xi32, #tpu.memory_space<hbm>>
      %dma_start3A_46 = tpu.memref_squeeze %dma_start3A_45 : memref<1x40x128xi32, #tpu.memory_space<hbm>> -> memref<40x128xi32, #tpu.memory_space<hbm>>
      %dma_start3A_47 = arith.constant 0 : i32
      %dma_start3A_48 = arith.constant 0 : i32
      %dma_start3A_49 = arith.constant 0 : i32
      %dma_start3A_50 = tpu.memref_slice %arg4[%add3A, %dma_start3A_47, %dma_start3A_48, %dma_start3A_49] : memref<32x2x40x128xi32, #tpu.memory_space<hbm>> -> memref<1x2x40x128xi32, #tpu.memory_space<hbm>>
      %dma_start3A_51 = tpu.memref_squeeze %dma_start3A_50 : memref<1x2x40x128xi32, #tpu.memory_space<hbm>> -> memref<2x40x128xi32, #tpu.memory_space<hbm>>
      %dma_start3A_52 = arith.constant 0 : i32
      %dma_start3A_53 = arith.constant 0 : i32
      %dma_start3A_54 = tpu.memref_slice %dma_start3A_51[%run_scoped3A_5, %dma_start3A_52, %dma_start3A_53] : memref<2x40x128xi32, #tpu.memory_space<hbm>> -> memref<1x40x128xi32, #tpu.memory_space<hbm>>
      %dma_start3A_55 = tpu.memref_squeeze %dma_start3A_54 : memref<1x40x128xi32, #tpu.memory_space<hbm>> -> memref<40x128xi32, #tpu.memory_space<hbm>>
      tpu.enqueue_dma source(%dma_start3A_55 : memref<40x128xi32, #tpu.memory_space<hbm>>) target(%arg8 : memref<40x128xi32, #tpu.memory_space<vmem>>) target_semaphore(%run_scoped3A_37 : memref<!tpu.dma_semaphore, #tpu.memory_space<semaphore_mem>>)
      %dma_wait3A = arith.constant 0 : i32
      %dma_wait3A_56 = arith.constant 0 : i32
      %dma_wait3A_57 = arith.constant 0 : i32
      %dma_wait3A_58 = tpu.memref_slice %arg4[%add3A, %dma_wait3A, %dma_wait3A_56, %dma_wait3A_57] : memref<32x2x40x128xi32, #tpu.memory_space<hbm>> -> memref<1x2x40x128xi32, #tpu.memory_space<hbm>>
      %dma_wait3A_59 = tpu.memref_squeeze %dma_wait3A_58 : memref<1x2x40x128xi32, #tpu.memory_space<hbm>> -> memref<2x40x128xi32, #tpu.memory_space<hbm>>
      %dma_wait3A_60 = arith.constant 0 : i32
      %dma_wait3A_61 = arith.constant 0 : i32
      %dma_wait3A_62 = tpu.memref_slice %dma_wait3A_59[%run_scoped3A_5, %dma_wait3A_60, %dma_wait3A_61] : memref<2x40x128xi32, #tpu.memory_space<hbm>> -> memref<1x40x128xi32, #tpu.memory_space<hbm>>
      %dma_wait3A_63 = tpu.memref_squeeze %dma_wait3A_62 : memref<1x40x128xi32, #tpu.memory_space<hbm>> -> memref<40x128xi32, #tpu.memory_space<hbm>>
      %dma_wait3A_64 = arith.constant 0 : i32
      %dma_wait3A_65 = arith.constant 0 : i32
      %dma_wait3A_66 = arith.constant 0 : i32
      %dma_wait3A_67 = tpu.memref_slice %arg4[%add3A, %dma_wait3A_64, %dma_wait3A_65, %dma_wait3A_66] : memref<32x2x40x128xi32, #tpu.memory_space<hbm>> -> memref<1x2x40x128xi32, #tpu.memory_space<hbm>>
      %dma_wait3A_68 = tpu.memref_squeeze %dma_wait3A_67 : memref<1x2x40x128xi32, #tpu.memory_space<hbm>> -> memref<2x40x128xi32, #tpu.memory_space<hbm>>
      %dma_wait3A_69 = arith.constant 0 : i32
      %dma_wait3A_70 = arith.constant 0 : i32
      %dma_wait3A_71 = tpu.memref_slice %dma_wait3A_68[%run_scoped3A_5, %dma_wait3A_69, %dma_wait3A_70] : memref<2x40x128xi32, #tpu.memory_space<hbm>> -> memref<1x40x128xi32, #tpu.memory_space<hbm>>
      %dma_wait3A_72 = tpu.memref_squeeze %dma_wait3A_71 : memref<1x40x128xi32, #tpu.memory_space<hbm>> -> memref<40x128xi32, #tpu.memory_space<hbm>>
      tpu.wait_dma2 semaphore(%run_scoped3A_37 : memref<!tpu.dma_semaphore, #tpu.memory_space<semaphore_mem>>) src(%dma_wait3A_72 : memref<40x128xi32, #tpu.memory_space<hbm>>) dst(%arg8 : memref<40x128xi32, #tpu.memory_space<vmem>>)
      tpu.yield
    }) : () -> ()
    %dma_start3A = arith.constant 0 : i32
    %dma_start3A_6 = arith.constant 0 : i32
    %dma_start3A_7 = tpu.memref_slice %arg7[%dma_start3A, %dma_start3A_6] : memref<40x128xi32, #tpu.memory_space<vmem>> -> memref<1x128xi32, #tpu.memory_space<vmem>>
    %dma_start3A_8 = tpu.memref_squeeze %dma_start3A_7 : memref<1x128xi32, #tpu.memory_space<vmem>> -> memref<128xi32, #tpu.memory_space<vmem>>
    %dma_start3A_9 = arith.constant 0 : i32
    %dma_start3A_10 = arith.constant 0 : i32
    %dma_start3A_11 = tpu.memref_slice %arg2[%dma_start3A_9, %dma_start3A_10] : memref<10000x128xf32, #tpu.memory_space<hbm>> -> memref<10000x128xf32, #tpu.memory_space<hbm>>
    tpu.enqueue_indirect_dma source(%dma_start3A_11 : memref<10000x128xf32, #tpu.memory_space<hbm>>) target(%arg9 : memref<128x128xf32, #tpu.memory_space<vmem>>) offsets(%dma_start3A_8 : memref<128xi32, #tpu.memory_space<vmem>>) semaphore(%arg12 : memref<!tpu.dma_semaphore, #tpu.memory_space<semaphore_mem>>)
    %scan3A = arith.constant 0 : i32
    %scan3A_12 = arith.constant 0 : i32
    %scan3A_13 = arith.constant 20 : i32
    %scan3A_14 = arith.addi %scan3A_12, %scan3A_13 : i32
    %scan3A_15 = arith.constant 1 : i32
    scf.for %scan3A_37 = %scan3A_12 to %scan3A_14 step %scan3A_15  : i32 {
      %dma_wait3A = arith.constant 0 : i32
      %dma_wait3A_38 = arith.constant 0 : i32
      %dma_wait3A_39 = tpu.memref_slice %arg7[%dma_wait3A, %dma_wait3A_38] : memref<40x128xi32, #tpu.memory_space<vmem>> -> memref<1x128xi32, #tpu.memory_space<vmem>>
      %dma_wait3A_40 = tpu.memref_squeeze %dma_wait3A_39 : memref<1x128xi32, #tpu.memory_space<vmem>> -> memref<128xi32, #tpu.memory_space<vmem>>
      %dma_wait3A_41 = arith.constant 0 : i32
      %dma_wait3A_42 = arith.constant 0 : i32
      %dma_wait3A_43 = tpu.memref_slice %arg2[%dma_wait3A_41, %dma_wait3A_42] : memref<10000x128xf32, #tpu.memory_space<hbm>> -> memref<10000x128xf32, #tpu.memory_space<hbm>>
      tpu.wait_indirect_dma semaphore(%arg12 : memref<!tpu.dma_semaphore, #tpu.memory_space<semaphore_mem>>) src(%dma_wait3A_43 : memref<10000x128xf32, #tpu.memory_space<hbm>>) dst(%arg9 : memref<128x128xf32, #tpu.memory_space<vmem>>)
      %mul3A_44 = arith.constant 2 : i32
      %mul3A_45 = arith.muli %mul3A_44, %scan3A_37 : i32
      %add3A_46 = arith.constant 1 : i32
      %add3A_47 = arith.addi %mul3A_45, %add3A_46 : i32
      %dma_start3A_48 = arith.constant 0 : i32
      %dma_start3A_49 = tpu.memref_slice %arg7[%add3A_47, %dma_start3A_48] : memref<40x128xi32, #tpu.memory_space<vmem>> -> memref<1x128xi32, #tpu.memory_space<vmem>>
      %dma_start3A_50 = tpu.memref_squeeze %dma_start3A_49 : memref<1x128xi32, #tpu.memory_space<vmem>> -> memref<128xi32, #tpu.memory_space<vmem>>
      %dma_start3A_51 = arith.constant 0 : i32
      %dma_start3A_52 = arith.constant 0 : i32
      %dma_start3A_53 = tpu.memref_slice %arg2[%dma_start3A_51, %dma_start3A_52] : memref<10000x128xf32, #tpu.memory_space<hbm>> -> memref<10000x128xf32, #tpu.memory_space<hbm>>
      tpu.enqueue_indirect_dma source(%dma_start3A_53 : memref<10000x128xf32, #tpu.memory_space<hbm>>) target(%arg10 : memref<128x128xf32, #tpu.memory_space<vmem>>) offsets(%dma_start3A_50 : memref<128xi32, #tpu.memory_space<vmem>>) semaphore(%arg13 : memref<!tpu.dma_semaphore, #tpu.memory_space<semaphore_mem>>)
      %mul3A_54 = arith.constant 2 : i32
      %mul3A_55 = arith.muli %mul3A_54, %scan3A_37 : i32
      "tpu.region"() ({
        %run_scoped3A_69 = tpu.sem_alloc : memref<!tpu.dma_semaphore, #tpu.memory_space<semaphore_mem>>
        %dma_start3A_70 = arith.constant 0 : i32
        %dma_start3A_71 = tpu.memref_slice %arg8[%mul3A_55, %dma_start3A_70] : memref<40x128xi32, #tpu.memory_space<vmem>> -> memref<1x128xi32, #tpu.memory_space<vmem>>
        %dma_start3A_72 = tpu.memref_squeeze %dma_start3A_71 : memref<1x128xi32, #tpu.memory_space<vmem>> -> memref<128xi32, #tpu.memory_space<vmem>>
        %dma_start3A_73 = arith.constant 0 : i32
        %dma_start3A_74 = arith.constant 0 : i32
        %dma_start3A_75 = tpu.memref_slice %arg11[%dma_start3A_73, %dma_start3A_74] : memref<10240x128xf32, #tpu.memory_space<vmem_shared>> -> memref<10240x128xf32, #tpu.memory_space<vmem_shared>>
        tpu.enqueue_indirect_dma source(%arg9 : memref<128x128xf32, #tpu.memory_space<vmem>>) target(%dma_start3A_75 : memref<10240x128xf32, #tpu.memory_space<vmem_shared>>) offsets(%dma_start3A_72 : memref<128xi32, #tpu.memory_space<vmem>>) semaphore(%run_scoped3A_69 : memref<!tpu.dma_semaphore, #tpu.memory_space<semaphore_mem>>) {add = true}
        %dma_wait3A_76 = arith.constant 0 : i32
        %dma_wait3A_77 = tpu.memref_slice %arg8[%mul3A_55, %dma_wait3A_76] : memref<40x128xi32, #tpu.memory_space<vmem>> -> memref<1x128xi32, #tpu.memory_space<vmem>>
        %dma_wait3A_78 = tpu.memref_squeeze %dma_wait3A_77 : memref<1x128xi32, #tpu.memory_space<vmem>> -> memref<128xi32, #tpu.memory_space<vmem>>
        %dma_wait3A_79 = arith.constant 0 : i32
        %dma_wait3A_80 = arith.constant 0 : i32
        %dma_wait3A_81 = tpu.memref_slice %arg11[%dma_wait3A_79, %dma_wait3A_80] : memref<10240x128xf32, #tpu.memory_space<vmem_shared>> -> memref<10240x128xf32, #tpu.memory_space<vmem_shared>>
        tpu.wait_indirect_dma semaphore(%run_scoped3A_69 : memref<!tpu.dma_semaphore, #tpu.memory_space<semaphore_mem>>) src(%arg9 : memref<128x128xf32, #tpu.memory_space<vmem>>) dst(%dma_wait3A_81 : memref<10240x128xf32, #tpu.memory_space<vmem_shared>>)
        tpu.yield
      }) : () -> ()
      %dma_wait3A_56 = arith.constant 0 : i32
      %dma_wait3A_57 = arith.constant 0 : i32
      %dma_wait3A_58 = tpu.memref_slice %arg7[%dma_wait3A_56, %dma_wait3A_57] : memref<40x128xi32, #tpu.memory_space<vmem>> -> memref<1x128xi32, #tpu.memory_space<vmem>>
      %dma_wait3A_59 = tpu.memref_squeeze %dma_wait3A_58 : memref<1x128xi32, #tpu.memory_space<vmem>> -> memref<128xi32, #tpu.memory_space<vmem>>
      %dma_wait3A_60 = arith.constant 0 : i32
      %dma_wait3A_61 = arith.constant 0 : i32
      %dma_wait3A_62 = tpu.memref_slice %arg2[%dma_wait3A_60, %dma_wait3A_61] : memref<10000x128xf32, #tpu.memory_space<hbm>> -> memref<10000x128xf32, #tpu.memory_space<hbm>>
      tpu.wait_indirect_dma semaphore(%arg13 : memref<!tpu.dma_semaphore, #tpu.memory_space<semaphore_mem>>) src(%dma_wait3A_62 : memref<10000x128xf32, #tpu.memory_space<hbm>>) dst(%arg10 : memref<128x128xf32, #tpu.memory_space<vmem>>)
      %lt3A = arith.constant 19 : i32
      %lt3A_63 = arith.cmpi slt, %scan3A_37, %lt3A : i32
      %convert_element_type3A = arith.extui %lt3A_63 : i1 to i32
      %cond3A = arith.constant 0 : i32
      %cond3A_64 = arith.cmpi ne, %convert_element_type3A, %cond3A : i32
      scf.if %cond3A_64 {
        %mul3A_69 = arith.constant 2 : i32
        %mul3A_70 = arith.muli %mul3A_69, %scan3A_37 : i32
        %add3A_71 = arith.constant 2 : i32
        %add3A_72 = arith.addi %mul3A_70, %add3A_71 : i32
        %dma_start3A_73 = arith.constant 0 : i32
        %dma_start3A_74 = tpu.memref_slice %arg7[%add3A_72, %dma_start3A_73] : memref<40x128xi32, #tpu.memory_space<vmem>> -> memref<1x128xi32, #tpu.memory_space<vmem>>
        %dma_start3A_75 = tpu.memref_squeeze %dma_start3A_74 : memref<1x128xi32, #tpu.memory_space<vmem>> -> memref<128xi32, #tpu.memory_space<vmem>>
        %dma_start3A_76 = arith.constant 0 : i32
        %dma_start3A_77 = arith.constant 0 : i32
        %dma_start3A_78 = tpu.memref_slice %arg2[%dma_start3A_76, %dma_start3A_77] : memref<10000x128xf32, #tpu.memory_space<hbm>> -> memref<10000x128xf32, #tpu.memory_space<hbm>>
        tpu.enqueue_indirect_dma source(%dma_start3A_78 : memref<10000x128xf32, #tpu.memory_space<hbm>>) target(%arg9 : memref<128x128xf32, #tpu.memory_space<vmem>>) offsets(%dma_start3A_75 : memref<128xi32, #tpu.memory_space<vmem>>) semaphore(%arg12 : memref<!tpu.dma_semaphore, #tpu.memory_space<semaphore_mem>>)
      } else {
      }
      %mul3A_65 = arith.constant 2 : i32
      %mul3A_66 = arith.muli %mul3A_65, %scan3A_37 : i32
      %add3A_67 = arith.constant 1 : i32
      %add3A_68 = arith.addi %mul3A_66, %add3A_67 : i32
      "tpu.region"() ({
        %run_scoped3A_69 = tpu.sem_alloc : memref<!tpu.dma_semaphore, #tpu.memory_space<semaphore_mem>>
        %dma_start3A_70 = arith.constant 0 : i32
        %dma_start3A_71 = tpu.memref_slice %arg8[%add3A_68, %dma_start3A_70] : memref<40x128xi32, #tpu.memory_space<vmem>> -> memref<1x128xi32, #tpu.memory_space<vmem>>
        %dma_start3A_72 = tpu.memref_squeeze %dma_start3A_71 : memref<1x128xi32, #tpu.memory_space<vmem>> -> memref<128xi32, #tpu.memory_space<vmem>>
        %dma_start3A_73 = arith.constant 0 : i32
        %dma_start3A_74 = arith.constant 0 : i32
        %dma_start3A_75 = tpu.memref_slice %arg11[%dma_start3A_73, %dma_start3A_74] : memref<10240x128xf32, #tpu.memory_space<vmem_shared>> -> memref<10240x128xf32, #tpu.memory_space<vmem_shared>>
        tpu.enqueue_indirect_dma source(%arg10 : memref<128x128xf32, #tpu.memory_space<vmem>>) target(%dma_start3A_75 : memref<10240x128xf32, #tpu.memory_space<vmem_shared>>) offsets(%dma_start3A_72 : memref<128xi32, #tpu.memory_space<vmem>>) semaphore(%run_scoped3A_69 : memref<!tpu.dma_semaphore, #tpu.memory_space<semaphore_mem>>) {add = true}
        %dma_wait3A_76 = arith.constant 0 : i32
        %dma_wait3A_77 = tpu.memref_slice %arg8[%add3A_68, %dma_wait3A_76] : memref<40x128xi32, #tpu.memory_space<vmem>> -> memref<1x128xi32, #tpu.memory_space<vmem>>
        %dma_wait3A_78 = tpu.memref_squeeze %dma_wait3A_77 : memref<1x128xi32, #tpu.memory_space<vmem>> -> memref<128xi32, #tpu.memory_space<vmem>>
        %dma_wait3A_79 = arith.constant 0 : i32
        %dma_wait3A_80 = arith.constant 0 : i32
        %dma_wait3A_81 = tpu.memref_slice %arg11[%dma_wait3A_79, %dma_wait3A_80] : memref<10240x128xf32, #tpu.memory_space<vmem_shared>> -> memref<10240x128xf32, #tpu.memory_space<vmem_shared>>
        tpu.wait_indirect_dma semaphore(%run_scoped3A_69 : memref<!tpu.dma_semaphore, #tpu.memory_space<semaphore_mem>>) src(%arg10 : memref<128x128xf32, #tpu.memory_space<vmem>>) dst(%dma_wait3A_81 : memref<10240x128xf32, #tpu.memory_space<vmem_shared>>)
        tpu.yield
      }) : () -> ()
    }
    %scan3A_16 = arith.constant 20 : i32
    %run_scoped3A_17 = arith.constant 1 : i32
    "tpu.region"() ({
      %run_scoped3A_37 = tpu.sem_alloc : memref<!tpu.dma_semaphore, #tpu.memory_space<semaphore_mem>>
      %dma_start3A_38 = arith.constant 0 : i32
      %dma_start3A_39 = arith.constant 0 : i32
      %dma_start3A_40 = arith.constant 0 : i32
      %dma_start3A_41 = tpu.memref_slice %arg3[%add3A, %dma_start3A_38, %dma_start3A_39, %dma_start3A_40] : memref<32x2x40x128xi32, #tpu.memory_space<hbm>> -> memref<1x2x40x128xi32, #tpu.memory_space<hbm>>
      %dma_start3A_42 = tpu.memref_squeeze %dma_start3A_41 : memref<1x2x40x128xi32, #tpu.memory_space<hbm>> -> memref<2x40x128xi32, #tpu.memory_space<hbm>>
      %dma_start3A_43 = arith.constant 0 : i32
      %dma_start3A_44 = arith.constant 0 : i32
      %dma_start3A_45 = tpu.memref_slice %dma_start3A_42[%run_scoped3A_17, %dma_start3A_43, %dma_start3A_44] : memref<2x40x128xi32, #tpu.memory_space<hbm>> -> memref<1x40x128xi32, #tpu.memory_space<hbm>>
      %dma_start3A_46 = tpu.memref_squeeze %dma_start3A_45 : memref<1x40x128xi32, #tpu.memory_space<hbm>> -> memref<40x128xi32, #tpu.memory_space<hbm>>
      %dma_start3A_47 = arith.constant 0 : i32
      %dma_start3A_48 = arith.constant 0 : i32
      %dma_start3A_49 = arith.constant 0 : i32
      %dma_start3A_50 = tpu.memref_slice %arg3[%add3A, %dma_start3A_47, %dma_start3A_48, %dma_start3A_49] : memref<32x2x40x128xi32, #tpu.memory_space<hbm>> -> memref<1x2x40x128xi32, #tpu.memory_space<hbm>>
      %dma_start3A_51 = tpu.memref_squeeze %dma_start3A_50 : memref<1x2x40x128xi32, #tpu.memory_space<hbm>> -> memref<2x40x128xi32, #tpu.memory_space<hbm>>
      %dma_start3A_52 = arith.constant 0 : i32
      %dma_start3A_53 = arith.constant 0 : i32
      %dma_start3A_54 = tpu.memref_slice %dma_start3A_51[%run_scoped3A_17, %dma_start3A_52, %dma_start3A_53] : memref<2x40x128xi32, #tpu.memory_space<hbm>> -> memref<1x40x128xi32, #tpu.memory_space<hbm>>
      %dma_start3A_55 = tpu.memref_squeeze %dma_start3A_54 : memref<1x40x128xi32, #tpu.memory_space<hbm>> -> memref<40x128xi32, #tpu.memory_space<hbm>>
      tpu.enqueue_dma source(%dma_start3A_55 : memref<40x128xi32, #tpu.memory_space<hbm>>) target(%arg7 : memref<40x128xi32, #tpu.memory_space<vmem>>) target_semaphore(%run_scoped3A_37 : memref<!tpu.dma_semaphore, #tpu.memory_space<semaphore_mem>>)
      %dma_wait3A = arith.constant 0 : i32
      %dma_wait3A_56 = arith.constant 0 : i32
      %dma_wait3A_57 = arith.constant 0 : i32
      %dma_wait3A_58 = tpu.memref_slice %arg3[%add3A, %dma_wait3A, %dma_wait3A_56, %dma_wait3A_57] : memref<32x2x40x128xi32, #tpu.memory_space<hbm>> -> memref<1x2x40x128xi32, #tpu.memory_space<hbm>>
      %dma_wait3A_59 = tpu.memref_squeeze %dma_wait3A_58 : memref<1x2x40x128xi32, #tpu.memory_space<hbm>> -> memref<2x40x128xi32, #tpu.memory_space<hbm>>
      %dma_wait3A_60 = arith.constant 0 : i32
      %dma_wait3A_61 = arith.constant 0 : i32
      %dma_wait3A_62 = tpu.memref_slice %dma_wait3A_59[%run_scoped3A_17, %dma_wait3A_60, %dma_wait3A_61] : memref<2x40x128xi32, #tpu.memory_space<hbm>> -> memref<1x40x128xi32, #tpu.memory_space<hbm>>
      %dma_wait3A_63 = tpu.memref_squeeze %dma_wait3A_62 : memref<1x40x128xi32, #tpu.memory_space<hbm>> -> memref<40x128xi32, #tpu.memory_space<hbm>>
      %dma_wait3A_64 = arith.constant 0 : i32
      %dma_wait3A_65 = arith.constant 0 : i32
      %dma_wait3A_66 = arith.constant 0 : i32
      %dma_wait3A_67 = tpu.memref_slice %arg3[%add3A, %dma_wait3A_64, %dma_wait3A_65, %dma_wait3A_66] : memref<32x2x40x128xi32, #tpu.memory_space<hbm>> -> memref<1x2x40x128xi32, #tpu.memory_space<hbm>>
      %dma_wait3A_68 = tpu.memref_squeeze %dma_wait3A_67 : memref<1x2x40x128xi32, #tpu.memory_space<hbm>> -> memref<2x40x128xi32, #tpu.memory_space<hbm>>
      %dma_wait3A_69 = arith.constant 0 : i32
      %dma_wait3A_70 = arith.constant 0 : i32
      %dma_wait3A_71 = tpu.memref_slice %dma_wait3A_68[%run_scoped3A_17, %dma_wait3A_69, %dma_wait3A_70] : memref<2x40x128xi32, #tpu.memory_space<hbm>> -> memref<1x40x128xi32, #tpu.memory_space<hbm>>
      %dma_wait3A_72 = tpu.memref_squeeze %dma_wait3A_71 : memref<1x40x128xi32, #tpu.memory_space<hbm>> -> memref<40x128xi32, #tpu.memory_space<hbm>>
      tpu.wait_dma2 semaphore(%run_scoped3A_37 : memref<!tpu.dma_semaphore, #tpu.memory_space<semaphore_mem>>) src(%dma_wait3A_72 : memref<40x128xi32, #tpu.memory_space<hbm>>) dst(%arg7 : memref<40x128xi32, #tpu.memory_space<vmem>>)
      tpu.yield
    }) : () -> ()
    %run_scoped3A_18 = arith.constant 1 : i32
    "tpu.region"() ({
      %run_scoped3A_37 = tpu.sem_alloc : memref<!tpu.dma_semaphore, #tpu.memory_space<semaphore_mem>>
      %dma_start3A_38 = arith.constant 0 : i32
      %dma_start3A_39 = arith.constant 0 : i32
      %dma_start3A_40 = arith.constant 0 : i32
      %dma_start3A_41 = tpu.memref_slice %arg4[%add3A, %dma_start3A_38, %dma_start3A_39, %dma_start3A_40] : memref<32x2x40x128xi32, #tpu.memory_space<hbm>> -> memref<1x2x40x128xi32, #tpu.memory_space<hbm>>
      %dma_start3A_42 = tpu.memref_squeeze %dma_start3A_41 : memref<1x2x40x128xi32, #tpu.memory_space<hbm>> -> memref<2x40x128xi32, #tpu.memory_space<hbm>>
      %dma_start3A_43 = arith.constant 0 : i32
      %dma_start3A_44 = arith.constant 0 : i32
      %dma_start3A_45 = tpu.memref_slice %dma_start3A_42[%run_scoped3A_18, %dma_start3A_43, %dma_start3A_44] : memref<2x40x128xi32, #tpu.memory_space<hbm>> -> memref<1x40x128xi32, #tpu.memory_space<hbm>>
      %dma_start3A_46 = tpu.memref_squeeze %dma_start3A_45 : memref<1x40x128xi32, #tpu.memory_space<hbm>> -> memref<40x128xi32, #tpu.memory_space<hbm>>
      %dma_start3A_47 = arith.constant 0 : i32
      %dma_start3A_48 = arith.constant 0 : i32
      %dma_start3A_49 = arith.constant 0 : i32
      %dma_start3A_50 = tpu.memref_slice %arg4[%add3A, %dma_start3A_47, %dma_start3A_48, %dma_start3A_49] : memref<32x2x40x128xi32, #tpu.memory_space<hbm>> -> memref<1x2x40x128xi32, #tpu.memory_space<hbm>>
      %dma_start3A_51 = tpu.memref_squeeze %dma_start3A_50 : memref<1x2x40x128xi32, #tpu.memory_space<hbm>> -> memref<2x40x128xi32, #tpu.memory_space<hbm>>
      %dma_start3A_52 = arith.constant 0 : i32
      %dma_start3A_53 = arith.constant 0 : i32
      %dma_start3A_54 = tpu.memref_slice %dma_start3A_51[%run_scoped3A_18, %dma_start3A_52, %dma_start3A_53] : memref<2x40x128xi32, #tpu.memory_space<hbm>> -> memref<1x40x128xi32, #tpu.memory_space<hbm>>
      %dma_start3A_55 = tpu.memref_squeeze %dma_start3A_54 : memref<1x40x128xi32, #tpu.memory_space<hbm>> -> memref<40x128xi32, #tpu.memory_space<hbm>>
      tpu.enqueue_dma source(%dma_start3A_55 : memref<40x128xi32, #tpu.memory_space<hbm>>) target(%arg8 : memref<40x128xi32, #tpu.memory_space<vmem>>) target_semaphore(%run_scoped3A_37 : memref<!tpu.dma_semaphore, #tpu.memory_space<semaphore_mem>>)
      %dma_wait3A = arith.constant 0 : i32
      %dma_wait3A_56 = arith.constant 0 : i32
      %dma_wait3A_57 = arith.constant 0 : i32
      %dma_wait3A_58 = tpu.memref_slice %arg4[%add3A, %dma_wait3A, %dma_wait3A_56, %dma_wait3A_57] : memref<32x2x40x128xi32, #tpu.memory_space<hbm>> -> memref<1x2x40x128xi32, #tpu.memory_space<hbm>>
      %dma_wait3A_59 = tpu.memref_squeeze %dma_wait3A_58 : memref<1x2x40x128xi32, #tpu.memory_space<hbm>> -> memref<2x40x128xi32, #tpu.memory_space<hbm>>
      %dma_wait3A_60 = arith.constant 0 : i32
      %dma_wait3A_61 = arith.constant 0 : i32
      %dma_wait3A_62 = tpu.memref_slice %dma_wait3A_59[%run_scoped3A_18, %dma_wait3A_60, %dma_wait3A_61] : memref<2x40x128xi32, #tpu.memory_space<hbm>> -> memref<1x40x128xi32, #tpu.memory_space<hbm>>
      %dma_wait3A_63 = tpu.memref_squeeze %dma_wait3A_62 : memref<1x40x128xi32, #tpu.memory_space<hbm>> -> memref<40x128xi32, #tpu.memory_space<hbm>>
      %dma_wait3A_64 = arith.constant 0 : i32
      %dma_wait3A_65 = arith.constant 0 : i32
      %dma_wait3A_66 = arith.constant 0 : i32
      %dma_wait3A_67 = tpu.memref_slice %arg4[%add3A, %dma_wait3A_64, %dma_wait3A_65, %dma_wait3A_66] : memref<32x2x40x128xi32, #tpu.memory_space<hbm>> -> memref<1x2x40x128xi32, #tpu.memory_space<hbm>>
      %dma_wait3A_68 = tpu.memref_squeeze %dma_wait3A_67 : memref<1x2x40x128xi32, #tpu.memory_space<hbm>> -> memref<2x40x128xi32, #tpu.memory_space<hbm>>
      %dma_wait3A_69 = arith.constant 0 : i32
      %dma_wait3A_70 = arith.constant 0 : i32
      %dma_wait3A_71 = tpu.memref_slice %dma_wait3A_68[%run_scoped3A_18, %dma_wait3A_69, %dma_wait3A_70] : memref<2x40x128xi32, #tpu.memory_space<hbm>> -> memref<1x40x128xi32, #tpu.memory_space<hbm>>
      %dma_wait3A_72 = tpu.memref_squeeze %dma_wait3A_71 : memref<1x40x128xi32, #tpu.memory_space<hbm>> -> memref<40x128xi32, #tpu.memory_space<hbm>>
      tpu.wait_dma2 semaphore(%run_scoped3A_37 : memref<!tpu.dma_semaphore, #tpu.memory_space<semaphore_mem>>) src(%dma_wait3A_72 : memref<40x128xi32, #tpu.memory_space<hbm>>) dst(%arg8 : memref<40x128xi32, #tpu.memory_space<vmem>>)
      tpu.yield
    }) : () -> ()
    %dma_start3A_19 = arith.constant 0 : i32
    %dma_start3A_20 = arith.constant 0 : i32
    %dma_start3A_21 = tpu.memref_slice %arg7[%dma_start3A_19, %dma_start3A_20] : memref<40x128xi32, #tpu.memory_space<vmem>> -> memref<1x128xi32, #tpu.memory_space<vmem>>
    %dma_start3A_22 = tpu.memref_squeeze %dma_start3A_21 : memref<1x128xi32, #tpu.memory_space<vmem>> -> memref<128xi32, #tpu.memory_space<vmem>>
    %dma_start3A_23 = arith.constant 0 : i32
    %dma_start3A_24 = arith.constant 0 : i32
    %dma_start3A_25 = tpu.memref_slice %arg2[%dma_start3A_23, %dma_start3A_24] : memref<10000x128xf32, #tpu.memory_space<hbm>> -> memref<10000x128xf32, #tpu.memory_space<hbm>>
    tpu.enqueue_indirect_dma source(%dma_start3A_25 : memref<10000x128xf32, #tpu.memory_space<hbm>>) target(%arg9 : memref<128x128xf32, #tpu.memory_space<vmem>>) offsets(%dma_start3A_22 : memref<128xi32, #tpu.memory_space<vmem>>) semaphore(%arg12 : memref<!tpu.dma_semaphore, #tpu.memory_space<semaphore_mem>>)
    %scan3A_26 = arith.constant 0 : i32
    %scan3A_27 = arith.constant 0 : i32
    %scan3A_28 = arith.constant 20 : i32
    %scan3A_29 = arith.addi %scan3A_27, %scan3A_28 : i32
    %scan3A_30 = arith.constant 1 : i32
    scf.for %scan3A_37 = %scan3A_27 to %scan3A_29 step %scan3A_30  : i32 {
      %dma_wait3A = arith.constant 0 : i32
      %dma_wait3A_38 = arith.constant 0 : i32
      %dma_wait3A_39 = tpu.memref_slice %arg7[%dma_wait3A, %dma_wait3A_38] : memref<40x128xi32, #tpu.memory_space<vmem>> -> memref<1x128xi32, #tpu.memory_space<vmem>>
      %dma_wait3A_40 = tpu.memref_squeeze %dma_wait3A_39 : memref<1x128xi32, #tpu.memory_space<vmem>> -> memref<128xi32, #tpu.memory_space<vmem>>
      %dma_wait3A_41 = arith.constant 0 : i32
      %dma_wait3A_42 = arith.constant 0 : i32
      %dma_wait3A_43 = tpu.memref_slice %arg2[%dma_wait3A_41, %dma_wait3A_42] : memref<10000x128xf32, #tpu.memory_space<hbm>> -> memref<10000x128xf32, #tpu.memory_space<hbm>>
      tpu.wait_indirect_dma semaphore(%arg12 : memref<!tpu.dma_semaphore, #tpu.memory_space<semaphore_mem>>) src(%dma_wait3A_43 : memref<10000x128xf32, #tpu.memory_space<hbm>>) dst(%arg9 : memref<128x128xf32, #tpu.memory_space<vmem>>)
      %mul3A_44 = arith.constant 2 : i32
      %mul3A_45 = arith.muli %mul3A_44, %scan3A_37 : i32
      %add3A_46 = arith.constant 1 : i32
      %add3A_47 = arith.addi %mul3A_45, %add3A_46 : i32
      %dma_start3A_48 = arith.constant 0 : i32
      %dma_start3A_49 = tpu.memref_slice %arg7[%add3A_47, %dma_start3A_48] : memref<40x128xi32, #tpu.memory_space<vmem>> -> memref<1x128xi32, #tpu.memory_space<vmem>>
      %dma_start3A_50 = tpu.memref_squeeze %dma_start3A_49 : memref<1x128xi32, #tpu.memory_space<vmem>> -> memref<128xi32, #tpu.memory_space<vmem>>
      %dma_start3A_51 = arith.constant 0 : i32
      %dma_start3A_52 = arith.constant 0 : i32
      %dma_start3A_53 = tpu.memref_slice %arg2[%dma_start3A_51, %dma_start3A_52] : memref<10000x128xf32, #tpu.memory_space<hbm>> -> memref<10000x128xf32, #tpu.memory_space<hbm>>
      tpu.enqueue_indirect_dma source(%dma_start3A_53 : memref<10000x128xf32, #tpu.memory_space<hbm>>) target(%arg10 : memref<128x128xf32, #tpu.memory_space<vmem>>) offsets(%dma_start3A_50 : memref<128xi32, #tpu.memory_space<vmem>>) semaphore(%arg13 : memref<!tpu.dma_semaphore, #tpu.memory_space<semaphore_mem>>)
      %mul3A_54 = arith.constant 2 : i32
      %mul3A_55 = arith.muli %mul3A_54, %scan3A_37 : i32
      "tpu.region"() ({
        %run_scoped3A_69 = tpu.sem_alloc : memref<!tpu.dma_semaphore, #tpu.memory_space<semaphore_mem>>
        %dma_start3A_70 = arith.constant 0 : i32
        %dma_start3A_71 = tpu.memref_slice %arg8[%mul3A_55, %dma_start3A_70] : memref<40x128xi32, #tpu.memory_space<vmem>> -> memref<1x128xi32, #tpu.memory_space<vmem>>
        %dma_start3A_72 = tpu.memref_squeeze %dma_start3A_71 : memref<1x128xi32, #tpu.memory_space<vmem>> -> memref<128xi32, #tpu.memory_space<vmem>>
        %dma_start3A_73 = arith.constant 0 : i32
        %dma_start3A_74 = arith.constant 0 : i32
        %dma_start3A_75 = tpu.memref_slice %arg11[%dma_start3A_73, %dma_start3A_74] : memref<10240x128xf32, #tpu.memory_space<vmem_shared>> -> memref<10240x128xf32, #tpu.memory_space<vmem_shared>>
        tpu.enqueue_indirect_dma source(%arg9 : memref<128x128xf32, #tpu.memory_space<vmem>>) target(%dma_start3A_75 : memref<10240x128xf32, #tpu.memory_space<vmem_shared>>) offsets(%dma_start3A_72 : memref<128xi32, #tpu.memory_space<vmem>>) semaphore(%run_scoped3A_69 : memref<!tpu.dma_semaphore, #tpu.memory_space<semaphore_mem>>) {add = true}
        %dma_wait3A_76 = arith.constant 0 : i32
        %dma_wait3A_77 = tpu.memref_slice %arg8[%mul3A_55, %dma_wait3A_76] : memref<40x128xi32, #tpu.memory_space<vmem>> -> memref<1x128xi32, #tpu.memory_space<vmem>>
        %dma_wait3A_78 = tpu.memref_squeeze %dma_wait3A_77 : memref<1x128xi32, #tpu.memory_space<vmem>> -> memref<128xi32, #tpu.memory_space<vmem>>
        %dma_wait3A_79 = arith.constant 0 : i32
        %dma_wait3A_80 = arith.constant 0 : i32
        %dma_wait3A_81 = tpu.memref_slice %arg11[%dma_wait3A_79, %dma_wait3A_80] : memref<10240x128xf32, #tpu.memory_space<vmem_shared>> -> memref<10240x128xf32, #tpu.memory_space<vmem_shared>>
        tpu.wait_indirect_dma semaphore(%run_scoped3A_69 : memref<!tpu.dma_semaphore, #tpu.memory_space<semaphore_mem>>) src(%arg9 : memref<128x128xf32, #tpu.memory_space<vmem>>) dst(%dma_wait3A_81 : memref<10240x128xf32, #tpu.memory_space<vmem_shared>>)
        tpu.yield
      }) : () -> ()
      %dma_wait3A_56 = arith.constant 0 : i32
      %dma_wait3A_57 = arith.constant 0 : i32
      %dma_wait3A_58 = tpu.memref_slice %arg7[%dma_wait3A_56, %dma_wait3A_57] : memref<40x128xi32, #tpu.memory_space<vmem>> -> memref<1x128xi32, #tpu.memory_space<vmem>>
      %dma_wait3A_59 = tpu.memref_squeeze %dma_wait3A_58 : memref<1x128xi32, #tpu.memory_space<vmem>> -> memref<128xi32, #tpu.memory_space<vmem>>
      %dma_wait3A_60 = arith.constant 0 : i32
      %dma_wait3A_61 = arith.constant 0 : i32
      %dma_wait3A_62 = tpu.memref_slice %arg2[%dma_wait3A_60, %dma_wait3A_61] : memref<10000x128xf32, #tpu.memory_space<hbm>> -> memref<10000x128xf32, #tpu.memory_space<hbm>>
      tpu.wait_indirect_dma semaphore(%arg13 : memref<!tpu.dma_semaphore, #tpu.memory_space<semaphore_mem>>) src(%dma_wait3A_62 : memref<10000x128xf32, #tpu.memory_space<hbm>>) dst(%arg10 : memref<128x128xf32, #tpu.memory_space<vmem>>)
      %lt3A = arith.constant 19 : i32
      %lt3A_63 = arith.cmpi slt, %scan3A_37, %lt3A : i32
      %convert_element_type3A = arith.extui %lt3A_63 : i1 to i32
      %cond3A = arith.constant 0 : i32
      %cond3A_64 = arith.cmpi ne, %convert_element_type3A, %cond3A : i32
      scf.if %cond3A_64 {
        %mul3A_69 = arith.constant 2 : i32
        %mul3A_70 = arith.muli %mul3A_69, %scan3A_37 : i32
        %add3A_71 = arith.constant 2 : i32
        %add3A_72 = arith.addi %mul3A_70, %add3A_71 : i32
        %dma_start3A_73 = arith.constant 0 : i32
        %dma_start3A_74 = tpu.memref_slice %arg7[%add3A_72, %dma_start3A_73] : memref<40x128xi32, #tpu.memory_space<vmem>> -> memref<1x128xi32, #tpu.memory_space<vmem>>
        %dma_start3A_75 = tpu.memref_squeeze %dma_start3A_74 : memref<1x128xi32, #tpu.memory_space<vmem>> -> memref<128xi32, #tpu.memory_space<vmem>>
        %dma_start3A_76 = arith.constant 0 : i32
        %dma_start3A_77 = arith.constant 0 : i32
        %dma_start3A_78 = tpu.memref_slice %arg2[%dma_start3A_76, %dma_start3A_77] : memref<10000x128xf32, #tpu.memory_space<hbm>> -> memref<10000x128xf32, #tpu.memory_space<hbm>>
        tpu.enqueue_indirect_dma source(%dma_start3A_78 : memref<10000x128xf32, #tpu.memory_space<hbm>>) target(%arg9 : memref<128x128xf32, #tpu.memory_space<vmem>>) offsets(%dma_start3A_75 : memref<128xi32, #tpu.memory_space<vmem>>) semaphore(%arg12 : memref<!tpu.dma_semaphore, #tpu.memory_space<semaphore_mem>>)
      } else {
      }
      %mul3A_65 = arith.constant 2 : i32
      %mul3A_66 = arith.muli %mul3A_65, %scan3A_37 : i32
      %add3A_67 = arith.constant 1 : i32
      %add3A_68 = arith.addi %mul3A_66, %add3A_67 : i32
      "tpu.region"() ({
        %run_scoped3A_69 = tpu.sem_alloc : memref<!tpu.dma_semaphore, #tpu.memory_space<semaphore_mem>>
        %dma_start3A_70 = arith.constant 0 : i32
        %dma_start3A_71 = tpu.memref_slice %arg8[%add3A_68, %dma_start3A_70] : memref<40x128xi32, #tpu.memory_space<vmem>> -> memref<1x128xi32, #tpu.memory_space<vmem>>
        %dma_start3A_72 = tpu.memref_squeeze %dma_start3A_71 : memref<1x128xi32, #tpu.memory_space<vmem>> -> memref<128xi32, #tpu.memory_space<vmem>>
        %dma_start3A_73 = arith.constant 0 : i32
        %dma_start3A_74 = arith.constant 0 : i32
        %dma_start3A_75 = tpu.memref_slice %arg11[%dma_start3A_73, %dma_start3A_74] : memref<10240x128xf32, #tpu.memory_space<vmem_shared>> -> memref<10240x128xf32, #tpu.memory_space<vmem_shared>>
        tpu.enqueue_indirect_dma source(%arg10 : memref<128x128xf32, #tpu.memory_space<vmem>>) target(%dma_start3A_75 : memref<10240x128xf32, #tpu.memory_space<vmem_shared>>) offsets(%dma_start3A_72 : memref<128xi32, #tpu.memory_space<vmem>>) semaphore(%run_scoped3A_69 : memref<!tpu.dma_semaphore, #tpu.memory_space<semaphore_mem>>) {add = true}
        %dma_wait3A_76 = arith.constant 0 : i32
        %dma_wait3A_77 = tpu.memref_slice %arg8[%add3A_68, %dma_wait3A_76] : memref<40x128xi32, #tpu.memory_space<vmem>> -> memref<1x128xi32, #tpu.memory_space<vmem>>
        %dma_wait3A_78 = tpu.memref_squeeze %dma_wait3A_77 : memref<1x128xi32, #tpu.memory_space<vmem>> -> memref<128xi32, #tpu.memory_space<vmem>>
        %dma_wait3A_79 = arith.constant 0 : i32
        %dma_wait3A_80 = arith.constant 0 : i32
        %dma_wait3A_81 = tpu.memref_slice %arg11[%dma_wait3A_79, %dma_wait3A_80] : memref<10240x128xf32, #tpu.memory_space<vmem_shared>> -> memref<10240x128xf32, #tpu.memory_space<vmem_shared>>
        tpu.wait_indirect_dma semaphore(%run_scoped3A_69 : memref<!tpu.dma_semaphore, #tpu.memory_space<semaphore_mem>>) src(%arg10 : memref<128x128xf32, #tpu.memory_space<vmem>>) dst(%dma_wait3A_81 : memref<10240x128xf32, #tpu.memory_space<vmem_shared>>)
        tpu.yield
      }) : () -> ()
    }
    %scan3A_31 = arith.constant 20 : i32
    %barrier3A_32 = arith.constant 0 : index
    tpu.barrier barrier_id(%barrier3A_32)
    %mul3A_33 = arith.constant 640 : i32
    %mul3A_34 = arith.muli %arg1, %mul3A_33 : i32
    %mul3A_35 = arith.constant 640 : i32
    %mul3A_36 = arith.muli %arg1, %mul3A_35 : i32
    "tpu.region"() ({
      %run_scoped3A_37 = tpu.sem_alloc : memref<!tpu.dma_semaphore, #tpu.memory_space<semaphore_mem>>
      %dma_start3A_38 = arith.constant 0 : i32
      %dma_start3A_39 = arith.constant 0 : i32
      %dma_start3A_40 = tpu.memref_slice %arg6[%arg0, %dma_start3A_38, %dma_start3A_39] : memref<2x10240x128xf32, #tpu.memory_space<hbm>> -> memref<1x10240x128xf32, #tpu.memory_space<hbm>>
      %dma_start3A_41 = tpu.memref_squeeze %dma_start3A_40 : memref<1x10240x128xf32, #tpu.memory_space<hbm>> -> memref<10240x128xf32, #tpu.memory_space<hbm>>
      %dma_start3A_42 = arith.constant 0 : i32
      %dma_start3A_43 = tpu.memref_slice %dma_start3A_41[%mul3A_36, %dma_start3A_42] : memref<10240x128xf32, #tpu.memory_space<hbm>> -> memref<640x128xf32, #tpu.memory_space<hbm>>
      %dma_start3A_44 = arith.constant 0 : i32
      %dma_start3A_45 = tpu.memref_slice %arg11[%mul3A_34, %dma_start3A_44] : memref<10240x128xf32, #tpu.memory_space<vmem_shared>> -> memref<640x128xf32, #tpu.memory_space<vmem_shared>>
      tpu.enqueue_dma source(%dma_start3A_45 : memref<640x128xf32, #tpu.memory_space<vmem_shared>>) target(%dma_start3A_43 : memref<640x128xf32, #tpu.memory_space<hbm>>) target_semaphore(%run_scoped3A_37 : memref<!tpu.dma_semaphore, #tpu.memory_space<semaphore_mem>>)
      %dma_wait3A = arith.constant 0 : i32
      %dma_wait3A_46 = arith.constant 0 : i32
      %dma_wait3A_47 = tpu.memref_slice %arg6[%arg0, %dma_wait3A, %dma_wait3A_46] : memref<2x10240x128xf32, #tpu.memory_space<hbm>> -> memref<1x10240x128xf32, #tpu.memory_space<hbm>>
      %dma_wait3A_48 = tpu.memref_squeeze %dma_wait3A_47 : memref<1x10240x128xf32, #tpu.memory_space<hbm>> -> memref<10240x128xf32, #tpu.memory_space<hbm>>
      %dma_wait3A_49 = arith.constant 0 : i32
      %dma_wait3A_50 = tpu.memref_slice %dma_wait3A_48[%mul3A_36, %dma_wait3A_49] : memref<10240x128xf32, #tpu.memory_space<hbm>> -> memref<640x128xf32, #tpu.memory_space<hbm>>
      %dma_wait3A_51 = arith.constant 0 : i32
      %dma_wait3A_52 = tpu.memref_slice %arg11[%mul3A_34, %dma_wait3A_51] : memref<10240x128xf32, #tpu.memory_space<vmem_shared>> -> memref<640x128xf32, #tpu.memory_space<vmem_shared>>
      tpu.wait_dma2 semaphore(%run_scoped3A_37 : memref<!tpu.dma_semaphore, #tpu.memory_space<semaphore_mem>>) src(%dma_wait3A_52 : memref<640x128xf32, #tpu.memory_space<vmem_shared>>) dst(%dma_wait3A_50 : memref<640x128xf32, #tpu.memory_space<hbm>>)
      tpu.yield
    }) : () -> ()
    return
  }
}

#map = affine_map<(d0, d1) -> (0, 0)>
#map1 = affine_map<(d0, d1) -> (0, 0, 0, 0)>
#map2 = affine_map<(d0, d1) -> (0, 0, 0)>
module attributes {stable_mosaic.version = 14 : i64} {
  func.func @_sc_agg_body(%arg0: i32, %arg1: i32, %arg2: memref<10000x128xf32, #tpu.memory_space<hbm>>, %arg3: memref<32x2x40x128xi32, #tpu.memory_space<hbm>>, %arg4: memref<32x2x40x128xi32, #tpu.memory_space<hbm>>, %arg5: memref<10240x128xf32, #tpu.memory_space<hbm>>, %arg6: memref<2x10240x128xf32, #tpu.memory_space<hbm>>, %arg7: memref<40x128xi32, #tpu.memory_space<vmem>>, %arg8: memref<40x128xi32, #tpu.memory_space<vmem>>, %arg9: memref<128x128xf32, #tpu.memory_space<vmem>>, %arg10: memref<128x128xf32, #tpu.memory_space<vmem>>, %arg11: memref<10240x128xf32, #tpu.memory_space<vmem_shared>>, %arg12: memref<!tpu.dma_semaphore, #tpu.memory_space<semaphore_mem>>, %arg13: memref<!tpu.dma_semaphore, #tpu.memory_space<semaphore_mem>>) attributes {dimension_semantics = [#tpu.dimension_semantics<core_parallel>, #tpu.dimension_semantics<subcore_parallel>], iteration_bounds = array<i64: 2, 16>, scalar_prefetch = 0 : i64, scratch_operands = 7 : i64, tpu.core_type = #tpu.core_type<sc_vector_subcore>, window_params = [{transform_indices = #map}, {transform_indices = #map1}, {transform_indices = #map1}, {transform_indices = #map}, {transform_indices = #map2}]} {
    %mul3A = arith.constant 2 : i32
    %mul3A_0 = arith.muli %arg1, %mul3A : i32
    %add3A = arith.addi %mul3A_0, %arg0 : i32
    %mul3A_1 = arith.constant 640 : i32
    %mul3A_2 = arith.muli %arg1, %mul3A_1 : i32
    %mul3A_3 = arith.constant 640 : i32
    %mul3A_4 = arith.muli %arg1, %mul3A_3 : i32
    "tpu.region"() ({
      %run_scoped3A_37 = tpu.sem_alloc : memref<!tpu.dma_semaphore, #tpu.memory_space<semaphore_mem>>
      %dma_start3A_38 = arith.constant 0 : i32
      %dma_start3A_39 = tpu.memref_slice %arg11[%mul3A_4, %dma_start3A_38] : memref<10240x128xf32, #tpu.memory_space<vmem_shared>> -> memref<640x128xf32, #tpu.memory_space<vmem_shared>>
      %dma_start3A_40 = arith.constant 0 : i32
      %dma_start3A_41 = tpu.memref_slice %arg5[%mul3A_2, %dma_start3A_40] : memref<10240x128xf32, #tpu.memory_space<hbm>> -> memref<640x128xf32, #tpu.memory_space<hbm>>
      tpu.enqueue_dma source(%dma_start3A_41 : memref<640x128xf32, #tpu.memory_space<hbm>>) target(%dma_start3A_39 : memref<640x128xf32, #tpu.memory_space<vmem_shared>>) target_semaphore(%run_scoped3A_37 : memref<!tpu.dma_semaphore, #tpu.memory_space<semaphore_mem>>)
      %dma_wait3A = arith.constant 0 : i32
      %dma_wait3A_42 = tpu.memref_slice %arg11[%mul3A_4, %dma_wait3A] : memref<10240x128xf32, #tpu.memory_space<vmem_shared>> -> memref<640x128xf32, #tpu.memory_space<vmem_shared>>
      %dma_wait3A_43 = arith.constant 0 : i32
      %dma_wait3A_44 = tpu.memref_slice %arg5[%mul3A_2, %dma_wait3A_43] : memref<10240x128xf32, #tpu.memory_space<hbm>> -> memref<640x128xf32, #tpu.memory_space<hbm>>
      tpu.wait_dma2 semaphore(%run_scoped3A_37 : memref<!tpu.dma_semaphore, #tpu.memory_space<semaphore_mem>>) src(%dma_wait3A_44 : memref<640x128xf32, #tpu.memory_space<hbm>>) dst(%dma_wait3A_42 : memref<640x128xf32, #tpu.memory_space<vmem_shared>>)
      tpu.yield
    }) : () -> ()
    %barrier3A = arith.constant 0 : index
    tpu.barrier barrier_id(%barrier3A)
    %run_scoped3A = arith.constant 0 : i32
    "tpu.region"() ({
      %run_scoped3A_37 = tpu.sem_alloc : memref<!tpu.dma_semaphore, #tpu.memory_space<semaphore_mem>>
      %dma_start3A_38 = arith.constant 0 : i32
      %dma_start3A_39 = arith.constant 0 : i32
      %dma_start3A_40 = arith.constant 0 : i32
      %dma_start3A_41 = tpu.memref_slice %arg3[%add3A, %dma_start3A_38, %dma_start3A_39, %dma_start3A_40] : memref<32x2x40x128xi32, #tpu.memory_space<hbm>> -> memref<1x2x40x128xi32, #tpu.memory_space<hbm>>
      %dma_start3A_42 = tpu.memref_squeeze %dma_start3A_41 : memref<1x2x40x128xi32, #tpu.memory_space<hbm>> -> memref<2x40x128xi32, #tpu.memory_space<hbm>>
      %dma_start3A_43 = arith.constant 0 : i32
      %dma_start3A_44 = arith.constant 0 : i32
      %dma_start3A_45 = tpu.memref_slice %dma_start3A_42[%run_scoped3A, %dma_start3A_43, %dma_start3A_44] : memref<2x40x128xi32, #tpu.memory_space<hbm>> -> memref<1x40x128xi32, #tpu.memory_space<hbm>>
      %dma_start3A_46 = tpu.memref_squeeze %dma_start3A_45 : memref<1x40x128xi32, #tpu.memory_space<hbm>> -> memref<40x128xi32, #tpu.memory_space<hbm>>
      %dma_start3A_47 = arith.constant 0 : i32
      %dma_start3A_48 = arith.constant 0 : i32
      %dma_start3A_49 = arith.constant 0 : i32
      %dma_start3A_50 = tpu.memref_slice %arg3[%add3A, %dma_start3A_47, %dma_start3A_48, %dma_start3A_49] : memref<32x2x40x128xi32, #tpu.memory_space<hbm>> -> memref<1x2x40x128xi32, #tpu.memory_space<hbm>>
      %dma_start3A_51 = tpu.memref_squeeze %dma_start3A_50 : memref<1x2x40x128xi32, #tpu.memory_space<hbm>> -> memref<2x40x128xi32, #tpu.memory_space<hbm>>
      %dma_start3A_52 = arith.constant 0 : i32
      %dma_start3A_53 = arith.constant 0 : i32
      %dma_start3A_54 = tpu.memref_slice %dma_start3A_51[%run_scoped3A, %dma_start3A_52, %dma_start3A_53] : memref<2x40x128xi32, #tpu.memory_space<hbm>> -> memref<1x40x128xi32, #tpu.memory_space<hbm>>
      %dma_start3A_55 = tpu.memref_squeeze %dma_start3A_54 : memref<1x40x128xi32, #tpu.memory_space<hbm>> -> memref<40x128xi32, #tpu.memory_space<hbm>>
      tpu.enqueue_dma source(%dma_start3A_55 : memref<40x128xi32, #tpu.memory_space<hbm>>) target(%arg7 : memref<40x128xi32, #tpu.memory_space<vmem>>) target_semaphore(%run_scoped3A_37 : memref<!tpu.dma_semaphore, #tpu.memory_space<semaphore_mem>>)
      %dma_wait3A = arith.constant 0 : i32
      %dma_wait3A_56 = arith.constant 0 : i32
      %dma_wait3A_57 = arith.constant 0 : i32
      %dma_wait3A_58 = tpu.memref_slice %arg3[%add3A, %dma_wait3A, %dma_wait3A_56, %dma_wait3A_57] : memref<32x2x40x128xi32, #tpu.memory_space<hbm>> -> memref<1x2x40x128xi32, #tpu.memory_space<hbm>>
      %dma_wait3A_59 = tpu.memref_squeeze %dma_wait3A_58 : memref<1x2x40x128xi32, #tpu.memory_space<hbm>> -> memref<2x40x128xi32, #tpu.memory_space<hbm>>
      %dma_wait3A_60 = arith.constant 0 : i32
      %dma_wait3A_61 = arith.constant 0 : i32
      %dma_wait3A_62 = tpu.memref_slice %dma_wait3A_59[%run_scoped3A, %dma_wait3A_60, %dma_wait3A_61] : memref<2x40x128xi32, #tpu.memory_space<hbm>> -> memref<1x40x128xi32, #tpu.memory_space<hbm>>
      %dma_wait3A_63 = tpu.memref_squeeze %dma_wait3A_62 : memref<1x40x128xi32, #tpu.memory_space<hbm>> -> memref<40x128xi32, #tpu.memory_space<hbm>>
      %dma_wait3A_64 = arith.constant 0 : i32
      %dma_wait3A_65 = arith.constant 0 : i32
      %dma_wait3A_66 = arith.constant 0 : i32
      %dma_wait3A_67 = tpu.memref_slice %arg3[%add3A, %dma_wait3A_64, %dma_wait3A_65, %dma_wait3A_66] : memref<32x2x40x128xi32, #tpu.memory_space<hbm>> -> memref<1x2x40x128xi32, #tpu.memory_space<hbm>>
      %dma_wait3A_68 = tpu.memref_squeeze %dma_wait3A_67 : memref<1x2x40x128xi32, #tpu.memory_space<hbm>> -> memref<2x40x128xi32, #tpu.memory_space<hbm>>
      %dma_wait3A_69 = arith.constant 0 : i32
      %dma_wait3A_70 = arith.constant 0 : i32
      %dma_wait3A_71 = tpu.memref_slice %dma_wait3A_68[%run_scoped3A, %dma_wait3A_69, %dma_wait3A_70] : memref<2x40x128xi32, #tpu.memory_space<hbm>> -> memref<1x40x128xi32, #tpu.memory_space<hbm>>
      %dma_wait3A_72 = tpu.memref_squeeze %dma_wait3A_71 : memref<1x40x128xi32, #tpu.memory_space<hbm>> -> memref<40x128xi32, #tpu.memory_space<hbm>>
      tpu.wait_dma2 semaphore(%run_scoped3A_37 : memref<!tpu.dma_semaphore, #tpu.memory_space<semaphore_mem>>) src(%dma_wait3A_72 : memref<40x128xi32, #tpu.memory_space<hbm>>) dst(%arg7 : memref<40x128xi32, #tpu.memory_space<vmem>>)
      tpu.yield
    }) : () -> ()
    %run_scoped3A_5 = arith.constant 0 : i32
    "tpu.region"() ({
      %run_scoped3A_37 = tpu.sem_alloc : memref<!tpu.dma_semaphore, #tpu.memory_space<semaphore_mem>>
      %dma_start3A_38 = arith.constant 0 : i32
      %dma_start3A_39 = arith.constant 0 : i32
      %dma_start3A_40 = arith.constant 0 : i32
      %dma_start3A_41 = tpu.memref_slice %arg4[%add3A, %dma_start3A_38, %dma_start3A_39, %dma_start3A_40] : memref<32x2x40x128xi32, #tpu.memory_space<hbm>> -> memref<1x2x40x128xi32, #tpu.memory_space<hbm>>
      %dma_start3A_42 = tpu.memref_squeeze %dma_start3A_41 : memref<1x2x40x128xi32, #tpu.memory_space<hbm>> -> memref<2x40x128xi32, #tpu.memory_space<hbm>>
      %dma_start3A_43 = arith.constant 0 : i32
      %dma_start3A_44 = arith.constant 0 : i32
      %dma_start3A_45 = tpu.memref_slice %dma_start3A_42[%run_scoped3A_5, %dma_start3A_43, %dma_start3A_44] : memref<2x40x128xi32, #tpu.memory_space<hbm>> -> memref<1x40x128xi32, #tpu.memory_space<hbm>>
      %dma_start3A_46 = tpu.memref_squeeze %dma_start3A_45 : memref<1x40x128xi32, #tpu.memory_space<hbm>> -> memref<40x128xi32, #tpu.memory_space<hbm>>
      %dma_start3A_47 = arith.constant 0 : i32
      %dma_start3A_48 = arith.constant 0 : i32
      %dma_start3A_49 = arith.constant 0 : i32
      %dma_start3A_50 = tpu.memref_slice %arg4[%add3A, %dma_start3A_47, %dma_start3A_48, %dma_start3A_49] : memref<32x2x40x128xi32, #tpu.memory_space<hbm>> -> memref<1x2x40x128xi32, #tpu.memory_space<hbm>>
      %dma_start3A_51 = tpu.memref_squeeze %dma_start3A_50 : memref<1x2x40x128xi32, #tpu.memory_space<hbm>> -> memref<2x40x128xi32, #tpu.memory_space<hbm>>
      %dma_start3A_52 = arith.constant 0 : i32
      %dma_start3A_53 = arith.constant 0 : i32
      %dma_start3A_54 = tpu.memref_slice %dma_start3A_51[%run_scoped3A_5, %dma_start3A_52, %dma_start3A_53] : memref<2x40x128xi32, #tpu.memory_space<hbm>> -> memref<1x40x128xi32, #tpu.memory_space<hbm>>
      %dma_start3A_55 = tpu.memref_squeeze %dma_start3A_54 : memref<1x40x128xi32, #tpu.memory_space<hbm>> -> memref<40x128xi32, #tpu.memory_space<hbm>>
      tpu.enqueue_dma source(%dma_start3A_55 : memref<40x128xi32, #tpu.memory_space<hbm>>) target(%arg8 : memref<40x128xi32, #tpu.memory_space<vmem>>) target_semaphore(%run_scoped3A_37 : memref<!tpu.dma_semaphore, #tpu.memory_space<semaphore_mem>>)
      %dma_wait3A = arith.constant 0 : i32
      %dma_wait3A_56 = arith.constant 0 : i32
      %dma_wait3A_57 = arith.constant 0 : i32
      %dma_wait3A_58 = tpu.memref_slice %arg4[%add3A, %dma_wait3A, %dma_wait3A_56, %dma_wait3A_57] : memref<32x2x40x128xi32, #tpu.memory_space<hbm>> -> memref<1x2x40x128xi32, #tpu.memory_space<hbm>>
      %dma_wait3A_59 = tpu.memref_squeeze %dma_wait3A_58 : memref<1x2x40x128xi32, #tpu.memory_space<hbm>> -> memref<2x40x128xi32, #tpu.memory_space<hbm>>
      %dma_wait3A_60 = arith.constant 0 : i32
      %dma_wait3A_61 = arith.constant 0 : i32
      %dma_wait3A_62 = tpu.memref_slice %dma_wait3A_59[%run_scoped3A_5, %dma_wait3A_60, %dma_wait3A_61] : memref<2x40x128xi32, #tpu.memory_space<hbm>> -> memref<1x40x128xi32, #tpu.memory_space<hbm>>
      %dma_wait3A_63 = tpu.memref_squeeze %dma_wait3A_62 : memref<1x40x128xi32, #tpu.memory_space<hbm>> -> memref<40x128xi32, #tpu.memory_space<hbm>>
      %dma_wait3A_64 = arith.constant 0 : i32
      %dma_wait3A_65 = arith.constant 0 : i32
      %dma_wait3A_66 = arith.constant 0 : i32
      %dma_wait3A_67 = tpu.memref_slice %arg4[%add3A, %dma_wait3A_64, %dma_wait3A_65, %dma_wait3A_66] : memref<32x2x40x128xi32, #tpu.memory_space<hbm>> -> memref<1x2x40x128xi32, #tpu.memory_space<hbm>>
      %dma_wait3A_68 = tpu.memref_squeeze %dma_wait3A_67 : memref<1x2x40x128xi32, #tpu.memory_space<hbm>> -> memref<2x40x128xi32, #tpu.memory_space<hbm>>
      %dma_wait3A_69 = arith.constant 0 : i32
      %dma_wait3A_70 = arith.constant 0 : i32
      %dma_wait3A_71 = tpu.memref_slice %dma_wait3A_68[%run_scoped3A_5, %dma_wait3A_69, %dma_wait3A_70] : memref<2x40x128xi32, #tpu.memory_space<hbm>> -> memref<1x40x128xi32, #tpu.memory_space<hbm>>
      %dma_wait3A_72 = tpu.memref_squeeze %dma_wait3A_71 : memref<1x40x128xi32, #tpu.memory_space<hbm>> -> memref<40x128xi32, #tpu.memory_space<hbm>>
      tpu.wait_dma2 semaphore(%run_scoped3A_37 : memref<!tpu.dma_semaphore, #tpu.memory_space<semaphore_mem>>) src(%dma_wait3A_72 : memref<40x128xi32, #tpu.memory_space<hbm>>) dst(%arg8 : memref<40x128xi32, #tpu.memory_space<vmem>>)
      tpu.yield
    }) : () -> ()
    %dma_start3A = arith.constant 0 : i32
    %dma_start3A_6 = arith.constant 0 : i32
    %dma_start3A_7 = tpu.memref_slice %arg7[%dma_start3A, %dma_start3A_6] : memref<40x128xi32, #tpu.memory_space<vmem>> -> memref<1x128xi32, #tpu.memory_space<vmem>>
    %dma_start3A_8 = tpu.memref_squeeze %dma_start3A_7 : memref<1x128xi32, #tpu.memory_space<vmem>> -> memref<128xi32, #tpu.memory_space<vmem>>
    %dma_start3A_9 = arith.constant 0 : i32
    %dma_start3A_10 = arith.constant 0 : i32
    %dma_start3A_11 = tpu.memref_slice %arg2[%dma_start3A_9, %dma_start3A_10] : memref<10000x128xf32, #tpu.memory_space<hbm>> -> memref<10000x128xf32, #tpu.memory_space<hbm>>
    tpu.enqueue_indirect_dma source(%dma_start3A_11 : memref<10000x128xf32, #tpu.memory_space<hbm>>) target(%arg9 : memref<128x128xf32, #tpu.memory_space<vmem>>) offsets(%dma_start3A_8 : memref<128xi32, #tpu.memory_space<vmem>>) semaphore(%arg12 : memref<!tpu.dma_semaphore, #tpu.memory_space<semaphore_mem>>)
    %scan3A = arith.constant 0 : i32
    %scan3A_12 = arith.constant 0 : i32
    %scan3A_13 = arith.constant 20 : i32
    %scan3A_14 = arith.addi %scan3A_12, %scan3A_13 : i32
    %scan3A_15 = arith.constant 1 : i32
    scf.for %scan3A_37 = %scan3A_12 to %scan3A_14 step %scan3A_15  : i32 {
      %dma_wait3A = arith.constant 0 : i32
      %dma_wait3A_38 = arith.constant 0 : i32
      %dma_wait3A_39 = tpu.memref_slice %arg7[%dma_wait3A, %dma_wait3A_38] : memref<40x128xi32, #tpu.memory_space<vmem>> -> memref<1x128xi32, #tpu.memory_space<vmem>>
      %dma_wait3A_40 = tpu.memref_squeeze %dma_wait3A_39 : memref<1x128xi32, #tpu.memory_space<vmem>> -> memref<128xi32, #tpu.memory_space<vmem>>
      %dma_wait3A_41 = arith.constant 0 : i32
      %dma_wait3A_42 = arith.constant 0 : i32
      %dma_wait3A_43 = tpu.memref_slice %arg2[%dma_wait3A_41, %dma_wait3A_42] : memref<10000x128xf32, #tpu.memory_space<hbm>> -> memref<10000x128xf32, #tpu.memory_space<hbm>>
      tpu.wait_indirect_dma semaphore(%arg12 : memref<!tpu.dma_semaphore, #tpu.memory_space<semaphore_mem>>) src(%dma_wait3A_43 : memref<10000x128xf32, #tpu.memory_space<hbm>>) dst(%arg9 : memref<128x128xf32, #tpu.memory_space<vmem>>)
      %mul3A_44 = arith.constant 2 : i32
      %mul3A_45 = arith.muli %mul3A_44, %scan3A_37 : i32
      %add3A_46 = arith.constant 1 : i32
      %add3A_47 = arith.addi %mul3A_45, %add3A_46 : i32
      %dma_start3A_48 = arith.constant 0 : i32
      %dma_start3A_49 = tpu.memref_slice %arg7[%add3A_47, %dma_start3A_48] : memref<40x128xi32, #tpu.memory_space<vmem>> -> memref<1x128xi32, #tpu.memory_space<vmem>>
      %dma_start3A_50 = tpu.memref_squeeze %dma_start3A_49 : memref<1x128xi32, #tpu.memory_space<vmem>> -> memref<128xi32, #tpu.memory_space<vmem>>
      %dma_start3A_51 = arith.constant 0 : i32
      %dma_start3A_52 = arith.constant 0 : i32
      %dma_start3A_53 = tpu.memref_slice %arg2[%dma_start3A_51, %dma_start3A_52] : memref<10000x128xf32, #tpu.memory_space<hbm>> -> memref<10000x128xf32, #tpu.memory_space<hbm>>
      tpu.enqueue_indirect_dma source(%dma_start3A_53 : memref<10000x128xf32, #tpu.memory_space<hbm>>) target(%arg10 : memref<128x128xf32, #tpu.memory_space<vmem>>) offsets(%dma_start3A_50 : memref<128xi32, #tpu.memory_space<vmem>>) semaphore(%arg13 : memref<!tpu.dma_semaphore, #tpu.memory_space<semaphore_mem>>)
      %mul3A_54 = arith.constant 2 : i32
      %mul3A_55 = arith.muli %mul3A_54, %scan3A_37 : i32
      "tpu.region"() ({
        %run_scoped3A_69 = tpu.sem_alloc : memref<!tpu.dma_semaphore, #tpu.memory_space<semaphore_mem>>
        %dma_start3A_70 = arith.constant 0 : i32
        %dma_start3A_71 = tpu.memref_slice %arg8[%mul3A_55, %dma_start3A_70] : memref<40x128xi32, #tpu.memory_space<vmem>> -> memref<1x128xi32, #tpu.memory_space<vmem>>
        %dma_start3A_72 = tpu.memref_squeeze %dma_start3A_71 : memref<1x128xi32, #tpu.memory_space<vmem>> -> memref<128xi32, #tpu.memory_space<vmem>>
        %dma_start3A_73 = arith.constant 0 : i32
        %dma_start3A_74 = arith.constant 0 : i32
        %dma_start3A_75 = tpu.memref_slice %arg11[%dma_start3A_73, %dma_start3A_74] : memref<10240x128xf32, #tpu.memory_space<vmem_shared>> -> memref<10240x128xf32, #tpu.memory_space<vmem_shared>>
        tpu.enqueue_indirect_dma source(%arg9 : memref<128x128xf32, #tpu.memory_space<vmem>>) target(%dma_start3A_75 : memref<10240x128xf32, #tpu.memory_space<vmem_shared>>) offsets(%dma_start3A_72 : memref<128xi32, #tpu.memory_space<vmem>>) semaphore(%run_scoped3A_69 : memref<!tpu.dma_semaphore, #tpu.memory_space<semaphore_mem>>) {add = true}
        %dma_wait3A_76 = arith.constant 0 : i32
        %dma_wait3A_77 = tpu.memref_slice %arg8[%mul3A_55, %dma_wait3A_76] : memref<40x128xi32, #tpu.memory_space<vmem>> -> memref<1x128xi32, #tpu.memory_space<vmem>>
        %dma_wait3A_78 = tpu.memref_squeeze %dma_wait3A_77 : memref<1x128xi32, #tpu.memory_space<vmem>> -> memref<128xi32, #tpu.memory_space<vmem>>
        %dma_wait3A_79 = arith.constant 0 : i32
        %dma_wait3A_80 = arith.constant 0 : i32
        %dma_wait3A_81 = tpu.memref_slice %arg11[%dma_wait3A_79, %dma_wait3A_80] : memref<10240x128xf32, #tpu.memory_space<vmem_shared>> -> memref<10240x128xf32, #tpu.memory_space<vmem_shared>>
        tpu.wait_indirect_dma semaphore(%run_scoped3A_69 : memref<!tpu.dma_semaphore, #tpu.memory_space<semaphore_mem>>) src(%arg9 : memref<128x128xf32, #tpu.memory_space<vmem>>) dst(%dma_wait3A_81 : memref<10240x128xf32, #tpu.memory_space<vmem_shared>>)
        tpu.yield
      }) : () -> ()
      %dma_wait3A_56 = arith.constant 0 : i32
      %dma_wait3A_57 = arith.constant 0 : i32
      %dma_wait3A_58 = tpu.memref_slice %arg7[%dma_wait3A_56, %dma_wait3A_57] : memref<40x128xi32, #tpu.memory_space<vmem>> -> memref<1x128xi32, #tpu.memory_space<vmem>>
      %dma_wait3A_59 = tpu.memref_squeeze %dma_wait3A_58 : memref<1x128xi32, #tpu.memory_space<vmem>> -> memref<128xi32, #tpu.memory_space<vmem>>
      %dma_wait3A_60 = arith.constant 0 : i32
      %dma_wait3A_61 = arith.constant 0 : i32
      %dma_wait3A_62 = tpu.memref_slice %arg2[%dma_wait3A_60, %dma_wait3A_61] : memref<10000x128xf32, #tpu.memory_space<hbm>> -> memref<10000x128xf32, #tpu.memory_space<hbm>>
      tpu.wait_indirect_dma semaphore(%arg13 : memref<!tpu.dma_semaphore, #tpu.memory_space<semaphore_mem>>) src(%dma_wait3A_62 : memref<10000x128xf32, #tpu.memory_space<hbm>>) dst(%arg10 : memref<128x128xf32, #tpu.memory_space<vmem>>)
      %lt3A = arith.constant 19 : i32
      %lt3A_63 = arith.cmpi slt, %scan3A_37, %lt3A : i32
      %convert_element_type3A = arith.extui %lt3A_63 : i1 to i32
      %cond3A = arith.constant 0 : i32
      %cond3A_64 = arith.cmpi ne, %convert_element_type3A, %cond3A : i32
      scf.if %cond3A_64 {
        %mul3A_69 = arith.constant 2 : i32
        %mul3A_70 = arith.muli %mul3A_69, %scan3A_37 : i32
        %add3A_71 = arith.constant 2 : i32
        %add3A_72 = arith.addi %mul3A_70, %add3A_71 : i32
        %dma_start3A_73 = arith.constant 0 : i32
        %dma_start3A_74 = tpu.memref_slice %arg7[%add3A_72, %dma_start3A_73] : memref<40x128xi32, #tpu.memory_space<vmem>> -> memref<1x128xi32, #tpu.memory_space<vmem>>
        %dma_start3A_75 = tpu.memref_squeeze %dma_start3A_74 : memref<1x128xi32, #tpu.memory_space<vmem>> -> memref<128xi32, #tpu.memory_space<vmem>>
        %dma_start3A_76 = arith.constant 0 : i32
        %dma_start3A_77 = arith.constant 0 : i32
        %dma_start3A_78 = tpu.memref_slice %arg2[%dma_start3A_76, %dma_start3A_77] : memref<10000x128xf32, #tpu.memory_space<hbm>> -> memref<10000x128xf32, #tpu.memory_space<hbm>>
        tpu.enqueue_indirect_dma source(%dma_start3A_78 : memref<10000x128xf32, #tpu.memory_space<hbm>>) target(%arg9 : memref<128x128xf32, #tpu.memory_space<vmem>>) offsets(%dma_start3A_75 : memref<128xi32, #tpu.memory_space<vmem>>) semaphore(%arg12 : memref<!tpu.dma_semaphore, #tpu.memory_space<semaphore_mem>>)
      } else {
      }
      %mul3A_65 = arith.constant 2 : i32
      %mul3A_66 = arith.muli %mul3A_65, %scan3A_37 : i32
      %add3A_67 = arith.constant 1 : i32
      %add3A_68 = arith.addi %mul3A_66, %add3A_67 : i32
      "tpu.region"() ({
        %run_scoped3A_69 = tpu.sem_alloc : memref<!tpu.dma_semaphore, #tpu.memory_space<semaphore_mem>>
        %dma_start3A_70 = arith.constant 0 : i32
        %dma_start3A_71 = tpu.memref_slice %arg8[%add3A_68, %dma_start3A_70] : memref<40x128xi32, #tpu.memory_space<vmem>> -> memref<1x128xi32, #tpu.memory_space<vmem>>
        %dma_start3A_72 = tpu.memref_squeeze %dma_start3A_71 : memref<1x128xi32, #tpu.memory_space<vmem>> -> memref<128xi32, #tpu.memory_space<vmem>>
        %dma_start3A_73 = arith.constant 0 : i32
        %dma_start3A_74 = arith.constant 0 : i32
        %dma_start3A_75 = tpu.memref_slice %arg11[%dma_start3A_73, %dma_start3A_74] : memref<10240x128xf32, #tpu.memory_space<vmem_shared>> -> memref<10240x128xf32, #tpu.memory_space<vmem_shared>>
        tpu.enqueue_indirect_dma source(%arg10 : memref<128x128xf32, #tpu.memory_space<vmem>>) target(%dma_start3A_75 : memref<10240x128xf32, #tpu.memory_space<vmem_shared>>) offsets(%dma_start3A_72 : memref<128xi32, #tpu.memory_space<vmem>>) semaphore(%run_scoped3A_69 : memref<!tpu.dma_semaphore, #tpu.memory_space<semaphore_mem>>) {add = true}
        %dma_wait3A_76 = arith.constant 0 : i32
        %dma_wait3A_77 = tpu.memref_slice %arg8[%add3A_68, %dma_wait3A_76] : memref<40x128xi32, #tpu.memory_space<vmem>> -> memref<1x128xi32, #tpu.memory_space<vmem>>
        %dma_wait3A_78 = tpu.memref_squeeze %dma_wait3A_77 : memref<1x128xi32, #tpu.memory_space<vmem>> -> memref<128xi32, #tpu.memory_space<vmem>>
        %dma_wait3A_79 = arith.constant 0 : i32
        %dma_wait3A_80 = arith.constant 0 : i32
        %dma_wait3A_81 = tpu.memref_slice %arg11[%dma_wait3A_79, %dma_wait3A_80] : memref<10240x128xf32, #tpu.memory_space<vmem_shared>> -> memref<10240x128xf32, #tpu.memory_space<vmem_shared>>
        tpu.wait_indirect_dma semaphore(%run_scoped3A_69 : memref<!tpu.dma_semaphore, #tpu.memory_space<semaphore_mem>>) src(%arg10 : memref<128x128xf32, #tpu.memory_space<vmem>>) dst(%dma_wait3A_81 : memref<10240x128xf32, #tpu.memory_space<vmem_shared>>)
        tpu.yield
      }) : () -> ()
    }
    %scan3A_16 = arith.constant 20 : i32
    %run_scoped3A_17 = arith.constant 1 : i32
    "tpu.region"() ({
      %run_scoped3A_37 = tpu.sem_alloc : memref<!tpu.dma_semaphore, #tpu.memory_space<semaphore_mem>>
      %dma_start3A_38 = arith.constant 0 : i32
      %dma_start3A_39 = arith.constant 0 : i32
      %dma_start3A_40 = arith.constant 0 : i32
      %dma_start3A_41 = tpu.memref_slice %arg3[%add3A, %dma_start3A_38, %dma_start3A_39, %dma_start3A_40] : memref<32x2x40x128xi32, #tpu.memory_space<hbm>> -> memref<1x2x40x128xi32, #tpu.memory_space<hbm>>
      %dma_start3A_42 = tpu.memref_squeeze %dma_start3A_41 : memref<1x2x40x128xi32, #tpu.memory_space<hbm>> -> memref<2x40x128xi32, #tpu.memory_space<hbm>>
      %dma_start3A_43 = arith.constant 0 : i32
      %dma_start3A_44 = arith.constant 0 : i32
      %dma_start3A_45 = tpu.memref_slice %dma_start3A_42[%run_scoped3A_17, %dma_start3A_43, %dma_start3A_44] : memref<2x40x128xi32, #tpu.memory_space<hbm>> -> memref<1x40x128xi32, #tpu.memory_space<hbm>>
      %dma_start3A_46 = tpu.memref_squeeze %dma_start3A_45 : memref<1x40x128xi32, #tpu.memory_space<hbm>> -> memref<40x128xi32, #tpu.memory_space<hbm>>
      %dma_start3A_47 = arith.constant 0 : i32
      %dma_start3A_48 = arith.constant 0 : i32
      %dma_start3A_49 = arith.constant 0 : i32
      %dma_start3A_50 = tpu.memref_slice %arg3[%add3A, %dma_start3A_47, %dma_start3A_48, %dma_start3A_49] : memref<32x2x40x128xi32, #tpu.memory_space<hbm>> -> memref<1x2x40x128xi32, #tpu.memory_space<hbm>>
      %dma_start3A_51 = tpu.memref_squeeze %dma_start3A_50 : memref<1x2x40x128xi32, #tpu.memory_space<hbm>> -> memref<2x40x128xi32, #tpu.memory_space<hbm>>
      %dma_start3A_52 = arith.constant 0 : i32
      %dma_start3A_53 = arith.constant 0 : i32
      %dma_start3A_54 = tpu.memref_slice %dma_start3A_51[%run_scoped3A_17, %dma_start3A_52, %dma_start3A_53] : memref<2x40x128xi32, #tpu.memory_space<hbm>> -> memref<1x40x128xi32, #tpu.memory_space<hbm>>
      %dma_start3A_55 = tpu.memref_squeeze %dma_start3A_54 : memref<1x40x128xi32, #tpu.memory_space<hbm>> -> memref<40x128xi32, #tpu.memory_space<hbm>>
      tpu.enqueue_dma source(%dma_start3A_55 : memref<40x128xi32, #tpu.memory_space<hbm>>) target(%arg7 : memref<40x128xi32, #tpu.memory_space<vmem>>) target_semaphore(%run_scoped3A_37 : memref<!tpu.dma_semaphore, #tpu.memory_space<semaphore_mem>>)
      %dma_wait3A = arith.constant 0 : i32
      %dma_wait3A_56 = arith.constant 0 : i32
      %dma_wait3A_57 = arith.constant 0 : i32
      %dma_wait3A_58 = tpu.memref_slice %arg3[%add3A, %dma_wait3A, %dma_wait3A_56, %dma_wait3A_57] : memref<32x2x40x128xi32, #tpu.memory_space<hbm>> -> memref<1x2x40x128xi32, #tpu.memory_space<hbm>>
      %dma_wait3A_59 = tpu.memref_squeeze %dma_wait3A_58 : memref<1x2x40x128xi32, #tpu.memory_space<hbm>> -> memref<2x40x128xi32, #tpu.memory_space<hbm>>
      %dma_wait3A_60 = arith.constant 0 : i32
      %dma_wait3A_61 = arith.constant 0 : i32
      %dma_wait3A_62 = tpu.memref_slice %dma_wait3A_59[%run_scoped3A_17, %dma_wait3A_60, %dma_wait3A_61] : memref<2x40x128xi32, #tpu.memory_space<hbm>> -> memref<1x40x128xi32, #tpu.memory_space<hbm>>
      %dma_wait3A_63 = tpu.memref_squeeze %dma_wait3A_62 : memref<1x40x128xi32, #tpu.memory_space<hbm>> -> memref<40x128xi32, #tpu.memory_space<hbm>>
      %dma_wait3A_64 = arith.constant 0 : i32
      %dma_wait3A_65 = arith.constant 0 : i32
      %dma_wait3A_66 = arith.constant 0 : i32
      %dma_wait3A_67 = tpu.memref_slice %arg3[%add3A, %dma_wait3A_64, %dma_wait3A_65, %dma_wait3A_66] : memref<32x2x40x128xi32, #tpu.memory_space<hbm>> -> memref<1x2x40x128xi32, #tpu.memory_space<hbm>>
      %dma_wait3A_68 = tpu.memref_squeeze %dma_wait3A_67 : memref<1x2x40x128xi32, #tpu.memory_space<hbm>> -> memref<2x40x128xi32, #tpu.memory_space<hbm>>
      %dma_wait3A_69 = arith.constant 0 : i32
      %dma_wait3A_70 = arith.constant 0 : i32
      %dma_wait3A_71 = tpu.memref_slice %dma_wait3A_68[%run_scoped3A_17, %dma_wait3A_69, %dma_wait3A_70] : memref<2x40x128xi32, #tpu.memory_space<hbm>> -> memref<1x40x128xi32, #tpu.memory_space<hbm>>
      %dma_wait3A_72 = tpu.memref_squeeze %dma_wait3A_71 : memref<1x40x128xi32, #tpu.memory_space<hbm>> -> memref<40x128xi32, #tpu.memory_space<hbm>>
      tpu.wait_dma2 semaphore(%run_scoped3A_37 : memref<!tpu.dma_semaphore, #tpu.memory_space<semaphore_mem>>) src(%dma_wait3A_72 : memref<40x128xi32, #tpu.memory_space<hbm>>) dst(%arg7 : memref<40x128xi32, #tpu.memory_space<vmem>>)
      tpu.yield
    }) : () -> ()
    %run_scoped3A_18 = arith.constant 1 : i32
    "tpu.region"() ({
      %run_scoped3A_37 = tpu.sem_alloc : memref<!tpu.dma_semaphore, #tpu.memory_space<semaphore_mem>>
      %dma_start3A_38 = arith.constant 0 : i32
      %dma_start3A_39 = arith.constant 0 : i32
      %dma_start3A_40 = arith.constant 0 : i32
      %dma_start3A_41 = tpu.memref_slice %arg4[%add3A, %dma_start3A_38, %dma_start3A_39, %dma_start3A_40] : memref<32x2x40x128xi32, #tpu.memory_space<hbm>> -> memref<1x2x40x128xi32, #tpu.memory_space<hbm>>
      %dma_start3A_42 = tpu.memref_squeeze %dma_start3A_41 : memref<1x2x40x128xi32, #tpu.memory_space<hbm>> -> memref<2x40x128xi32, #tpu.memory_space<hbm>>
      %dma_start3A_43 = arith.constant 0 : i32
      %dma_start3A_44 = arith.constant 0 : i32
      %dma_start3A_45 = tpu.memref_slice %dma_start3A_42[%run_scoped3A_18, %dma_start3A_43, %dma_start3A_44] : memref<2x40x128xi32, #tpu.memory_space<hbm>> -> memref<1x40x128xi32, #tpu.memory_space<hbm>>
      %dma_start3A_46 = tpu.memref_squeeze %dma_start3A_45 : memref<1x40x128xi32, #tpu.memory_space<hbm>> -> memref<40x128xi32, #tpu.memory_space<hbm>>
      %dma_start3A_47 = arith.constant 0 : i32
      %dma_start3A_48 = arith.constant 0 : i32
      %dma_start3A_49 = arith.constant 0 : i32
      %dma_start3A_50 = tpu.memref_slice %arg4[%add3A, %dma_start3A_47, %dma_start3A_48, %dma_start3A_49] : memref<32x2x40x128xi32, #tpu.memory_space<hbm>> -> memref<1x2x40x128xi32, #tpu.memory_space<hbm>>
      %dma_start3A_51 = tpu.memref_squeeze %dma_start3A_50 : memref<1x2x40x128xi32, #tpu.memory_space<hbm>> -> memref<2x40x128xi32, #tpu.memory_space<hbm>>
      %dma_start3A_52 = arith.constant 0 : i32
      %dma_start3A_53 = arith.constant 0 : i32
      %dma_start3A_54 = tpu.memref_slice %dma_start3A_51[%run_scoped3A_18, %dma_start3A_52, %dma_start3A_53] : memref<2x40x128xi32, #tpu.memory_space<hbm>> -> memref<1x40x128xi32, #tpu.memory_space<hbm>>
      %dma_start3A_55 = tpu.memref_squeeze %dma_start3A_54 : memref<1x40x128xi32, #tpu.memory_space<hbm>> -> memref<40x128xi32, #tpu.memory_space<hbm>>
      tpu.enqueue_dma source(%dma_start3A_55 : memref<40x128xi32, #tpu.memory_space<hbm>>) target(%arg8 : memref<40x128xi32, #tpu.memory_space<vmem>>) target_semaphore(%run_scoped3A_37 : memref<!tpu.dma_semaphore, #tpu.memory_space<semaphore_mem>>)
      %dma_wait3A = arith.constant 0 : i32
      %dma_wait3A_56 = arith.constant 0 : i32
      %dma_wait3A_57 = arith.constant 0 : i32
      %dma_wait3A_58 = tpu.memref_slice %arg4[%add3A, %dma_wait3A, %dma_wait3A_56, %dma_wait3A_57] : memref<32x2x40x128xi32, #tpu.memory_space<hbm>> -> memref<1x2x40x128xi32, #tpu.memory_space<hbm>>
      %dma_wait3A_59 = tpu.memref_squeeze %dma_wait3A_58 : memref<1x2x40x128xi32, #tpu.memory_space<hbm>> -> memref<2x40x128xi32, #tpu.memory_space<hbm>>
      %dma_wait3A_60 = arith.constant 0 : i32
      %dma_wait3A_61 = arith.constant 0 : i32
      %dma_wait3A_62 = tpu.memref_slice %dma_wait3A_59[%run_scoped3A_18, %dma_wait3A_60, %dma_wait3A_61] : memref<2x40x128xi32, #tpu.memory_space<hbm>> -> memref<1x40x128xi32, #tpu.memory_space<hbm>>
      %dma_wait3A_63 = tpu.memref_squeeze %dma_wait3A_62 : memref<1x40x128xi32, #tpu.memory_space<hbm>> -> memref<40x128xi32, #tpu.memory_space<hbm>>
      %dma_wait3A_64 = arith.constant 0 : i32
      %dma_wait3A_65 = arith.constant 0 : i32
      %dma_wait3A_66 = arith.constant 0 : i32
      %dma_wait3A_67 = tpu.memref_slice %arg4[%add3A, %dma_wait3A_64, %dma_wait3A_65, %dma_wait3A_66] : memref<32x2x40x128xi32, #tpu.memory_space<hbm>> -> memref<1x2x40x128xi32, #tpu.memory_space<hbm>>
      %dma_wait3A_68 = tpu.memref_squeeze %dma_wait3A_67 : memref<1x2x40x128xi32, #tpu.memory_space<hbm>> -> memref<2x40x128xi32, #tpu.memory_space<hbm>>
      %dma_wait3A_69 = arith.constant 0 : i32
      %dma_wait3A_70 = arith.constant 0 : i32
      %dma_wait3A_71 = tpu.memref_slice %dma_wait3A_68[%run_scoped3A_18, %dma_wait3A_69, %dma_wait3A_70] : memref<2x40x128xi32, #tpu.memory_space<hbm>> -> memref<1x40x128xi32, #tpu.memory_space<hbm>>
      %dma_wait3A_72 = tpu.memref_squeeze %dma_wait3A_71 : memref<1x40x128xi32, #tpu.memory_space<hbm>> -> memref<40x128xi32, #tpu.memory_space<hbm>>
      tpu.wait_dma2 semaphore(%run_scoped3A_37 : memref<!tpu.dma_semaphore, #tpu.memory_space<semaphore_mem>>) src(%dma_wait3A_72 : memref<40x128xi32, #tpu.memory_space<hbm>>) dst(%arg8 : memref<40x128xi32, #tpu.memory_space<vmem>>)
      tpu.yield
    }) : () -> ()
    %dma_start3A_19 = arith.constant 0 : i32
    %dma_start3A_20 = arith.constant 0 : i32
    %dma_start3A_21 = tpu.memref_slice %arg7[%dma_start3A_19, %dma_start3A_20] : memref<40x128xi32, #tpu.memory_space<vmem>> -> memref<1x128xi32, #tpu.memory_space<vmem>>
    %dma_start3A_22 = tpu.memref_squeeze %dma_start3A_21 : memref<1x128xi32, #tpu.memory_space<vmem>> -> memref<128xi32, #tpu.memory_space<vmem>>
    %dma_start3A_23 = arith.constant 0 : i32
    %dma_start3A_24 = arith.constant 0 : i32
    %dma_start3A_25 = tpu.memref_slice %arg2[%dma_start3A_23, %dma_start3A_24] : memref<10000x128xf32, #tpu.memory_space<hbm>> -> memref<10000x128xf32, #tpu.memory_space<hbm>>
    tpu.enqueue_indirect_dma source(%dma_start3A_25 : memref<10000x128xf32, #tpu.memory_space<hbm>>) target(%arg9 : memref<128x128xf32, #tpu.memory_space<vmem>>) offsets(%dma_start3A_22 : memref<128xi32, #tpu.memory_space<vmem>>) semaphore(%arg12 : memref<!tpu.dma_semaphore, #tpu.memory_space<semaphore_mem>>)
    %scan3A_26 = arith.constant 0 : i32
    %scan3A_27 = arith.constant 0 : i32
    %scan3A_28 = arith.constant 20 : i32
    %scan3A_29 = arith.addi %scan3A_27, %scan3A_28 : i32
    %scan3A_30 = arith.constant 1 : i32
    scf.for %scan3A_37 = %scan3A_27 to %scan3A_29 step %scan3A_30  : i32 {
      %dma_wait3A = arith.constant 0 : i32
      %dma_wait3A_38 = arith.constant 0 : i32
      %dma_wait3A_39 = tpu.memref_slice %arg7[%dma_wait3A, %dma_wait3A_38] : memref<40x128xi32, #tpu.memory_space<vmem>> -> memref<1x128xi32, #tpu.memory_space<vmem>>
      %dma_wait3A_40 = tpu.memref_squeeze %dma_wait3A_39 : memref<1x128xi32, #tpu.memory_space<vmem>> -> memref<128xi32, #tpu.memory_space<vmem>>
      %dma_wait3A_41 = arith.constant 0 : i32
      %dma_wait3A_42 = arith.constant 0 : i32
      %dma_wait3A_43 = tpu.memref_slice %arg2[%dma_wait3A_41, %dma_wait3A_42] : memref<10000x128xf32, #tpu.memory_space<hbm>> -> memref<10000x128xf32, #tpu.memory_space<hbm>>
      tpu.wait_indirect_dma semaphore(%arg12 : memref<!tpu.dma_semaphore, #tpu.memory_space<semaphore_mem>>) src(%dma_wait3A_43 : memref<10000x128xf32, #tpu.memory_space<hbm>>) dst(%arg9 : memref<128x128xf32, #tpu.memory_space<vmem>>)
      %mul3A_44 = arith.constant 2 : i32
      %mul3A_45 = arith.muli %mul3A_44, %scan3A_37 : i32
      %add3A_46 = arith.constant 1 : i32
      %add3A_47 = arith.addi %mul3A_45, %add3A_46 : i32
      %dma_start3A_48 = arith.constant 0 : i32
      %dma_start3A_49 = tpu.memref_slice %arg7[%add3A_47, %dma_start3A_48] : memref<40x128xi32, #tpu.memory_space<vmem>> -> memref<1x128xi32, #tpu.memory_space<vmem>>
      %dma_start3A_50 = tpu.memref_squeeze %dma_start3A_49 : memref<1x128xi32, #tpu.memory_space<vmem>> -> memref<128xi32, #tpu.memory_space<vmem>>
      %dma_start3A_51 = arith.constant 0 : i32
      %dma_start3A_52 = arith.constant 0 : i32
      %dma_start3A_53 = tpu.memref_slice %arg2[%dma_start3A_51, %dma_start3A_52] : memref<10000x128xf32, #tpu.memory_space<hbm>> -> memref<10000x128xf32, #tpu.memory_space<hbm>>
      tpu.enqueue_indirect_dma source(%dma_start3A_53 : memref<10000x128xf32, #tpu.memory_space<hbm>>) target(%arg10 : memref<128x128xf32, #tpu.memory_space<vmem>>) offsets(%dma_start3A_50 : memref<128xi32, #tpu.memory_space<vmem>>) semaphore(%arg13 : memref<!tpu.dma_semaphore, #tpu.memory_space<semaphore_mem>>)
      %mul3A_54 = arith.constant 2 : i32
      %mul3A_55 = arith.muli %mul3A_54, %scan3A_37 : i32
      "tpu.region"() ({
        %run_scoped3A_69 = tpu.sem_alloc : memref<!tpu.dma_semaphore, #tpu.memory_space<semaphore_mem>>
        %dma_start3A_70 = arith.constant 0 : i32
        %dma_start3A_71 = tpu.memref_slice %arg8[%mul3A_55, %dma_start3A_70] : memref<40x128xi32, #tpu.memory_space<vmem>> -> memref<1x128xi32, #tpu.memory_space<vmem>>
        %dma_start3A_72 = tpu.memref_squeeze %dma_start3A_71 : memref<1x128xi32, #tpu.memory_space<vmem>> -> memref<128xi32, #tpu.memory_space<vmem>>
        %dma_start3A_73 = arith.constant 0 : i32
        %dma_start3A_74 = arith.constant 0 : i32
        %dma_start3A_75 = tpu.memref_slice %arg11[%dma_start3A_73, %dma_start3A_74] : memref<10240x128xf32, #tpu.memory_space<vmem_shared>> -> memref<10240x128xf32, #tpu.memory_space<vmem_shared>>
        tpu.enqueue_indirect_dma source(%arg9 : memref<128x128xf32, #tpu.memory_space<vmem>>) target(%dma_start3A_75 : memref<10240x128xf32, #tpu.memory_space<vmem_shared>>) offsets(%dma_start3A_72 : memref<128xi32, #tpu.memory_space<vmem>>) semaphore(%run_scoped3A_69 : memref<!tpu.dma_semaphore, #tpu.memory_space<semaphore_mem>>) {add = true}
        %dma_wait3A_76 = arith.constant 0 : i32
        %dma_wait3A_77 = tpu.memref_slice %arg8[%mul3A_55, %dma_wait3A_76] : memref<40x128xi32, #tpu.memory_space<vmem>> -> memref<1x128xi32, #tpu.memory_space<vmem>>
        %dma_wait3A_78 = tpu.memref_squeeze %dma_wait3A_77 : memref<1x128xi32, #tpu.memory_space<vmem>> -> memref<128xi32, #tpu.memory_space<vmem>>
        %dma_wait3A_79 = arith.constant 0 : i32
        %dma_wait3A_80 = arith.constant 0 : i32
        %dma_wait3A_81 = tpu.memref_slice %arg11[%dma_wait3A_79, %dma_wait3A_80] : memref<10240x128xf32, #tpu.memory_space<vmem_shared>> -> memref<10240x128xf32, #tpu.memory_space<vmem_shared>>
        tpu.wait_indirect_dma semaphore(%run_scoped3A_69 : memref<!tpu.dma_semaphore, #tpu.memory_space<semaphore_mem>>) src(%arg9 : memref<128x128xf32, #tpu.memory_space<vmem>>) dst(%dma_wait3A_81 : memref<10240x128xf32, #tpu.memory_space<vmem_shared>>)
        tpu.yield
      }) : () -> ()
      %dma_wait3A_56 = arith.constant 0 : i32
      %dma_wait3A_57 = arith.constant 0 : i32
      %dma_wait3A_58 = tpu.memref_slice %arg7[%dma_wait3A_56, %dma_wait3A_57] : memref<40x128xi32, #tpu.memory_space<vmem>> -> memref<1x128xi32, #tpu.memory_space<vmem>>
      %dma_wait3A_59 = tpu.memref_squeeze %dma_wait3A_58 : memref<1x128xi32, #tpu.memory_space<vmem>> -> memref<128xi32, #tpu.memory_space<vmem>>
      %dma_wait3A_60 = arith.constant 0 : i32
      %dma_wait3A_61 = arith.constant 0 : i32
      %dma_wait3A_62 = tpu.memref_slice %arg2[%dma_wait3A_60, %dma_wait3A_61] : memref<10000x128xf32, #tpu.memory_space<hbm>> -> memref<10000x128xf32, #tpu.memory_space<hbm>>
      tpu.wait_indirect_dma semaphore(%arg13 : memref<!tpu.dma_semaphore, #tpu.memory_space<semaphore_mem>>) src(%dma_wait3A_62 : memref<10000x128xf32, #tpu.memory_space<hbm>>) dst(%arg10 : memref<128x128xf32, #tpu.memory_space<vmem>>)
      %lt3A = arith.constant 19 : i32
      %lt3A_63 = arith.cmpi slt, %scan3A_37, %lt3A : i32
      %convert_element_type3A = arith.extui %lt3A_63 : i1 to i32
      %cond3A = arith.constant 0 : i32
      %cond3A_64 = arith.cmpi ne, %convert_element_type3A, %cond3A : i32
      scf.if %cond3A_64 {
        %mul3A_69 = arith.constant 2 : i32
        %mul3A_70 = arith.muli %mul3A_69, %scan3A_37 : i32
        %add3A_71 = arith.constant 2 : i32
        %add3A_72 = arith.addi %mul3A_70, %add3A_71 : i32
        %dma_start3A_73 = arith.constant 0 : i32
        %dma_start3A_74 = tpu.memref_slice %arg7[%add3A_72, %dma_start3A_73] : memref<40x128xi32, #tpu.memory_space<vmem>> -> memref<1x128xi32, #tpu.memory_space<vmem>>
        %dma_start3A_75 = tpu.memref_squeeze %dma_start3A_74 : memref<1x128xi32, #tpu.memory_space<vmem>> -> memref<128xi32, #tpu.memory_space<vmem>>
        %dma_start3A_76 = arith.constant 0 : i32
        %dma_start3A_77 = arith.constant 0 : i32
        %dma_start3A_78 = tpu.memref_slice %arg2[%dma_start3A_76, %dma_start3A_77] : memref<10000x128xf32, #tpu.memory_space<hbm>> -> memref<10000x128xf32, #tpu.memory_space<hbm>>
        tpu.enqueue_indirect_dma source(%dma_start3A_78 : memref<10000x128xf32, #tpu.memory_space<hbm>>) target(%arg9 : memref<128x128xf32, #tpu.memory_space<vmem>>) offsets(%dma_start3A_75 : memref<128xi32, #tpu.memory_space<vmem>>) semaphore(%arg12 : memref<!tpu.dma_semaphore, #tpu.memory_space<semaphore_mem>>)
      } else {
      }
      %mul3A_65 = arith.constant 2 : i32
      %mul3A_66 = arith.muli %mul3A_65, %scan3A_37 : i32
      %add3A_67 = arith.constant 1 : i32
      %add3A_68 = arith.addi %mul3A_66, %add3A_67 : i32
      "tpu.region"() ({
        %run_scoped3A_69 = tpu.sem_alloc : memref<!tpu.dma_semaphore, #tpu.memory_space<semaphore_mem>>
        %dma_start3A_70 = arith.constant 0 : i32
        %dma_start3A_71 = tpu.memref_slice %arg8[%add3A_68, %dma_start3A_70] : memref<40x128xi32, #tpu.memory_space<vmem>> -> memref<1x128xi32, #tpu.memory_space<vmem>>
        %dma_start3A_72 = tpu.memref_squeeze %dma_start3A_71 : memref<1x128xi32, #tpu.memory_space<vmem>> -> memref<128xi32, #tpu.memory_space<vmem>>
        %dma_start3A_73 = arith.constant 0 : i32
        %dma_start3A_74 = arith.constant 0 : i32
        %dma_start3A_75 = tpu.memref_slice %arg11[%dma_start3A_73, %dma_start3A_74] : memref<10240x128xf32, #tpu.memory_space<vmem_shared>> -> memref<10240x128xf32, #tpu.memory_space<vmem_shared>>
        tpu.enqueue_indirect_dma source(%arg10 : memref<128x128xf32, #tpu.memory_space<vmem>>) target(%dma_start3A_75 : memref<10240x128xf32, #tpu.memory_space<vmem_shared>>) offsets(%dma_start3A_72 : memref<128xi32, #tpu.memory_space<vmem>>) semaphore(%run_scoped3A_69 : memref<!tpu.dma_semaphore, #tpu.memory_space<semaphore_mem>>) {add = true}
        %dma_wait3A_76 = arith.constant 0 : i32
        %dma_wait3A_77 = tpu.memref_slice %arg8[%add3A_68, %dma_wait3A_76] : memref<40x128xi32, #tpu.memory_space<vmem>> -> memref<1x128xi32, #tpu.memory_space<vmem>>
        %dma_wait3A_78 = tpu.memref_squeeze %dma_wait3A_77 : memref<1x128xi32, #tpu.memory_space<vmem>> -> memref<128xi32, #tpu.memory_space<vmem>>
        %dma_wait3A_79 = arith.constant 0 : i32
        %dma_wait3A_80 = arith.constant 0 : i32
        %dma_wait3A_81 = tpu.memref_slice %arg11[%dma_wait3A_79, %dma_wait3A_80] : memref<10240x128xf32, #tpu.memory_space<vmem_shared>> -> memref<10240x128xf32, #tpu.memory_space<vmem_shared>>
        tpu.wait_indirect_dma semaphore(%run_scoped3A_69 : memref<!tpu.dma_semaphore, #tpu.memory_space<semaphore_mem>>) src(%arg10 : memref<128x128xf32, #tpu.memory_space<vmem>>) dst(%dma_wait3A_81 : memref<10240x128xf32, #tpu.memory_space<vmem_shared>>)
        tpu.yield
      }) : () -> ()
    }
    %scan3A_31 = arith.constant 20 : i32
    %barrier3A_32 = arith.constant 0 : index
    tpu.barrier barrier_id(%barrier3A_32)
    %mul3A_33 = arith.constant 640 : i32
    %mul3A_34 = arith.muli %arg1, %mul3A_33 : i32
    %mul3A_35 = arith.constant 640 : i32
    %mul3A_36 = arith.muli %arg1, %mul3A_35 : i32
    "tpu.region"() ({
      %run_scoped3A_37 = tpu.sem_alloc : memref<!tpu.dma_semaphore, #tpu.memory_space<semaphore_mem>>
      %dma_start3A_38 = arith.constant 0 : i32
      %dma_start3A_39 = arith.constant 0 : i32
      %dma_start3A_40 = tpu.memref_slice %arg6[%arg0, %dma_start3A_38, %dma_start3A_39] : memref<2x10240x128xf32, #tpu.memory_space<hbm>> -> memref<1x10240x128xf32, #tpu.memory_space<hbm>>
      %dma_start3A_41 = tpu.memref_squeeze %dma_start3A_40 : memref<1x10240x128xf32, #tpu.memory_space<hbm>> -> memref<10240x128xf32, #tpu.memory_space<hbm>>
      %dma_start3A_42 = arith.constant 0 : i32
      %dma_start3A_43 = tpu.memref_slice %dma_start3A_41[%mul3A_36, %dma_start3A_42] : memref<10240x128xf32, #tpu.memory_space<hbm>> -> memref<640x128xf32, #tpu.memory_space<hbm>>
      %dma_start3A_44 = arith.constant 0 : i32
      %dma_start3A_45 = tpu.memref_slice %arg11[%mul3A_34, %dma_start3A_44] : memref<10240x128xf32, #tpu.memory_space<vmem_shared>> -> memref<640x128xf32, #tpu.memory_space<vmem_shared>>
      tpu.enqueue_dma source(%dma_start3A_45 : memref<640x128xf32, #tpu.memory_space<vmem_shared>>) target(%dma_start3A_43 : memref<640x128xf32, #tpu.memory_space<hbm>>) target_semaphore(%run_scoped3A_37 : memref<!tpu.dma_semaphore, #tpu.memory_space<semaphore_mem>>)
      %dma_wait3A = arith.constant 0 : i32
      %dma_wait3A_46 = arith.constant 0 : i32
      %dma_wait3A_47 = tpu.memref_slice %arg6[%arg0, %dma_wait3A, %dma_wait3A_46] : memref<2x10240x128xf32, #tpu.memory_space<hbm>> -> memref<1x10240x128xf32, #tpu.memory_space<hbm>>
      %dma_wait3A_48 = tpu.memref_squeeze %dma_wait3A_47 : memref<1x10240x128xf32, #tpu.memory_space<hbm>> -> memref<10240x128xf32, #tpu.memory_space<hbm>>
      %dma_wait3A_49 = arith.constant 0 : i32
      %dma_wait3A_50 = tpu.memref_slice %dma_wait3A_48[%mul3A_36, %dma_wait3A_49] : memref<10240x128xf32, #tpu.memory_space<hbm>> -> memref<640x128xf32, #tpu.memory_space<hbm>>
      %dma_wait3A_51 = arith.constant 0 : i32
      %dma_wait3A_52 = tpu.memref_slice %arg11[%mul3A_34, %dma_wait3A_51] : memref<10240x128xf32, #tpu.memory_space<vmem_shared>> -> memref<640x128xf32, #tpu.memory_space<vmem_shared>>
      tpu.wait_dma2 semaphore(%run_scoped3A_37 : memref<!tpu.dma_semaphore, #tpu.memory_space<semaphore_mem>>) src(%dma_wait3A_52 : memref<640x128xf32, #tpu.memory_space<vmem_shared>>) dst(%dma_wait3A_50 : memref<640x128xf32, #tpu.memory_space<hbm>>)
      tpu.yield
    }) : () -> ()
    return
  }
}

module attributes {stable_mosaic.version = 14 : i64} {
  func.func @_tc_layer_first_body(%arg0: memref<2x10240x128xf32, #tpu.memory_space<vmem>>, %arg1: memref<32x80x128xf32, #tpu.memory_space<vmem>>, %arg2: memref<10000x128xf32, #tpu.memory_space<vmem>>, %arg3: memref<128x128xf32, #tpu.memory_space<vmem>>, %arg4: memref<128x128xf32, #tpu.memory_space<vmem>>, %arg5: memref<1x128xf32, #tpu.memory_space<vmem>>, %arg6: memref<1x128xf32, #tpu.memory_space<vmem>>, %arg7: memref<1x128xf32, #tpu.memory_space<vmem>>, %arg8: memref<10000x128xf32, #tpu.memory_space<vmem>>, %arg9: memref<80x128xf32, #tpu.memory_space<vmem>>) attributes {dimension_semantics = [], scalar_prefetch = 0 : i64, scratch_operands = 0 : i64, tpu.core_type = #tpu.core_type<tc>} {
    %get3A = arith.constant 0 : index
    %get3A_0 = arith.constant 0 : index
    %get3A_1 = arith.constant 0 : index
    %get3A_2 = vector.load %arg1[%get3A, %get3A_0, %get3A_1] : memref<32x80x128xf32, #tpu.memory_space<vmem>>, vector<32x80x128xf32>
    %reduce_sum3A = arith.constant dense<0.000000e+00> : vector<80x128xf32>
    %reduce_sum3A_3 = vector.multi_reduction <add>, %get3A_2, %reduce_sum3A [0] : vector<32x80x128xf32> to vector<80x128xf32>
    %max3A = arith.constant 1.000000e+00 : f32
    %max3A_4 = vector.broadcast %max3A : f32 to vector<80x128xf32>
    %max3A_5 = arith.maximumf %reduce_sum3A_3, %max3A_4 : vector<80x128xf32>
    %div3A = arith.constant 1.000000e+00 : f32
    %div3A_6 = vector.broadcast %div3A : f32 to vector<80x128xf32>
    %div3A_7 = arith.divf %div3A_6, %max3A_5 : vector<80x128xf32>
    %swap3A = arith.constant 0 : index
    %swap3A_8 = arith.constant 0 : index
    %swap3A_9 = vector.load %arg9[%swap3A, %swap3A_8] : memref<80x128xf32, #tpu.memory_space<vmem>>, vector<80x128xf32>
    tpu.vector_store %arg9[%swap3A, %swap3A_8], %div3A_7 {strides = array<i32>} : memref<80x128xf32, #tpu.memory_space<vmem>>, vector<80x128xf32>,
    %get3A_10 = arith.constant 0 : index
    %get3A_11 = arith.constant 0 : index
    %get3A_12 = arith.constant 0 : index
    %get3A_13 = vector.load %arg0[%get3A_10, %get3A_11, %get3A_12] : memref<2x10240x128xf32, #tpu.memory_space<vmem>>, vector<1x10240x128xf32>
    %get3A_14 = vector.shape_cast %get3A_13 : vector<1x10240x128xf32> to vector<10240x128xf32>
    %get3A_15 = arith.constant 1 : index
    %get3A_16 = arith.constant 0 : index
    %get3A_17 = arith.constant 0 : index
    %get3A_18 = vector.load %arg0[%get3A_15, %get3A_16, %get3A_17] : memref<2x10240x128xf32, #tpu.memory_space<vmem>>, vector<1x10240x128xf32>
    %get3A_19 = vector.shape_cast %get3A_18 : vector<1x10240x128xf32> to vector<10240x128xf32>
    %add3A = arith.addf %get3A_14, %get3A_19 : vector<10240x128xf32>
    %reshape3A = vector.shape_cast %add3A : vector<10240x128xf32> to vector<80x128x128xf32>
    %broadcast_in_dim3A = vector.shape_cast %div3A_7 : vector<80x128xf32> to vector<80x128x1xf32>
    %mul3A = vector.broadcast %broadcast_in_dim3A : vector<80x128x1xf32> to vector<80x128x128xf32>
    %mul3A_20 = arith.mulf %reshape3A, %mul3A : vector<80x128x128xf32>
    %reshape3A_21 = vector.shape_cast %mul3A_20 : vector<80x128x128xf32> to vector<10240x128xf32>
    %slice3A = vector.extract_strided_slice %reshape3A_21 {offsets = [0, 0], sizes = [10000, 128], strides = [1, 1]} : vector<10240x128xf32> to vector<10000x128xf32>
    %get3A_22 = arith.constant 0 : index
    %get3A_23 = arith.constant 0 : index
    %get3A_24 = vector.load %arg3[%get3A_22, %get3A_23] : memref<128x128xf32, #tpu.memory_space<vmem>>, vector<128x128xf32>
    %dot_general3A = arith.constant dense<0.000000e+00> : vector<10000x128xf32>
    %dot_general3A_25 = tpu.matmul %slice3A, %get3A_24, %dot_general3A {dimension_numbers = #tpu.dot_dimension_numbers<[1], [0], [0], [1], [0, 0, 1, 1], [], []>, transpose_lhs_hint = false} : vector<10000x128xf32>, vector<128x128xf32>, vector<10000x128xf32> -> vector<10000x128xf32>
    %get3A_26 = arith.constant 0 : index
    %get3A_27 = arith.constant 0 : index
    %get3A_28 = vector.load %arg2[%get3A_26, %get3A_27] : memref<10000x128xf32, #tpu.memory_space<vmem>>, vector<10000x128xf32>
    %get3A_29 = arith.constant 0 : index
    %get3A_30 = arith.constant 0 : index
    %get3A_31 = vector.load %arg4[%get3A_29, %get3A_30] : memref<128x128xf32, #tpu.memory_space<vmem>>, vector<128x128xf32>
    %dot_general3A_32 = arith.constant dense<0.000000e+00> : vector<10000x128xf32>
    %dot_general3A_33 = tpu.matmul %get3A_28, %get3A_31, %dot_general3A_32 {dimension_numbers = #tpu.dot_dimension_numbers<[1], [0], [0], [1], [0, 0, 1, 1], [], []>, transpose_lhs_hint = false} : vector<10000x128xf32>, vector<128x128xf32>, vector<10000x128xf32> -> vector<10000x128xf32>
    %add3A_34 = arith.addf %dot_general3A_25, %dot_general3A_33 : vector<10000x128xf32>
    %get3A_35 = arith.constant 0 : index
    %get3A_36 = arith.constant 0 : index
    %get3A_37 = vector.load %arg5[%get3A_35, %get3A_36] : memref<1x128xf32, #tpu.memory_space<vmem>>, vector<1x128xf32>
    %add3A_38 = vector.broadcast %get3A_37 : vector<1x128xf32> to vector<10000x128xf32>
    %add3A_39 = arith.addf %add3A_34, %add3A_38 : vector<10000x128xf32>
    %max3A_40 = arith.constant 0.000000e+00 : f32
    %max3A_41 = vector.broadcast %max3A_40 : f32 to vector<10000x128xf32>
    %max3A_42 = arith.maximumf %add3A_39, %max3A_41 : vector<10000x128xf32>
    %reduce_sum3A_43 = arith.constant dense<0.000000e+00> : vector<128xf32>
    %reduce_sum3A_44 = vector.multi_reduction <add>, %max3A_42, %reduce_sum3A_43 [0] : vector<10000x128xf32> to vector<128xf32>
    %broadcast_in_dim3A_45 = vector.shape_cast %reduce_sum3A_44 : vector<128xf32> to vector<1x128xf32>
    %div3A_46 = arith.constant 1.000000e+04 : f32
    %div3A_47 = vector.broadcast %div3A_46 : f32 to vector<1x128xf32>
    %div3A_48 = arith.divf %broadcast_in_dim3A_45, %div3A_47 : vector<1x128xf32>
    %sub3A = vector.broadcast %div3A_48 : vector<1x128xf32> to vector<10000x128xf32>
    %sub3A_49 = arith.subf %max3A_42, %sub3A : vector<10000x128xf32>
    %integer_pow3A = arith.mulf %sub3A_49, %sub3A_49 : vector<10000x128xf32>
    %reduce_sum3A_50 = arith.constant dense<0.000000e+00> : vector<128xf32>
    %reduce_sum3A_51 = vector.multi_reduction <add>, %integer_pow3A, %reduce_sum3A_50 [0] : vector<10000x128xf32> to vector<128xf32>
    %broadcast_in_dim3A_52 = vector.shape_cast %reduce_sum3A_51 : vector<128xf32> to vector<1x128xf32>
    %div3A_53 = arith.constant 1.000000e+04 : f32
    %div3A_54 = vector.broadcast %div3A_53 : f32 to vector<1x128xf32>
    %div3A_55 = arith.divf %broadcast_in_dim3A_52, %div3A_54 : vector<1x128xf32>
    %sub3A_56 = vector.broadcast %div3A_48 : vector<1x128xf32> to vector<10000x128xf32>
    %sub3A_57 = arith.subf %max3A_42, %sub3A_56 : vector<10000x128xf32>
    %add3A_58 = arith.constant 9.99999974E-6 : f32
    %add3A_59 = vector.broadcast %add3A_58 : f32 to vector<1x128xf32>
    %add3A_60 = arith.addf %div3A_55, %add3A_59 : vector<1x128xf32>
    %rsqrt3A = math.rsqrt %add3A_60 : vector<1x128xf32>
    %mul3A_61 = vector.broadcast %rsqrt3A : vector<1x128xf32> to vector<10000x128xf32>
    %mul3A_62 = arith.mulf %sub3A_57, %mul3A_61 : vector<10000x128xf32>
    %get3A_63 = arith.constant 0 : index
    %get3A_64 = arith.constant 0 : index
    %get3A_65 = vector.load %arg6[%get3A_63, %get3A_64] : memref<1x128xf32, #tpu.memory_space<vmem>>, vector<1x128xf32>
    %mul3A_66 = vector.broadcast %get3A_65 : vector<1x128xf32> to vector<10000x128xf32>
    %mul3A_67 = arith.mulf %mul3A_62, %mul3A_66 : vector<10000x128xf32>
    %get3A_68 = arith.constant 0 : index
    %get3A_69 = arith.constant 0 : index
    %get3A_70 = vector.load %arg7[%get3A_68, %get3A_69] : memref<1x128xf32, #tpu.memory_space<vmem>>, vector<1x128xf32>
    %add3A_71 = vector.broadcast %get3A_70 : vector<1x128xf32> to vector<10000x128xf32>
    %add3A_72 = arith.addf %mul3A_67, %add3A_71 : vector<10000x128xf32>
    %swap3A_73 = arith.constant 0 : index
    %swap3A_74 = arith.constant 0 : index
    %swap3A_75 = vector.load %arg8[%swap3A_73, %swap3A_74] : memref<10000x128xf32, #tpu.memory_space<vmem>>, vector<10000x128xf32>
    tpu.vector_store %arg8[%swap3A_73, %swap3A_74], %add3A_72 {strides = array<i32>} : memref<10000x128xf32, #tpu.memory_space<vmem>>, vector<10000x128xf32>,
    return
  }
}

module attributes {stable_mosaic.version = 14 : i64} {
  func.func @_tc_layer_body(%arg0: memref<2x10240x128xf32, #tpu.memory_space<vmem>>, %arg1: memref<80x128xf32, #tpu.memory_space<vmem>>, %arg2: memref<10000x128xf32, #tpu.memory_space<vmem>>, %arg3: memref<128x128xf32, #tpu.memory_space<vmem>>, %arg4: memref<128x128xf32, #tpu.memory_space<vmem>>, %arg5: memref<1x128xf32, #tpu.memory_space<vmem>>, %arg6: memref<1x128xf32, #tpu.memory_space<vmem>>, %arg7: memref<1x128xf32, #tpu.memory_space<vmem>>, %arg8: memref<10000x128xf32, #tpu.memory_space<vmem>>) attributes {dimension_semantics = [], scalar_prefetch = 0 : i64, scratch_operands = 0 : i64, tpu.core_type = #tpu.core_type<tc>} {
    %get3A = arith.constant 0 : index
    %get3A_0 = arith.constant 0 : index
    %get3A_1 = arith.constant 0 : index
    %get3A_2 = vector.load %arg0[%get3A, %get3A_0, %get3A_1] : memref<2x10240x128xf32, #tpu.memory_space<vmem>>, vector<1x10240x128xf32>
    %get3A_3 = vector.shape_cast %get3A_2 : vector<1x10240x128xf32> to vector<10240x128xf32>
    %get3A_4 = arith.constant 1 : index
    %get3A_5 = arith.constant 0 : index
    %get3A_6 = arith.constant 0 : index
    %get3A_7 = vector.load %arg0[%get3A_4, %get3A_5, %get3A_6] : memref<2x10240x128xf32, #tpu.memory_space<vmem>>, vector<1x10240x128xf32>
    %get3A_8 = vector.shape_cast %get3A_7 : vector<1x10240x128xf32> to vector<10240x128xf32>
    %add3A = arith.addf %get3A_3, %get3A_8 : vector<10240x128xf32>
    %reshape3A = vector.shape_cast %add3A : vector<10240x128xf32> to vector<80x128x128xf32>
    %get3A_9 = arith.constant 0 : index
    %get3A_10 = arith.constant 0 : index
    %get3A_11 = vector.load %arg1[%get3A_9, %get3A_10] : memref<80x128xf32, #tpu.memory_space<vmem>>, vector<80x128xf32>
    %broadcast_in_dim3A = vector.shape_cast %get3A_11 : vector<80x128xf32> to vector<80x128x1xf32>
    %mul3A = vector.broadcast %broadcast_in_dim3A : vector<80x128x1xf32> to vector<80x128x128xf32>
    %mul3A_12 = arith.mulf %reshape3A, %mul3A : vector<80x128x128xf32>
    %reshape3A_13 = vector.shape_cast %mul3A_12 : vector<80x128x128xf32> to vector<10240x128xf32>
    %slice3A = vector.extract_strided_slice %reshape3A_13 {offsets = [0, 0], sizes = [10000, 128], strides = [1, 1]} : vector<10240x128xf32> to vector<10000x128xf32>
    %get3A_14 = arith.constant 0 : index
    %get3A_15 = arith.constant 0 : index
    %get3A_16 = vector.load %arg3[%get3A_14, %get3A_15] : memref<128x128xf32, #tpu.memory_space<vmem>>, vector<128x128xf32>
    %dot_general3A = arith.constant dense<0.000000e+00> : vector<10000x128xf32>
    %dot_general3A_17 = tpu.matmul %slice3A, %get3A_16, %dot_general3A {dimension_numbers = #tpu.dot_dimension_numbers<[1], [0], [0], [1], [0, 0, 1, 1], [], []>, transpose_lhs_hint = false} : vector<10000x128xf32>, vector<128x128xf32>, vector<10000x128xf32> -> vector<10000x128xf32>
    %get3A_18 = arith.constant 0 : index
    %get3A_19 = arith.constant 0 : index
    %get3A_20 = vector.load %arg2[%get3A_18, %get3A_19] : memref<10000x128xf32, #tpu.memory_space<vmem>>, vector<10000x128xf32>
    %get3A_21 = arith.constant 0 : index
    %get3A_22 = arith.constant 0 : index
    %get3A_23 = vector.load %arg4[%get3A_21, %get3A_22] : memref<128x128xf32, #tpu.memory_space<vmem>>, vector<128x128xf32>
    %dot_general3A_24 = arith.constant dense<0.000000e+00> : vector<10000x128xf32>
    %dot_general3A_25 = tpu.matmul %get3A_20, %get3A_23, %dot_general3A_24 {dimension_numbers = #tpu.dot_dimension_numbers<[1], [0], [0], [1], [0, 0, 1, 1], [], []>, transpose_lhs_hint = false} : vector<10000x128xf32>, vector<128x128xf32>, vector<10000x128xf32> -> vector<10000x128xf32>
    %add3A_26 = arith.addf %dot_general3A_17, %dot_general3A_25 : vector<10000x128xf32>
    %get3A_27 = arith.constant 0 : index
    %get3A_28 = arith.constant 0 : index
    %get3A_29 = vector.load %arg5[%get3A_27, %get3A_28] : memref<1x128xf32, #tpu.memory_space<vmem>>, vector<1x128xf32>
    %add3A_30 = vector.broadcast %get3A_29 : vector<1x128xf32> to vector<10000x128xf32>
    %add3A_31 = arith.addf %add3A_26, %add3A_30 : vector<10000x128xf32>
    %max3A = arith.constant 0.000000e+00 : f32
    %max3A_32 = vector.broadcast %max3A : f32 to vector<10000x128xf32>
    %max3A_33 = arith.maximumf %add3A_31, %max3A_32 : vector<10000x128xf32>
    %reduce_sum3A = arith.constant dense<0.000000e+00> : vector<128xf32>
    %reduce_sum3A_34 = vector.multi_reduction <add>, %max3A_33, %reduce_sum3A [0] : vector<10000x128xf32> to vector<128xf32>
    %broadcast_in_dim3A_35 = vector.shape_cast %reduce_sum3A_34 : vector<128xf32> to vector<1x128xf32>
    %div3A = arith.constant 1.000000e+04 : f32
    %div3A_36 = vector.broadcast %div3A : f32 to vector<1x128xf32>
    %div3A_37 = arith.divf %broadcast_in_dim3A_35, %div3A_36 : vector<1x128xf32>
    %sub3A = vector.broadcast %div3A_37 : vector<1x128xf32> to vector<10000x128xf32>
    %sub3A_38 = arith.subf %max3A_33, %sub3A : vector<10000x128xf32>
    %integer_pow3A = arith.mulf %sub3A_38, %sub3A_38 : vector<10000x128xf32>
    %reduce_sum3A_39 = arith.constant dense<0.000000e+00> : vector<128xf32>
    %reduce_sum3A_40 = vector.multi_reduction <add>, %integer_pow3A, %reduce_sum3A_39 [0] : vector<10000x128xf32> to vector<128xf32>
    %broadcast_in_dim3A_41 = vector.shape_cast %reduce_sum3A_40 : vector<128xf32> to vector<1x128xf32>
    %div3A_42 = arith.constant 1.000000e+04 : f32
    %div3A_43 = vector.broadcast %div3A_42 : f32 to vector<1x128xf32>
    %div3A_44 = arith.divf %broadcast_in_dim3A_41, %div3A_43 : vector<1x128xf32>
    %sub3A_45 = vector.broadcast %div3A_37 : vector<1x128xf32> to vector<10000x128xf32>
    %sub3A_46 = arith.subf %max3A_33, %sub3A_45 : vector<10000x128xf32>
    %add3A_47 = arith.constant 9.99999974E-6 : f32
    %add3A_48 = vector.broadcast %add3A_47 : f32 to vector<1x128xf32>
    %add3A_49 = arith.addf %div3A_44, %add3A_48 : vector<1x128xf32>
    %rsqrt3A = math.rsqrt %add3A_49 : vector<1x128xf32>
    %mul3A_50 = vector.broadcast %rsqrt3A : vector<1x128xf32> to vector<10000x128xf32>
    %mul3A_51 = arith.mulf %sub3A_46, %mul3A_50 : vector<10000x128xf32>
    %get3A_52 = arith.constant 0 : index
    %get3A_53 = arith.constant 0 : index
    %get3A_54 = vector.load %arg6[%get3A_52, %get3A_53] : memref<1x128xf32, #tpu.memory_space<vmem>>, vector<1x128xf32>
    %mul3A_55 = vector.broadcast %get3A_54 : vector<1x128xf32> to vector<10000x128xf32>
    %mul3A_56 = arith.mulf %mul3A_51, %mul3A_55 : vector<10000x128xf32>
    %get3A_57 = arith.constant 0 : index
    %get3A_58 = arith.constant 0 : index
    %get3A_59 = vector.load %arg7[%get3A_57, %get3A_58] : memref<1x128xf32, #tpu.memory_space<vmem>>, vector<1x128xf32>
    %add3A_60 = vector.broadcast %get3A_59 : vector<1x128xf32> to vector<10000x128xf32>
    %add3A_61 = arith.addf %mul3A_56, %add3A_60 : vector<10000x128xf32>
    %swap3A = arith.constant 0 : index
    %swap3A_62 = arith.constant 0 : index
    %swap3A_63 = vector.load %arg8[%swap3A, %swap3A_62] : memref<10000x128xf32, #tpu.memory_space<vmem>>, vector<10000x128xf32>
    tpu.vector_store %arg8[%swap3A, %swap3A_62], %add3A_61 {strides = array<i32>} : memref<10000x128xf32, #tpu.memory_space<vmem>>, vector<10000x128xf32>,
    return
  }
}

module attributes {stable_mosaic.version = 14 : i64} {
  func.func @_tc_final_body(%arg0: memref<2x10240x128xf32, #tpu.memory_space<vmem>>, %arg1: memref<80x128xf32, #tpu.memory_space<vmem>>, %arg2: memref<10000x128xf32, #tpu.memory_space<vmem>>, %arg3: memref<128x128xf32, #tpu.memory_space<vmem>>, %arg4: memref<128x128xf32, #tpu.memory_space<vmem>>, %arg5: memref<1x128xf32, #tpu.memory_space<vmem>>, %arg6: memref<1x128xf32, #tpu.memory_space<vmem>>, %arg7: memref<1x128xf32, #tpu.memory_space<vmem>>, %arg8: memref<1x10000xi32, #tpu.memory_space<vmem>>, %arg9: memref<128x1xf32, #tpu.memory_space<vmem>>, %arg10: memref<1x1xf32, #tpu.memory_space<vmem>>, %arg11: memref<128x1xf32, #tpu.memory_space<vmem>>) attributes {dimension_semantics = [], scalar_prefetch = 0 : i64, scratch_operands = 0 : i64, tpu.core_type = #tpu.core_type<tc>} {
    %get3A = arith.constant 0 : index
    %get3A_0 = arith.constant 0 : index
    %get3A_1 = arith.constant 0 : index
    %get3A_2 = vector.load %arg0[%get3A, %get3A_0, %get3A_1] : memref<2x10240x128xf32, #tpu.memory_space<vmem>>, vector<1x10240x128xf32>
    %get3A_3 = vector.shape_cast %get3A_2 : vector<1x10240x128xf32> to vector<10240x128xf32>
    %get3A_4 = arith.constant 1 : index
    %get3A_5 = arith.constant 0 : index
    %get3A_6 = arith.constant 0 : index
    %get3A_7 = vector.load %arg0[%get3A_4, %get3A_5, %get3A_6] : memref<2x10240x128xf32, #tpu.memory_space<vmem>>, vector<1x10240x128xf32>
    %get3A_8 = vector.shape_cast %get3A_7 : vector<1x10240x128xf32> to vector<10240x128xf32>
    %add3A = arith.addf %get3A_3, %get3A_8 : vector<10240x128xf32>
    %reshape3A = vector.shape_cast %add3A : vector<10240x128xf32> to vector<80x128x128xf32>
    %get3A_9 = arith.constant 0 : index
    %get3A_10 = arith.constant 0 : index
    %get3A_11 = vector.load %arg1[%get3A_9, %get3A_10] : memref<80x128xf32, #tpu.memory_space<vmem>>, vector<80x128xf32>
    %broadcast_in_dim3A = vector.shape_cast %get3A_11 : vector<80x128xf32> to vector<80x128x1xf32>
    %mul3A = vector.broadcast %broadcast_in_dim3A : vector<80x128x1xf32> to vector<80x128x128xf32>
    %mul3A_12 = arith.mulf %reshape3A, %mul3A : vector<80x128x128xf32>
    %reshape3A_13 = vector.shape_cast %mul3A_12 : vector<80x128x128xf32> to vector<10240x128xf32>
    %slice3A = vector.extract_strided_slice %reshape3A_13 {offsets = [0, 0], sizes = [10000, 128], strides = [1, 1]} : vector<10240x128xf32> to vector<10000x128xf32>
    %get3A_14 = arith.constant 0 : index
    %get3A_15 = arith.constant 0 : index
    %get3A_16 = vector.load %arg3[%get3A_14, %get3A_15] : memref<128x128xf32, #tpu.memory_space<vmem>>, vector<128x128xf32>
    %dot_general3A = arith.constant dense<0.000000e+00> : vector<10000x128xf32>
    %dot_general3A_17 = tpu.matmul %slice3A, %get3A_16, %dot_general3A {dimension_numbers = #tpu.dot_dimension_numbers<[1], [0], [0], [1], [0, 0, 1, 1], [], []>, transpose_lhs_hint = false} : vector<10000x128xf32>, vector<128x128xf32>, vector<10000x128xf32> -> vector<10000x128xf32>
    %get3A_18 = arith.constant 0 : index
    %get3A_19 = arith.constant 0 : index
    %get3A_20 = vector.load %arg2[%get3A_18, %get3A_19] : memref<10000x128xf32, #tpu.memory_space<vmem>>, vector<10000x128xf32>
    %get3A_21 = arith.constant 0 : index
    %get3A_22 = arith.constant 0 : index
    %get3A_23 = vector.load %arg4[%get3A_21, %get3A_22] : memref<128x128xf32, #tpu.memory_space<vmem>>, vector<128x128xf32>
    %dot_general3A_24 = arith.constant dense<0.000000e+00> : vector<10000x128xf32>
    %dot_general3A_25 = tpu.matmul %get3A_20, %get3A_23, %dot_general3A_24 {dimension_numbers = #tpu.dot_dimension_numbers<[1], [0], [0], [1], [0, 0, 1, 1], [], []>, transpose_lhs_hint = false} : vector<10000x128xf32>, vector<128x128xf32>, vector<10000x128xf32> -> vector<10000x128xf32>
    %add3A_26 = arith.addf %dot_general3A_17, %dot_general3A_25 : vector<10000x128xf32>
    %get3A_27 = arith.constant 0 : index
    %get3A_28 = arith.constant 0 : index
    %get3A_29 = vector.load %arg5[%get3A_27, %get3A_28] : memref<1x128xf32, #tpu.memory_space<vmem>>, vector<1x128xf32>
    %add3A_30 = vector.broadcast %get3A_29 : vector<1x128xf32> to vector<10000x128xf32>
    %add3A_31 = arith.addf %add3A_26, %add3A_30 : vector<10000x128xf32>
    %max3A = arith.constant 0.000000e+00 : f32
    %max3A_32 = vector.broadcast %max3A : f32 to vector<10000x128xf32>
    %max3A_33 = arith.maximumf %add3A_31, %max3A_32 : vector<10000x128xf32>
    %reduce_sum3A = arith.constant dense<0.000000e+00> : vector<128xf32>
    %reduce_sum3A_34 = vector.multi_reduction <add>, %max3A_33, %reduce_sum3A [0] : vector<10000x128xf32> to vector<128xf32>
    %broadcast_in_dim3A_35 = vector.shape_cast %reduce_sum3A_34 : vector<128xf32> to vector<1x128xf32>
    %div3A = arith.constant 1.000000e+04 : f32
    %div3A_36 = vector.broadcast %div3A : f32 to vector<1x128xf32>
    %div3A_37 = arith.divf %broadcast_in_dim3A_35, %div3A_36 : vector<1x128xf32>
    %sub3A = vector.broadcast %div3A_37 : vector<1x128xf32> to vector<10000x128xf32>
    %sub3A_38 = arith.subf %max3A_33, %sub3A : vector<10000x128xf32>
    %integer_pow3A = arith.mulf %sub3A_38, %sub3A_38 : vector<10000x128xf32>
    %reduce_sum3A_39 = arith.constant dense<0.000000e+00> : vector<128xf32>
    %reduce_sum3A_40 = vector.multi_reduction <add>, %integer_pow3A, %reduce_sum3A_39 [0] : vector<10000x128xf32> to vector<128xf32>
    %broadcast_in_dim3A_41 = vector.shape_cast %reduce_sum3A_40 : vector<128xf32> to vector<1x128xf32>
    %div3A_42 = arith.constant 1.000000e+04 : f32
    %div3A_43 = vector.broadcast %div3A_42 : f32 to vector<1x128xf32>
    %div3A_44 = arith.divf %broadcast_in_dim3A_41, %div3A_43 : vector<1x128xf32>
    %sub3A_45 = vector.broadcast %div3A_37 : vector<1x128xf32> to vector<10000x128xf32>
    %sub3A_46 = arith.subf %max3A_33, %sub3A_45 : vector<10000x128xf32>
    %add3A_47 = arith.constant 9.99999974E-6 : f32
    %add3A_48 = vector.broadcast %add3A_47 : f32 to vector<1x128xf32>
    %add3A_49 = arith.addf %div3A_44, %add3A_48 : vector<1x128xf32>
    %rsqrt3A = math.rsqrt %add3A_49 : vector<1x128xf32>
    %mul3A_50 = vector.broadcast %rsqrt3A : vector<1x128xf32> to vector<10000x128xf32>
    %mul3A_51 = arith.mulf %sub3A_46, %mul3A_50 : vector<10000x128xf32>
    %get3A_52 = arith.constant 0 : index
    %get3A_53 = arith.constant 0 : index
    %get3A_54 = vector.load %arg6[%get3A_52, %get3A_53] : memref<1x128xf32, #tpu.memory_space<vmem>>, vector<1x128xf32>
    %mul3A_55 = vector.broadcast %get3A_54 : vector<1x128xf32> to vector<10000x128xf32>
    %mul3A_56 = arith.mulf %mul3A_51, %mul3A_55 : vector<10000x128xf32>
    %get3A_57 = arith.constant 0 : index
    %get3A_58 = arith.constant 0 : index
    %get3A_59 = vector.load %arg7[%get3A_57, %get3A_58] : memref<1x128xf32, #tpu.memory_space<vmem>>, vector<1x128xf32>
    %add3A_60 = vector.broadcast %get3A_59 : vector<1x128xf32> to vector<10000x128xf32>
    %add3A_61 = arith.addf %mul3A_56, %add3A_60 : vector<10000x128xf32>
    %iota3A = tpu.iota {dimensions = array<i32: 0>} : vector<128x10000xi32>
    %get3A_62 = arith.constant 0 : index
    %get3A_63 = arith.constant 0 : index
    %get3A_64 = vector.load %arg8[%get3A_62, %get3A_63] : memref<1x10000xi32, #tpu.memory_space<vmem>>, vector<1x10000xi32>
    %eq3A = vector.broadcast %get3A_64 : vector<1x10000xi32> to vector<128x10000xi32>
    %eq3A_65 = arith.cmpi eq, %iota3A, %eq3A : vector<128x10000xi32>
    %convert_element_type3A = arith.extui %eq3A_65 : vector<128x10000xi1> to vector<128x10000xi32>
    %convert_element_type3A_66 = arith.sitofp %convert_element_type3A : vector<128x10000xi32> to vector<128x10000xf32>
    %dot_general3A_67 = arith.constant dense<0.000000e+00> : vector<128x128xf32>
    %dot_general3A_68 = tpu.matmul %convert_element_type3A_66, %add3A_61, %dot_general3A_67 {dimension_numbers = #tpu.dot_dimension_numbers<[1], [0], [0], [1], [0, 0, 1, 1], [], []>, transpose_lhs_hint = false} : vector<128x10000xf32>, vector<10000x128xf32>, vector<128x128xf32> -> vector<128x128xf32>
    %get3A_69 = arith.constant 0 : index
    %get3A_70 = arith.constant 0 : index
    %get3A_71 = vector.load %arg9[%get3A_69, %get3A_70] : memref<128x1xf32, #tpu.memory_space<vmem>>, vector<128x1xf32>
    %dot_general3A_72 = arith.constant dense<0.000000e+00> : vector<128x1xf32>
    %dot_general3A_73 = tpu.matmul %dot_general3A_68, %get3A_71, %dot_general3A_72 {dimension_numbers = #tpu.dot_dimension_numbers<[1], [0], [0], [1], [0, 0, 1, 1], [], []>, transpose_lhs_hint = false} : vector<128x128xf32>, vector<128x1xf32>, vector<128x1xf32> -> vector<128x1xf32>
    %get3A_74 = arith.constant 0 : index
    %get3A_75 = arith.constant 0 : index
    %get3A_76 = vector.load %arg10[%get3A_74, %get3A_75] : memref<1x1xf32, #tpu.memory_space<vmem>>, vector<1x1xf32>
    %add3A_77 = vector.broadcast %get3A_76 : vector<1x1xf32> to vector<128x1xf32>
    %add3A_78 = arith.addf %dot_general3A_73, %add3A_77 : vector<128x1xf32>
    %neg3A = arith.constant 0.000000e+00 : f32
    %neg3A_79 = vector.broadcast %neg3A : f32 to vector<128x1xf32>
    %neg3A_80 = arith.subf %neg3A_79, %add3A_78 : vector<128x1xf32>
    %exp3A = math.exp %neg3A_80 : vector<128x1xf32>
    %add3A_81 = arith.constant 1.000000e+00 : f32
    %add3A_82 = vector.broadcast %add3A_81 : f32 to vector<128x1xf32>
    %add3A_83 = arith.addf %add3A_82, %exp3A : vector<128x1xf32>
    %div3A_84 = arith.constant 1.000000e+00 : f32
    %div3A_85 = vector.broadcast %div3A_84 : f32 to vector<128x1xf32>
    %div3A_86 = arith.divf %div3A_85, %add3A_83 : vector<128x1xf32>
    %swap3A = arith.constant 0 : index
    %swap3A_87 = arith.constant 0 : index
    %swap3A_88 = vector.load %arg11[%swap3A, %swap3A_87] : memref<128x1xf32, #tpu.memory_space<vmem>>, vector<128x1xf32>
    tpu.vector_store %arg11[%swap3A, %swap3A_87], %div3A_86 {strides = array<i32>} : memref<128x1xf32, #tpu.memory_space<vmem>>, vector<128x1xf32>,
    return
  }
}

</mosaic_0001>

<sc_bundles>
// kernel: kernel.12.cloned.1.call-start
scs
__scs_entry_jumppad:
0x0: {  	(pc) =	sbr.rel $0x88, $3  }
0x1: {  	(tag) =	ssettag $0x0;
	lr =	simm.s32 $0x1  }
0x2: {  	[smem:$0x3F8D] =	sst lr;
	_ =	strace $0xD0000000  }
0x3: {  	_ = 	snop  }
0x4: {  	_ = 	snop  }
0x5: {  	_ = 	snop  }
0x6: {  	_ = 	snop  }
0x7: {  	_ = 	snop  }
__scs_overlays_trampoline_lowered:
0x8: {  	[smem:$0x3F9C] =	sst s0  }
0x9: {  	[smem:$0x3F9D] =	sst s1  }
0xa: {  	[smem:$0x3F9E] =	sst s2  }
0xb: {  	[smem:$0x3F9F] =	sst s3  }
0xc: {  	[smem:$0x3FA0] =	sst s4  }
0xd: {  	[smem:$0x3FA1] =	sst s5  }
0xe: {  	[smem:$0x3FA2] =	sst s6  }
0xf: {  	[smem:$0x3FA3] =	sst s7  }
0x10: {  	[smem:$0x3FA4] =	sst s8  }
0x11: {  	[smem:$0x3FA5] =	sst s9;
	s0 =	simm.s32 @!p0 $0x0  }
0x12: {  	s1 =	sld [smem:$0x3F8B];
	s0 =	simm.s32 @p0 $0x1  }
0x13: {  	[smem:$0x3FA6] =	sst s0;
	s0 =	simm.s32 @!p1 $0x0  }
0x14: {  	s2 =	sld [smem:$0x3F8A];
	s0 =	simm.s32 @p1 $0x1  }
0x15: {  	[smem:$0x3FA7] =	sst s0;
	s0 =	simm.s32 @!p2 $0x0  }
0x16: {  	s3 =	sld [smem:$0x3FDB];
	s0 =	simm.s32 @p2 $0x1  }
0x17: {  	s4 =	simm.s32 $0x1BF5;
	[smem:$0x3FA9] =	sst s0  }
0x18: {  	s0 =	sld [smem:$0x3F8C];
	_ =	swait.ge [sflag:s4], $0x0  }
0x19: {  	s7 =	sld [smem:$0x3F8D]  }
0x1a: {  	s8 =	sadd.s32 $0xFFFFE003, lr  }
0x1b: {  	s9 =	sadd.s32 $0xFFFFFEF7, lr;
	s5 =	simm.s32 $0xFFFFFFFF;
	p2 =	slt.u32 s8, $0xFFFFF086  }
0x1c: {  	p1 =	slt.u32 s9, $0xF7A;
	s5 =	simm.s32 @!p2 $0x0  }
0x1d: {  	s5 =	simm.s32 @p1 $0x1;
	p0 =	seq.s32 s7, s2  }
0x1e: {  	s7 =	smul.u32 @!p0 $0xF7A, s2;
	p2 =	seq.s32 @!p0 s5, $0x0  }
0x1f: {  	s9 =	smul.u32 $0xF7A, s1;
	s8 =	simm.s32 @!p0 $0x1BF5;
	p2 =	por !p2, p0  }
0x20: {  	[sflag:s8] =	ssyncset.s32 @!p0 $0xFFFFF086;
	s6 =	sadd.s32 @!p0 s3, s7;
	s7 =	simm.s32 @!p0 $0x108  }
0x21: {  	s3 =	sadd.s32 s3, s9;
	s6 =	sadd.s32 @!p0 $0x88, s6;
	s7 =	simm.s32 @p2 $0x1082  }
0x22: {  	[simem:s7], [sflag:s8] =	dma.local @!p0 [hbm:s6], $0xF7A  }
0x23: {  	s9 =	sor.u32 $0xD0000000, s2;
	s6 =	simm.s32 $0x108;
	_ =	swait.ge @!p0 [sflag:s8], $0x0  }
0x24: {  	s3 =	sadd.s32 $0x88, s3;
	s6 =	simm.s32 @!p1 $0x1082;
	[sflag:s4] =	ssyncset.s32 $0xFFFFF086  }
0x25: {  	[simem:s6], [sflag:s4] =	dma.local [hbm:s3], $0xF7A  }
0x26: {  	[smem:$0x3F8D] =	sst s1;
	(tag) =	ssettag s2;
	_ =	strace s9  }
0x27: {  	s1 =	sld [smem:$0x3F9D]  }
0x28: {  	s2 =	sld [smem:$0x3F9E]  }
0x29: {  	s4 =	sld [smem:$0x3FA0]  }
0x2a: {  	p0 =	seq.s32 s5, $0x0;
	s5 =	sld [smem:$0x3FA1]  }
0x2b: {  	s6 =	sld [smem:$0x3FA2]  }
0x2c: {  	s7 =	sld [smem:$0x3FA3]  }
0x2d: {  	s3 =	simm.s32 $0x108;
	s8 =	sld [smem:$0x3FA4]  }
0x2e: {  	s3 =	simm.s32 @!p0 $0x1082;
	s9 =	sld [smem:$0x3FA5]  }
0x2f: {  	lr =	sadd.s32 s0, s3;
	s0 =	sld [smem:$0x3F9C]  }
0x30: {  	s3 =	sld [smem:$0x3F9F]  }
0x31: {  	[smem:$0x3FA8] =	sst s10  }
0x32: {  	s10 =	sld [smem:$0x3FA6];
	_ =	sdelay $0x3  }
0x33: {  	p0 =	seq.s32 s10, $0x1;
	s10 =	sld [smem:$0x3FA8];
	_ =	sdelay $0x3  }
0x34: {  	[smem:$0x3FA8] =	sst s10  }
0x35: {  	s10 =	sld [smem:$0x3FA7];
	_ =	sdelay $0x3  }
0x36: {  	p1 =	seq.s32 s10, $0x1;
	s10 =	sld [smem:$0x3FA8];
	_ =	sdelay $0x3  }
0x37: {  	[smem:$0x3FA8] =	sst s10  }
0x38: {  	s10 =	sld [smem:$0x3FA9]  }
0x39: {  	_ = 	snop;
	(pc) =	sbr.ind lr, $3  }
0x3a: {  	_ = 	snop  }
0x3b: {  	_ = 	snop  }
0x3c: {  	p2 =	seq.s32 s10, $0x1;
	s10 =	sld [smem:$0x3FA8]  }
0x3d: {  	_ =	shalt  }
0x3e: {  	_ =	shalt  }
0x3f: {  	_ =	shalt  }
0x40: {  	_ =	shalt  }
0x41: {  	_ =	shalt  }
0x42: {  	_ =	shalt  }
0x43: {  	_ =	shalt  }
0x44: {  	_ =	shalt  }
0x45: {  	_ =	shalt  }
0x46: {  	_ =	shalt  }
0x47: {  	_ =	shalt  }
0x48: {  	_ =	shalt  }
0x49: {  	_ =	shalt  }
0x4a: {  	_ =	shalt  }
0x4b: {  	_ =	shalt  }
0x4c: {  	_ =	shalt  }
0x4d: {  	_ =	shalt  }
0x4e: {  	_ =	shalt  }
0x4f: {  	_ =	shalt  }
0x50: {  	_ =	shalt  }
0x51: {  	_ =	shalt  }
0x52: {  	_ =	shalt  }
0x53: {  	_ =	shalt  }
0x54: {  	_ =	shalt  }
0x55: {  	_ =	shalt  }
0x56: {  	_ =	shalt  }
0x57: {  	_ =	shalt  }
0x58: {  	_ =	shalt  }
0x59: {  	_ =	shalt  }
0x5a: {  	_ =	shalt  }
0x5b: {  	_ =	shalt  }
0x5c: {  	_ =	shalt  }
0x5d: {  	_ =	shalt  }
0x5e: {  	_ =	shalt  }
0x5f: {  	_ =	shalt  }
0x60: {  	_ =	shalt  }
0x61: {  	_ =	shalt  }
0x62: {  	_ =	shalt  }
0x63: {  	_ =	shalt  }
0x64: {  	_ =	shalt  }
0x65: {  	_ =	shalt  }
0x66: {  	_ =	shalt  }
0x67: {  	_ =	shalt  }
0x68: {  	_ =	shalt  }
0x69: {  	_ =	shalt  }
0x6a: {  	_ =	shalt  }
0x6b: {  	_ =	shalt  }
0x6c: {  	_ =	shalt  }
0x6d: {  	_ =	shalt  }
0x6e: {  	_ =	shalt  }
0x6f: {  	_ =	shalt  }
0x70: {  	_ =	shalt  }
0x71: {  	_ =	shalt  }
0x72: {  	_ =	shalt  }
0x73: {  	_ =	shalt  }
0x74: {  	_ =	shalt  }
0x75: {  	_ =	shalt  }
0x76: {  	_ =	shalt  }
0x77: {  	_ =	shalt  }
0x78: {  	_ =	shalt  }
0x79: {  	_ =	shalt  }
0x7a: {  	_ =	shalt  }
0x7b: {  	_ =	shalt  }
0x7c: {  	_ =	shalt  }
0x7d: {  	_ =	shalt  }
0x7e: {  	_ =	shalt  }
0x7f: {  	_ =	shalt  }
0x80: {  	_ =	shalt  }
0x81: {  	_ =	shalt  }
0x82: {  	_ =	shalt  }
0x83: {  	_ =	shalt  }
0x84: {  	_ =	shalt  }
0x85: {  	_ =	shalt  }
0x86: {  	_ =	shalt  }
0x87: {  	_ =	shalt  }
.Lfunc_end0:
.L_simem_size_0:
called_computation.1_lowered:
.L_overlay_start_0:
0x88: {  	s2 =	sld [smem:$0x3FD9]  }
0x89: {  	s3 =	sld [smem:$0x3FFE];
	_ =	sdelay $0x1  }
0x8a: {  	s1 =	srdreg.scid  }
0x8b: {  	s0 =	sand.u32 $0x1, s1  }
0x8c: {  	s17 =	sshll.u32 s0, $0xA;
	s2 =	sadd.s32 s3, s2  }
0x8d: {  	s2 =	sadd.s32 s2, s17  }
0x8e: {  	[smem:$0x3FB4] =	sst s2  }
0x8f: {  	_ = 	snop  }
0x90: {  	s2 =	sld [smem:$0x3FC9];
	(tm) =	ssettm $0x1  }
0x91: {  	s18 =	sld [smem:$0x3FFB];
	_ =	sdelay $0x3  }
0x92: {  	_ =	strace s18  }
0x93: {  	s3 =	sld [smem:$0x3FFC];
	_ =	sdelay $0x3  }
0x94: {  	_ =	strace s3  }
0x95: {  	s3 =	sld [smem:$0x3FFD];
	_ =	sdelay $0x3  }
0x96: {  	_ =	strace s3  }
0x97: {  	_ =	strace $0x8FFFFFFF  }
0x98: {  	s19 =	sld [smem:$0x3FDB];
	_ =	sdelay $0x1  }
0x99: {  	s4 =	simm.s32 $_scs_section_size  }
0x9a: {  	s5 =	simm.s32 $_size__tile_overlayer_lowered;
	s6 =	simm.s32 $_tile_overlayer_lowered  }
0x9b: {  	s22 =	simm.s32 $0x1BFF;
	s21 =	sshll.u32 s6, $0x1;
	s3 =	sadd.s32 s4, s19  }
0x9c: {  	s7 =	simm.s32 $0x0;
	s20 =	sshll.u32 s5, $0x1;
	s5 =	sadd.s32 s21, s3  }
0x9d: {  	[timem:s7], [sflag:s22] =	dma.local [hbm:s5], s20  }
0x9e: {  	_ =	swait.ge [sflag:s22], s20  }
0x9f: {  	s4 =	ssub.s32 $0x0, s20;
	[sflag:s22] =	ssyncset.done $0x0  }
0xa0: {  	[sflag:s22] =	ssyncadd.s32 s4;
	_ =	sdelay $0x1  }
0xa1: {  	s23 =	simm.s32 $0x1B8B  }
0xa2: {  	_ =	swait.ge [sflag:s23], $0x1  }
0xa3: {  	[sflag:s23] =	ssyncset.done $0x0  }
0xa4: {  	s25 =	simm.s32 $0x1B8E;
	s24 =	sld [smem:$0x3FFE];
	[sflag:s23] =	ssyncadd.s32 $0xFFFFFFFF  }
0xa5: {  	s26 =	simm.s32 $execute0_lowered;
	[smem:$0x3FD2] =	sst s25  }
0xa6: {  	s5 =	sshll.u32 s26, $0x1;
	_ =	strace $0x80000046;
	[dreg:$0x1] =	wrdreg $0xFFFFFFFF  }
0xa7: {  	s28 =	simm.s32 $_size_execute0_lowered;
	s3 =	sadd.s32 s3, s5;
	[dreg:$0x0] =	wrdreg $0x0  }
0xa8: {  	s5 =	sshll.u32 s28, $0x1;
	[dreg:$0x2] =	wrdreg s3  }
0xa9: {  	[dreg:$0x3] =	wrdreg s5  }
0xaa: {  	[dreg:$0x4] =	wrdreg $0xC0  }
0xab: {  	_ =	task [dreg:s7], $0x5FFFF  }
0xac: {  	[dreg:$0x1] =	wrdreg $0xFFFFFFFF  }
0xad: {  	[dreg:$0x0] =	wrdreg $0x60  }
0xae: {  	[dreg:$0x2] =	wrdreg s2  }
0xaf: {  	[dreg:$0x3] =	wrdreg s24  }
0xb0: {  	[dreg:$0x4] =	wrdreg $0xA8000  }
0xb1: {  	[dreg:$0x5] =	wrdreg $0xA  }
0xb2: {  	_ =	task.clear_ibuf [dreg:s7], $0x6FFFF;
	_ =	strace $0x90000046  }
0xb3: {  	s29 =	simm.s32 $0xA;
	_ =	strace $0x80000048  }
0xb4: {  	_ =	swait.ge [sflag:s29], $0x1  }
0xb5: {  	[sflag:s29] =	ssyncadd.s32 $0xFFFFFFFF  }
0xb6: {  	_ =	strace $0x90000048  }
0xb7: {  	_ =	sfence  }
0xb8: {  	s30 =	sld [smem:$0x0];
	_ =	sdelay $0x2  }
0xb9: {  	s31 =	sshll.u32 s1, $0xD;
	s1 =	sshrl.u32 s1, $0x2  }
0xba: {  	s3 =	sand.u32 $0x4000, s31;
	s1 =	sadd.s32 s1, s30  }
0xbb: {  	s0 =	sor.u32 s3, s0;
	s1 =	sshll.u32 s1, $0x11  }
0xbc: {  	s0 =	sor.u32 s1, s0  }
0xbd: {  	s0 =	sadd.s32 $0x8F2B, s0  }
0xbe: {  	[sflag:s0] =	ssyncadd.remote.s32 $0x1  }
0xbf: {  	_ =	sfence.sel $0xFFFF  }
0xc0: {  	[dreg:$0x0] =	wrdreg $0xFFFFFFFF;
	(pc) =	sbr.abs _section_cstart, $3  }
0xc1: {  	[dreg:$0x1] =	wrdreg $0xFFFFFFFF  }
0xc2: {  	_ =	task.clear_ibuf [dreg:s7], $0x2FFFF;
	_ =	strace $0x9FFFFFFF  }
0xc3: {  	(tm) =	ssettm $0x7FFFFFFF  }
tec
execute0_lowered:
.L_overlay_start_1:
0x0: {  	(tag) =	ssettag $0x1  }
0x1: {  	s2 =	srdreg.scid;
	s1 =	rddreg [dreg:$0x0]  }
0x2: {  	s0 =	stileid.u32;
	s6 =	rddreg [dreg:$0x1]  }
0x3: {  	s3 =	rddreg [dreg:$0x2];
	s4 =	simm.s32 $0x0;
	s13 =	simm.s32 $0x80  }
0x4: {  	s14 =	simm.s32 $0x2800;
	s15 =	simm.s32 $0x1;
	s16 =	simm.s32 $0x6800  }
0x5: {  	s17 =	simm.s32 $0x2;
	s18 =	simm.s32 $0x1380;
	s19 =	simm.s32 $0x2700  }
0x6: {  	s20 =	simm.s32 $0x2780;
	s5 =	sand.u32 $0x1, s2;
	s23 =	smul.u32 $0x2800, s0  }
0x7: {  	s25 =	sshll.u32 s0, $0x1;
	[smem:$0x7FF] =	sst s4;
	s9 =	smul.u32 $0x50000, s0  }
0x8: {  	s31 =	sshll.u32 s0, $0x6;
	s2 =	sor.u32 s5, s25;
	s8 =	smul.u32 $0x28000, s5  }
0x9: {  	s5 =	ssub.s32 $0x2, s5;
	s7 =	smul.u32 $0x500, s2;
	s2 =	rddreg [dreg:$0x3]  }
0xa: {  	_ =	strace $0x80000047;
	s26 =	sadd.s32 s23, s6;
	s28 =	sshrl.u32 s5, $0x1  }
0xb: {  	s29 =	sshrl.u32 s9, $0x2;
	s11 =	sadd.s32 s8, s6;
	s30 =	ssub.s32 s5, s28  }
0xc: {  	s12 =	sadd.s32 s29, s3;
	s5 =	sadd.s32 $0x18A00, s26;
	s10 =	sadd.s32 s7, s6  }
0xd: {  	s6 =	sor.u32 $0x1C03, s31;
	s24 =	sadd.s32 $0x40A00, s11;
	s9 =	smax.u32 s30, $0x1  }
0xe: {  	s11 =	simm.s32 $0x3;
	s7 =	sadd.s32 $0xEA00, s10;
	s8 =	sadd.s32 $0x4A00, s10  }
0xf: {  	s10 =	sshrl.u32 s12, $0x3;
	s12 =	simm.s32 $0x1400;
	s23 =	sadd.s32 s23, s24  }
0x10: {  	s24 =	simm.s32 $0x0;
	s21 =	sadd.s32 $0x280, s7;
	s22 =	sadd.s32 $0x280, s8  }
.LBB2_1:
0x11: {  	[spmem:s10], [sflag:s6] =	dma.local [hbm:s5], $0x2800  }
0x12: {  	_ =	swait.ge [sflag:s11], $0x2800  }
0x13: {  	[sflag:s11] =	ssyncset.done $0x0  }
0x14: {  	[sflag:s11] =	ssyncadd.s32 $0xFFFFD800  }
0x15: {  	[bflag:$0x0] =	sbarrier.arrive $0xFFFF  }
0x16: {  	[tilespmem:s4], [sflag:$0x3] =	stream.linear.gather [hbm4b:s7+s4], $0x1400, $0x38;
	[tilespmem:$0x1E800] =	vst v63  }
0x17: {  	_ =	swait.ge [sflag:s11], $0x1400  }
0x18: {  	[sflag:s11] =	ssyncset.done $0x0  }
0x19: {  	[sflag:s11] =	ssyncadd.s32 $0xFFFFEC00  }
0x1a: {  	[tilespmem:s12], [sflag:$0x3] =	stream.linear.gather [hbm4b:s8+s4], $0x1400, $0x38;
	[tilespmem:$0x1E800] =	vst v63  }
0x1b: {  	_ =	swait.ge [sflag:s11], $0x1400  }
0x1c: {  	[sflag:s11] =	ssyncset.done $0x0  }
0x1d: {  	[sflag:s11] =	ssyncadd.s32 $0xFFFFEC00  }
0x1e: {  	[tilespmem:s14], [sflag:$0x1] =	stream.indirect.gather [hbm4b:s1+s13], $0x80, s4, s13, $0xb8;
	[tilespmem:$0x1E800] =	vst v63  }
0x1f: {  	_ =	swait.ge [sflag:s15], $0x4000  }
0x20: {  	[sflag:s15] =	ssyncset.done $0x0  }
0x21: {  	s25 =	simm.s32 $0x80;
	[sflag:s15] =	ssyncadd.s32 $0xFFFFC000  }
0x22: {  	[tilespmem:s16], [sflag:$0x2] =	stream.indirect.gather [hbm4b:s1+s13], $0x80, s25, s13, $0xb8;
	[tilespmem:$0x1E800] =	vst v63  }
0x23: {  	s29 =	simm.s32 $0x1400  }
0x24: {  	[spmem:s3] =	stream.indirect.scatter.add.f32 [tilespmem:s14], [sflag:$0x3], $0x80, s29, s13, $0xb8;
	[tilespmem:$0x1E800] =	vst v63  }
0x25: {  	_ =	swait.ge [sflag:s11], $0x4000  }
0x26: {  	[sflag:s11] =	ssyncset.done $0x0  }
0x27: {  	[sflag:s11] =	ssyncadd.s32 $0xFFFFC000  }
0x28: {  	_ =	swait.ge [sflag:s17], $0x4000  }
0x29: {  	[sflag:s17] =	ssyncset.done $0x0  }
0x2a: {  	s30 =	simm.s32 $0x100;
	[sflag:s17] =	ssyncadd.s32 $0xFFFFC000  }
0x2b: {  	[tilespmem:s14], [sflag:$0x1] =	stream.indirect.gather [hbm4b:s1+s13], $0x80, s30, s13, $0xb8;
	[tilespmem:$0x1E800] =	vst v63  }
0x2c: {  	s31 =	simm.s32 $0x1480  }
0x2d: {  	[spmem:s3] =	stream.indirect.scatter.add.f32 [tilespmem:s16], [sflag:$0x3], $0x80, s31, s13, $0xb8;
	[tilespmem:$0x1E800] =	vst v63  }
0x2e: {  	_ =	swait.ge [sflag:s11], $0x4000  }
0x2f: {  	s25 =	simm.s32 $0x400;
	[sflag:s11] =	ssyncset.done $0x0  }
.LBB2_2:
0x30: {  	p0 =	sne.s32 s25, $0x4800  }
0x31: {  	[sflag:s11] =	ssyncadd.s32 $0xFFFFC000;
	s26 =	smov.u32 s25;
	s25 =	sadd.s32 $0x400, s25  }
0x32: {  	_ = 	snop  }
0x33: {  	_ =	swait.ge [sflag:s15], $0x4000  }
0x34: {  	s26 =	sshra.s32 s26, $0x2;
	[sflag:s15] =	ssyncset.done $0x0  }
0x35: {  	s28 =	sadd.s32 $0x80, s26;
	[sflag:s15] =	ssyncadd.s32 $0xFFFFC000  }
0x36: {  	[tilespmem:s16], [sflag:$0x2] =	stream.indirect.gather [hbm4b:s1+s13], $0x80, s28, s13, $0xb8;
	[tilespmem:$0x1E800] =	vst v63  }
0x37: {  	s28 =	sadd.s32 $0x1400, s26  }
0x38: {  	[spmem:s3] =	stream.indirect.scatter.add.f32 [tilespmem:s14], [sflag:$0x3], $0x80, s28, s13, $0xb8;
	[tilespmem:$0x1E800] =	vst v63  }
0x39: {  	_ =	swait.ge [sflag:s11], $0x4000  }
0x3a: {  	[sflag:s11] =	ssyncset.done $0x0  }
0x3b: {  	[sflag:s11] =	ssyncadd.s32 $0xFFFFC000  }
0x3c: {  	_ =	swait.ge [sflag:s17], $0x4000  }
0x3d: {  	[sflag:s17] =	ssyncset.done $0x0  }
0x3e: {  	s28 =	sadd.s32 $0x100, s26;
	[sflag:s17] =	ssyncadd.s32 $0xFFFFC000  }
0x3f: {  	[tilespmem:s14], [sflag:$0x1] =	stream.indirect.gather [hbm4b:s1+s13], $0x80, s28, s13, $0xb8;
	[tilespmem:$0x1E800] =	vst v63  }
.Ltmp0:
0x40: {  	_ = 	snop;
	(pc) =	sbr.rel @p0 .LBB2_2-.Ltmp0, $4  }
0x41: {  	s26 =	sadd.s32 $0x1480, s26  }
0x42: {  	[spmem:s3] =	stream.indirect.scatter.add.f32 [tilespmem:s16], [sflag:$0x3], $0x80, s26, s13, $0xb8;
	[tilespmem:$0x1E800] =	vst v63  }
0x43: {  	_ =	swait.ge [sflag:s11], $0x4000  }
0x44: {  	[sflag:s11] =	ssyncset.done $0x0  }
0x45: {  	[sflag:s11] =	ssyncadd.s32 $0xFFFFC000  }
0x46: {  	_ =	swait.ge [sflag:s15], $0x4000  }
0x47: {  	[sflag:s15] =	ssyncset.done $0x0  }
0x48: {  	[sflag:s15] =	ssyncadd.s32 $0xFFFFC000  }
0x49: {  	[tilespmem:s16], [sflag:$0x2] =	stream.indirect.gather [hbm4b:s1+s13], $0x80, s18, s13, $0xb8;
	[tilespmem:$0x1E800] =	vst v63  }
0x4a: {  	_ = 	snop  }
0x4b: {  	[spmem:s3] =	stream.indirect.scatter.add.f32 [tilespmem:s14], [sflag:$0x3], $0x80, s19, s13, $0xb8;
	[tilespmem:$0x1E800] =	vst v63  }
0x4c: {  	_ =	swait.ge [sflag:s11], $0x4000  }
0x4d: {  	[sflag:s11] =	ssyncset.done $0x0  }
0x4e: {  	[sflag:s11] =	ssyncadd.s32 $0xFFFFC000  }
0x4f: {  	_ =	swait.ge [sflag:s17], $0x4000  }
0x50: {  	[sflag:s17] =	ssyncset.done $0x0  }
0x51: {  	[sflag:s17] =	ssyncadd.s32 $0xFFFFC000  }
0x52: {  	[spmem:s3] =	stream.indirect.scatter.add.f32 [tilespmem:s16], [sflag:$0x3], $0x80, s20, s13, $0xb8;
	[tilespmem:$0x1E800] =	vst v63  }
0x53: {  	_ =	swait.ge [sflag:s11], $0x4000  }
0x54: {  	[sflag:s11] =	ssyncset.done $0x0  }
0x55: {  	s25 =	simm.s32 $0x0;
	[sflag:s11] =	ssyncadd.s32 $0xFFFFC000  }
0x56: {  	[tilespmem:s25], [sflag:$0x3] =	stream.linear.gather [hbm4b:s21+s25], $0x1400, $0x38;
	[tilespmem:$0x1E800] =	vst v63  }
0x57: {  	_ =	swait.ge [sflag:s11], $0x1400  }
0x58: {  	[sflag:s11] =	ssyncset.done $0x0  }
0x59: {  	[sflag:s11] =	ssyncadd.s32 $0xFFFFEC00  }
0x5a: {  	[tilespmem:s12], [sflag:$0x3] =	stream.linear.gather [hbm4b:s22+s25], $0x1400, $0x38;
	[tilespmem:$0x1E800] =	vst v63  }
0x5b: {  	_ =	swait.ge [sflag:s11], $0x1400  }
0x5c: {  	[sflag:s11] =	ssyncset.done $0x0  }
0x5d: {  	[sflag:s11] =	ssyncadd.s32 $0xFFFFEC00  }
0x5e: {  	[tilespmem:s14], [sflag:$0x1] =	stream.indirect.gather [hbm4b:s1+s13], $0x80, s25, s13, $0xb8;
	[tilespmem:$0x1E800] =	vst v63  }
0x5f: {  	_ =	swait.ge [sflag:s15], $0x4000  }
0x60: {  	[sflag:s15] =	ssyncset.done $0x0  }
0x61: {  	s28 =	simm.s32 $0x80;
	[sflag:s15] =	ssyncadd.s32 $0xFFFFC000  }
0x62: {  	[tilespmem:s16], [sflag:$0x2] =	stream.indirect.gather [hbm4b:s1+s13], $0x80, s28, s13, $0xb8;
	[tilespmem:$0x1E800] =	vst v63  }
0x63: {  	s29 =	simm.s32 $0x1400  }
0x64: {  	[spmem:s3] =	stream.indirect.scatter.add.f32 [tilespmem:s14], [sflag:$0x3], $0x80, s29, s13, $0xb8;
	[tilespmem:$0x1E800] =	vst v63  }
0x65: {  	_ =	swait.ge [sflag:s11], $0x4000  }
0x66: {  	[sflag:s11] =	ssyncset.done $0x0  }
0x67: {  	[sflag:s11] =	ssyncadd.s32 $0xFFFFC000  }
0x68: {  	_ =	swait.ge [sflag:s17], $0x4000  }
0x69: {  	[sflag:s17] =	ssyncset.done $0x0  }
0x6a: {  	s30 =	simm.s32 $0x100;
	[sflag:s17] =	ssyncadd.s32 $0xFFFFC000  }
0x6b: {  	[tilespmem:s14], [sflag:$0x1] =	stream.indirect.gather [hbm4b:s1+s13], $0x80, s30, s13, $0xb8;
	[tilespmem:$0x1E800] =	vst v63  }
0x6c: {  	s31 =	simm.s32 $0x1480  }
0x6d: {  	[spmem:s3] =	stream.indirect.scatter.add.f32 [tilespmem:s16], [sflag:$0x3], $0x80, s31, s13, $0xb8;
	[tilespmem:$0x1E800] =	vst v63  }
0x6e: {  	_ =	swait.ge [sflag:s11], $0x4000  }
0x6f: {  	s25 =	simm.s32 $0x400;
	[sflag:s11] =	ssyncset.done $0x0  }
.LBB2_4:
0x70: {  	p0 =	sne.s32 s25, $0x4800  }
0x71: {  	[sflag:s11] =	ssyncadd.s32 $0xFFFFC000;
	s26 =	smov.u32 s25;
	s25 =	sadd.s32 $0x400, s25  }
0x72: {  	_ = 	snop  }
0x73: {  	_ =	swait.ge [sflag:s15], $0x4000  }
0x74: {  	s26 =	sshra.s32 s26, $0x2;
	[sflag:s15] =	ssyncset.done $0x0  }
0x75: {  	s28 =	sadd.s32 $0x80, s26;
	[sflag:s15] =	ssyncadd.s32 $0xFFFFC000  }
0x76: {  	[tilespmem:s16], [sflag:$0x2] =	stream.indirect.gather [hbm4b:s1+s13], $0x80, s28, s13, $0xb8;
	[tilespmem:$0x1E800] =	vst v63  }
0x77: {  	s28 =	sadd.s32 $0x1400, s26  }
0x78: {  	[spmem:s3] =	stream.indirect.scatter.add.f32 [tilespmem:s14], [sflag:$0x3], $0x80, s28, s13, $0xb8;
	[tilespmem:$0x1E800] =	vst v63  }
0x79: {  	_ =	swait.ge [sflag:s11], $0x4000  }
0x7a: {  	[sflag:s11] =	ssyncset.done $0x0  }
0x7b: {  	[sflag:s11] =	ssyncadd.s32 $0xFFFFC000  }
0x7c: {  	_ =	swait.ge [sflag:s17], $0x4000  }
0x7d: {  	[sflag:s17] =	ssyncset.done $0x0  }
0x7e: {  	s28 =	sadd.s32 $0x100, s26;
	[sflag:s17] =	ssyncadd.s32 $0xFFFFC000  }
0x7f: {  	[tilespmem:s14], [sflag:$0x1] =	stream.indirect.gather [hbm4b:s1+s13], $0x80, s28, s13, $0xb8;
	[tilespmem:$0x1E800] =	vst v63  }
.Ltmp1:
0x80: {  	_ = 	snop;
	(pc) =	sbr.rel @p0 .LBB2_4-.Ltmp1, $4  }
0x81: {  	s26 =	sadd.s32 $0x1480, s26  }
0x82: {  	[spmem:s3] =	stream.indirect.scatter.add.f32 [tilespmem:s16], [sflag:$0x3], $0x80, s26, s13, $0xb8;
	[tilespmem:$0x1E800] =	vst v63  }
0x83: {  	_ =	swait.ge [sflag:s11], $0x4000  }
0x84: {  	[sflag:s11] =	ssyncset.done $0x0  }
0x85: {  	[sflag:s11] =	ssyncadd.s32 $0xFFFFC000  }
0x86: {  	_ =	swait.ge [sflag:s15], $0x4000  }
0x87: {  	[sflag:s15] =	ssyncset.done $0x0  }
0x88: {  	[sflag:s15] =	ssyncadd.s32 $0xFFFFC000  }
0x89: {  	[tilespmem:s16], [sflag:$0x2] =	stream.indirect.gather [hbm4b:s1+s13], $0x80, s18, s13, $0xb8;
	[tilespmem:$0x1E800] =	vst v63  }
0x8a: {  	_ = 	snop  }
0x8b: {  	[spmem:s3] =	stream.indirect.scatter.add.f32 [tilespmem:s14], [sflag:$0x3], $0x80, s19, s13, $0xb8;
	[tilespmem:$0x1E800] =	vst v63  }
0x8c: {  	_ =	swait.ge [sflag:s11], $0x4000  }
0x8d: {  	[sflag:s11] =	ssyncset.done $0x0  }
0x8e: {  	[sflag:s11] =	ssyncadd.s32 $0xFFFFC000  }
0x8f: {  	_ =	swait.ge [sflag:s17], $0x4000  }
0x90: {  	[sflag:s17] =	ssyncset.done $0x0  }
0x91: {  	[sflag:s17] =	ssyncadd.s32 $0xFFFFC000  }
0x92: {  	[spmem:s3] =	stream.indirect.scatter.add.f32 [tilespmem:s16], [sflag:$0x3], $0x80, s20, s13, $0xb8;
	[tilespmem:$0x1E800] =	vst v63  }
0x93: {  	_ =	swait.ge [sflag:s11], $0x4000  }
0x94: {  	s24 =	sadd.s32 $0x1, s24;
	[sflag:s11] =	ssyncset.done $0x0  }
0x95: {  	p0 =	sne.s32 s24, s9;
	[sflag:s11] =	ssyncadd.s32 $0xFFFFC000  }
.Ltmp2:
0x96: {  	[bflag:$0x0] =	sbarrier.arrive $0xFFFF;
	(pc) =	sbr.rel @p0 .LBB2_1-.Ltmp2, $4  }
0x97: {  	[hbm:s23], [sflag:s6] =	dma.local [spmem:s10], $0x2800  }
0x98: {  	_ =	swait.ge [sflag:s11], $0x2800  }
0x99: {  	[sflag:s11] =	ssyncset.done $0x0  }
0x9a: {  	[sflag:s11] =	ssyncadd.s32 $0xFFFFD800  }
0x9b: {  	_ =	sfence.sel $0x180000  }
0x9c: {  	[bflag:$0x0] =	sbarrier.arrive $0xFFFF  }
0x9d: {  	p0 =	sne.s32 s0, $0x0;
	_ =	strace $0x90000047  }
0x9e: {  	s0 =	sadd.s32 @!p0 $0x100000, s2;
	[bflag:$0x2] =	sbarrier.arrive $0xFFFF  }
0x9f: {  	[sflag:s0] =	ssyncadd.tile.s32 @!p0 $0x1;
	_ =	shalt  }
.Lfunc_end2:
_tile_overlayer_lowered:
.L_overlay_start_2:
0xa0: {  	(tag) =	ssettag $0x2  }
0xa1: {  	s0 =	rddreg [dreg:$0x0];
	s2 =	stileid.u32  }
0xa2: {  	s1 =	rddreg [dreg:$0x1];
	p0 =	sne.s32 s2, $0x0  }
0xa3: {  	s3 =	rddreg [dreg:$0x2];
	[bflag:$0x3] =	sbarrier.arrive $0xFFFF;
	s2 =	simm.s32 @!p0 $0x1C03  }
0xa4: {  	[timem:s3], [sflag:s2] =	dma.local @!p0 [hbm:s0], s1  }
0xa5: {  	s0 =	simm.s32 @!p0 $0x3  }
0xa6: {  	_ =	swait.ge @!p0 [sflag:s0], s1  }
0xa7: {  	s1 =	ssub.s32 @!p0 $0x0, s1;
	[sflag:s0] =	ssyncset.done @!p0 $0x0  }
0xa8: {  	[sflag:s0] =	ssyncadd.s32 @!p0 s1  }
0xa9: {  	[bflag:$0x3] =	sbarrier.arrive $0xFFFF  }
0xaa: {  	_ =	shalt  }

// kernel: kernel.15.cloned.1.call-start
scs
__scs_entry_jumppad:
0x0: {  	(pc) =	sbr.rel $0x88, $3  }
0x1: {  	(tag) =	ssettag $0x0;
	lr =	simm.s32 $0x1  }
0x2: {  	[smem:$0x3F8D] =	sst lr;
	_ =	strace $0xD0000000  }
0x3: {  	_ = 	snop  }
0x4: {  	_ = 	snop  }
0x5: {  	_ = 	snop  }
0x6: {  	_ = 	snop  }
0x7: {  	_ = 	snop  }
__scs_overlays_trampoline_lowered:
0x8: {  	[smem:$0x3F9C] =	sst s0  }
0x9: {  	[smem:$0x3F9D] =	sst s1  }
0xa: {  	[smem:$0x3F9E] =	sst s2  }
0xb: {  	[smem:$0x3F9F] =	sst s3  }
0xc: {  	[smem:$0x3FA0] =	sst s4  }
0xd: {  	[smem:$0x3FA1] =	sst s5  }
0xe: {  	[smem:$0x3FA2] =	sst s6  }
0xf: {  	[smem:$0x3FA3] =	sst s7  }
0x10: {  	[smem:$0x3FA4] =	sst s8  }
0x11: {  	[smem:$0x3FA5] =	sst s9;
	s0 =	simm.s32 @!p0 $0x0  }
0x12: {  	s1 =	sld [smem:$0x3F8B];
	s0 =	simm.s32 @p0 $0x1  }
0x13: {  	[smem:$0x3FA6] =	sst s0;
	s0 =	simm.s32 @!p1 $0x0  }
0x14: {  	s2 =	sld [smem:$0x3F8A];
	s0 =	simm.s32 @p1 $0x1  }
0x15: {  	[smem:$0x3FA7] =	sst s0;
	s0 =	simm.s32 @!p2 $0x0  }
0x16: {  	s3 =	sld [smem:$0x3FDB];
	s0 =	simm.s32 @p2 $0x1  }
0x17: {  	s4 =	simm.s32 $0x1BF5;
	[smem:$0x3FA9] =	sst s0  }
0x18: {  	s0 =	sld [smem:$0x3F8C];
	_ =	swait.ge [sflag:s4], $0x0  }
0x19: {  	s7 =	sld [smem:$0x3F8D]  }
0x1a: {  	s8 =	sadd.s32 $0xFFFFE003, lr  }
0x1b: {  	s9 =	sadd.s32 $0xFFFFFEF7, lr;
	s5 =	simm.s32 $0xFFFFFFFF;
	p2 =	slt.u32 s8, $0xFFFFF086  }
0x1c: {  	p1 =	slt.u32 s9, $0xF7A;
	s5 =	simm.s32 @!p2 $0x0  }
0x1d: {  	s5 =	simm.s32 @p1 $0x1;
	p0 =	seq.s32 s7, s2  }
0x1e: {  	s7 =	smul.u32 @!p0 $0xF7A, s2;
	p2 =	seq.s32 @!p0 s5, $0x0  }
0x1f: {  	s9 =	smul.u32 $0xF7A, s1;
	s8 =	simm.s32 @!p0 $0x1BF5;
	p2 =	por !p2, p0  }
0x20: {  	[sflag:s8] =	ssyncset.s32 @!p0 $0xFFFFF086;
	s6 =	sadd.s32 @!p0 s3, s7;
	s7 =	simm.s32 @!p0 $0x108  }
0x21: {  	s3 =	sadd.s32 s3, s9;
	s6 =	sadd.s32 @!p0 $0x88, s6;
	s7 =	simm.s32 @p2 $0x1082  }
0x22: {  	[simem:s7], [sflag:s8] =	dma.local @!p0 [hbm:s6], $0xF7A  }
0x23: {  	s9 =	sor.u32 $0xD0000000, s2;
	s6 =	simm.s32 $0x108;
	_ =	swait.ge @!p0 [sflag:s8], $0x0  }
0x24: {  	s3 =	sadd.s32 $0x88, s3;
	s6 =	simm.s32 @!p1 $0x1082;
	[sflag:s4] =	ssyncset.s32 $0xFFFFF086  }
0x25: {  	[simem:s6], [sflag:s4] =	dma.local [hbm:s3], $0xF7A  }
0x26: {  	[smem:$0x3F8D] =	sst s1;
	(tag) =	ssettag s2;
	_ =	strace s9  }
0x27: {  	s1 =	sld [smem:$0x3F9D]  }
0x28: {  	s2 =	sld [smem:$0x3F9E]  }
0x29: {  	s4 =	sld [smem:$0x3FA0]  }
0x2a: {  	p0 =	seq.s32 s5, $0x0;
	s5 =	sld [smem:$0x3FA1]  }
0x2b: {  	s6 =	sld [smem:$0x3FA2]  }
0x2c: {  	s7 =	sld [smem:$0x3FA3]  }
0x2d: {  	s3 =	simm.s32 $0x108;
	s8 =	sld [smem:$0x3FA4]  }
0x2e: {  	s3 =	simm.s32 @!p0 $0x1082;
	s9 =	sld [smem:$0x3FA5]  }
0x2f: {  	lr =	sadd.s32 s0, s3;
	s0 =	sld [smem:$0x3F9C]  }
0x30: {  	s3 =	sld [smem:$0x3F9F]  }
0x31: {  	[smem:$0x3FA8] =	sst s10  }
0x32: {  	s10 =	sld [smem:$0x3FA6];
	_ =	sdelay $0x3  }
0x33: {  	p0 =	seq.s32 s10, $0x1;
	s10 =	sld [smem:$0x3FA8];
	_ =	sdelay $0x3  }
0x34: {  	[smem:$0x3FA8] =	sst s10  }
0x35: {  	s10 =	sld [smem:$0x3FA7];
	_ =	sdelay $0x3  }
0x36: {  	p1 =	seq.s32 s10, $0x1;
	s10 =	sld [smem:$0x3FA8];
	_ =	sdelay $0x3  }
0x37: {  	[smem:$0x3FA8] =	sst s10  }
0x38: {  	s10 =	sld [smem:$0x3FA9]  }
0x39: {  	_ = 	snop;
	(pc) =	sbr.ind lr, $3  }
0x3a: {  	_ = 	snop  }
0x3b: {  	_ = 	snop  }
0x3c: {  	p2 =	seq.s32 s10, $0x1;
	s10 =	sld [smem:$0x3FA8]  }
0x3d: {  	_ =	shalt  }
0x3e: {  	_ =	shalt  }
0x3f: {  	_ =	shalt  }
0x40: {  	_ =	shalt  }
0x41: {  	_ =	shalt  }
0x42: {  	_ =	shalt  }
0x43: {  	_ =	shalt  }
0x44: {  	_ =	shalt  }
0x45: {  	_ =	shalt  }
0x46: {  	_ =	shalt  }
0x47: {  	_ =	shalt  }
0x48: {  	_ =	shalt  }
0x49: {  	_ =	shalt  }
0x4a: {  	_ =	shalt  }
0x4b: {  	_ =	shalt  }
0x4c: {  	_ =	shalt  }
0x4d: {  	_ =	shalt  }
0x4e: {  	_ =	shalt  }
0x4f: {  	_ =	shalt  }
0x50: {  	_ =	shalt  }
0x51: {  	_ =	shalt  }
0x52: {  	_ =	shalt  }
0x53: {  	_ =	shalt  }
0x54: {  	_ =	shalt  }
0x55: {  	_ =	shalt  }
0x56: {  	_ =	shalt  }
0x57: {  	_ =	shalt  }
0x58: {  	_ =	shalt  }
0x59: {  	_ =	shalt  }
0x5a: {  	_ =	shalt  }
0x5b: {  	_ =	shalt  }
0x5c: {  	_ =	shalt  }
0x5d: {  	_ =	shalt  }
0x5e: {  	_ =	shalt  }
0x5f: {  	_ =	shalt  }
0x60: {  	_ =	shalt  }
0x61: {  	_ =	shalt  }
0x62: {  	_ =	shalt  }
0x63: {  	_ =	shalt  }
0x64: {  	_ =	shalt  }
0x65: {  	_ =	shalt  }
0x66: {  	_ =	shalt  }
0x67: {  	_ =	shalt  }
0x68: {  	_ =	shalt  }
0x69: {  	_ =	shalt  }
0x6a: {  	_ =	shalt  }
0x6b: {  	_ =	shalt  }
0x6c: {  	_ =	shalt  }
0x6d: {  	_ =	shalt  }
0x6e: {  	_ =	shalt  }
0x6f: {  	_ =	shalt  }
0x70: {  	_ =	shalt  }
0x71: {  	_ =	shalt  }
0x72: {  	_ =	shalt  }
0x73: {  	_ =	shalt  }
0x74: {  	_ =	shalt  }
0x75: {  	_ =	shalt  }
0x76: {  	_ =	shalt  }
0x77: {  	_ =	shalt  }
0x78: {  	_ =	shalt  }
0x79: {  	_ =	shalt  }
0x7a: {  	_ =	shalt  }
0x7b: {  	_ =	shalt  }
0x7c: {  	_ =	shalt  }
0x7d: {  	_ =	shalt  }
0x7e: {  	_ =	shalt  }
0x7f: {  	_ =	shalt  }
0x80: {  	_ =	shalt  }
0x81: {  	_ =	shalt  }
0x82: {  	_ =	shalt  }
0x83: {  	_ =	shalt  }
0x84: {  	_ =	shalt  }
0x85: {  	_ =	shalt  }
0x86: {  	_ =	shalt  }
0x87: {  	_ =	shalt  }
.Lfunc_end0:
.L_simem_size_0:
called_computation.2_lowered:
.L_overlay_start_0:
0x88: {  	s2 =	sld [smem:$0x3FD9]  }
0x89: {  	s3 =	sld [smem:$0x3FFE];
	_ =	sdelay $0x1  }
0x8a: {  	s1 =	srdreg.scid  }
0x8b: {  	s0 =	sand.u32 $0x1, s1  }
0x8c: {  	s16 =	sshll.u32 s0, $0xA;
	s2 =	sadd.s32 s3, s2  }
0x8d: {  	s2 =	sadd.s32 s2, s16  }
0x8e: {  	[smem:$0x3FB4] =	sst s2  }
0x8f: {  	_ = 	snop  }
0x90: {  	(tm) =	ssettm $0x1  }
0x91: {  	s17 =	sld [smem:$0x3FFB];
	_ =	sdelay $0x3  }
0x92: {  	_ =	strace s17  }
0x93: {  	s2 =	sld [smem:$0x3FFC];
	_ =	sdelay $0x3  }
0x94: {  	_ =	strace s2  }
0x95: {  	s2 =	sld [smem:$0x3FFD];
	_ =	sdelay $0x3  }
0x96: {  	_ =	strace s2  }
0x97: {  	_ =	strace $0x8FFFFFFF  }
0x98: {  	s18 =	sld [smem:$0x3FDB];
	_ =	sdelay $0x1  }
0x99: {  	s19 =	simm.s32 $_scs_section_size  }
0x9a: {  	s4 =	simm.s32 $_size__tile_overlayer_lowered;
	s5 =	simm.s32 $_tile_overlayer_lowered  }
0x9b: {  	s22 =	simm.s32 $0x1BFF;
	s21 =	sshll.u32 s5, $0x1;
	s2 =	sadd.s32 s19, s18  }
0x9c: {  	s6 =	simm.s32 $0x0;
	s20 =	sshll.u32 s4, $0x1;
	s4 =	sadd.s32 s21, s2  }
0x9d: {  	[timem:s6], [sflag:s22] =	dma.local [hbm:s4], s20  }
0x9e: {  	_ =	swait.ge [sflag:s22], s20  }
0x9f: {  	s3 =	ssub.s32 $0x0, s20;
	[sflag:s22] =	ssyncset.done $0x0  }
0xa0: {  	[sflag:s22] =	ssyncadd.s32 s3;
	_ =	sdelay $0x1  }
0xa1: {  	s23 =	simm.s32 $0x1B8B  }
0xa2: {  	_ =	swait.ge [sflag:s23], $0x1  }
0xa3: {  	[sflag:s23] =	ssyncset.done $0x0  }
0xa4: {  	s25 =	simm.s32 $0x1B8E;
	s24 =	sld [smem:$0x3FFE];
	[sflag:s23] =	ssyncadd.s32 $0xFFFFFFFF  }
0xa5: {  	s26 =	simm.s32 $execute0_lowered;
	[smem:$0x3FD2] =	sst s25  }
0xa6: {  	s4 =	sshll.u32 s26, $0x1;
	_ =	strace $0x8000004C;
	[dreg:$0x1] =	wrdreg $0xFFFFFFFF  }
0xa7: {  	s28 =	simm.s32 $_size_execute0_lowered;
	s2 =	sadd.s32 s2, s4;
	[dreg:$0x0] =	wrdreg $0x0  }
0xa8: {  	s4 =	sshll.u32 s28, $0x1;
	[dreg:$0x2] =	wrdreg s2  }
0xa9: {  	[dreg:$0x3] =	wrdreg s4  }
0xaa: {  	[dreg:$0x4] =	wrdreg $0xC0  }
0xab: {  	_ =	task [dreg:s6], $0x5FFFF  }
0xac: {  	[dreg:$0x1] =	wrdreg $0xFFFFFFFF  }
0xad: {  	[dreg:$0x0] =	wrdreg $0x60  }
0xae: {  	[dreg:$0x2] =	wrdreg s24  }
0xaf: {  	[dreg:$0x3] =	wrdreg $0xA8000  }
0xb0: {  	[dreg:$0x4] =	wrdreg $0x9  }
0xb1: {  	_ =	task.clear_ibuf [dreg:s6], $0x5FFFF;
	_ =	strace $0x9000004C  }
0xb2: {  	s29 =	simm.s32 $0x9;
	_ =	strace $0x8000004E  }
0xb3: {  	_ =	swait.ge [sflag:s29], $0x1  }
0xb4: {  	[sflag:s29] =	ssyncadd.s32 $0xFFFFFFFF  }
0xb5: {  	_ =	strace $0x9000004E  }
0xb6: {  	_ =	sfence  }
0xb7: {  	s30 =	sld [smem:$0x0];
	_ =	sdelay $0x2  }
0xb8: {  	s31 =	sshll.u32 s1, $0xD;
	s1 =	sshrl.u32 s1, $0x2  }
0xb9: {  	s3 =	sand.u32 $0x4000, s31;
	s1 =	sadd.s32 s1, s30  }
0xba: {  	s0 =	sor.u32 s3, s0;
	s1 =	sshll.u32 s1, $0x11  }
0xbb: {  	s0 =	sor.u32 s1, s0  }
0xbc: {  	s0 =	sadd.s32 $0x8F2B, s0  }
0xbd: {  	[sflag:s0] =	ssyncadd.remote.s32 $0x1  }
0xbe: {  	_ =	sfence.sel $0xFFFF  }
0xbf: {  	[dreg:$0x0] =	wrdreg $0xFFFFFFFF;
	(pc) =	sbr.abs _section_cstart, $3  }
0xc0: {  	[dreg:$0x1] =	wrdreg $0xFFFFFFFF  }
0xc1: {  	_ =	task.clear_ibuf [dreg:s6], $0x2FFFF;
	_ =	strace $0x9FFFFFFF  }
0xc2: {  	(tm) =	ssettm $0x7FFFFFFF  }
0xc3: {  	_ =	shalt  }
tec
execute0_lowered:
.L_overlay_start_1:
0x0: {  	(tag) =	ssettag $0x1  }
0x1: {  	s1 =	srdreg.scid;
	s6 =	rddreg [dreg:$0x0]  }
0x2: {  	s0 =	stileid.u32;
	s2 =	rddreg [dreg:$0x1]  }
0x3: {  	s3 =	simm.s32 $0x0;
	s13 =	simm.s32 $0x80;
	s14 =	simm.s32 $0x2800  }
0x4: {  	s15 =	simm.s32 $0x1;
	s16 =	simm.s32 $0x6800;
	s17 =	simm.s32 $0x2  }
0x5: {  	s18 =	simm.s32 $0x1380;
	s19 =	simm.s32 $0x2700;
	s20 =	simm.s32 $0x2780  }
0x6: {  	s5 =	sand.u32 $0x1, s1;
	s25 =	sshll.u32 s0, $0x1;
	s23 =	smul.u32 $0x2800, s0  }
0x7: {  	[smem:$0x7FF] =	sst s3;
	s4 =	sadd.s32 $0x40A00, s6;
	s9 =	smul.u32 $0x50000, s0  }
0x8: {  	s31 =	sshll.u32 s0, $0x6;
	s1 =	sor.u32 s5, s25;
	s8 =	smul.u32 $0x28000, s5  }
0x9: {  	s5 =	ssub.s32 $0x2, s5;
	s7 =	smul.u32 $0x500, s1;
	s1 =	rddreg [dreg:$0x2]  }
0xa: {  	_ =	strace $0x8000004D;
	s26 =	sadd.s32 s23, s6;
	s28 =	sshrl.u32 s5, $0x1  }
0xb: {  	s29 =	sshrl.u32 s9, $0x2;
	s11 =	sadd.s32 s8, s6;
	s30 =	ssub.s32 s5, s28  }
0xc: {  	s12 =	sadd.s32 s29, s2;
	s5 =	sadd.s32 $0x18A00, s26;
	s10 =	sadd.s32 s7, s6  }
0xd: {  	s6 =	sor.u32 $0x1C03, s31;
	s24 =	sadd.s32 $0x67C00, s11;
	s9 =	smax.u32 s30, $0x1  }
0xe: {  	s11 =	simm.s32 $0x3;
	s7 =	sadd.s32 $0xEA00, s10;
	s8 =	sadd.s32 $0x4A00, s10  }
0xf: {  	s10 =	sshrl.u32 s12, $0x3;
	s12 =	simm.s32 $0x1400;
	s23 =	sadd.s32 s23, s24  }
0x10: {  	s24 =	simm.s32 $0x0;
	s21 =	sadd.s32 $0x280, s7;
	s22 =	sadd.s32 $0x280, s8  }
.LBB2_1:
0x11: {  	[spmem:s10], [sflag:s6] =	dma.local [hbm:s5], $0x2800  }
0x12: {  	_ =	swait.ge [sflag:s11], $0x2800  }
0x13: {  	[sflag:s11] =	ssyncset.done $0x0  }
0x14: {  	[sflag:s11] =	ssyncadd.s32 $0xFFFFD800  }
0x15: {  	[bflag:$0x0] =	sbarrier.arrive $0xFFFF  }
0x16: {  	[tilespmem:s3], [sflag:$0x3] =	stream.linear.gather [hbm4b:s7+s3], $0x1400, $0x38;
	[tilespmem:$0x1E800] =	vst v63  }
0x17: {  	_ =	swait.ge [sflag:s11], $0x1400  }
0x18: {  	[sflag:s11] =	ssyncset.done $0x0  }
0x19: {  	[sflag:s11] =	ssyncadd.s32 $0xFFFFEC00  }
0x1a: {  	[tilespmem:s12], [sflag:$0x3] =	stream.linear.gather [hbm4b:s8+s3], $0x1400, $0x38;
	[tilespmem:$0x1E800] =	vst v63  }
0x1b: {  	_ =	swait.ge [sflag:s11], $0x1400  }
0x1c: {  	[sflag:s11] =	ssyncset.done $0x0  }
0x1d: {  	[sflag:s11] =	ssyncadd.s32 $0xFFFFEC00  }
0x1e: {  	[tilespmem:s14], [sflag:$0x1] =	stream.indirect.gather [hbm4b:s4+s13], $0x80, s3, s13, $0xb8;
	[tilespmem:$0x1E800] =	vst v63  }
0x1f: {  	_ =	swait.ge [sflag:s15], $0x4000  }
0x20: {  	[sflag:s15] =	ssyncset.done $0x0  }
0x21: {  	s25 =	simm.s32 $0x80;
	[sflag:s15] =	ssyncadd.s32 $0xFFFFC000  }
0x22: {  	[tilespmem:s16], [sflag:$0x2] =	stream.indirect.gather [hbm4b:s4+s13], $0x80, s25, s13, $0xb8;
	[tilespmem:$0x1E800] =	vst v63  }
0x23: {  	s29 =	simm.s32 $0x1400  }
0x24: {  	[spmem:s2] =	stream.indirect.scatter.add.f32 [tilespmem:s14], [sflag:$0x3], $0x80, s29, s13, $0xb8;
	[tilespmem:$0x1E800] =	vst v63  }
0x25: {  	_ =	swait.ge [sflag:s11], $0x4000  }
0x26: {  	[sflag:s11] =	ssyncset.done $0x0  }
0x27: {  	[sflag:s11] =	ssyncadd.s32 $0xFFFFC000  }
0x28: {  	_ =	swait.ge [sflag:s17], $0x4000  }
0x29: {  	[sflag:s17] =	ssyncset.done $0x0  }
0x2a: {  	s30 =	simm.s32 $0x100;
	[sflag:s17] =	ssyncadd.s32 $0xFFFFC000  }
0x2b: {  	[tilespmem:s14], [sflag:$0x1] =	stream.indirect.gather [hbm4b:s4+s13], $0x80, s30, s13, $0xb8;
	[tilespmem:$0x1E800] =	vst v63  }
0x2c: {  	s31 =	simm.s32 $0x1480  }
0x2d: {  	[spmem:s2] =	stream.indirect.scatter.add.f32 [tilespmem:s16], [sflag:$0x3], $0x80, s31, s13, $0xb8;
	[tilespmem:$0x1E800] =	vst v63  }
0x2e: {  	_ =	swait.ge [sflag:s11], $0x4000  }
0x2f: {  	s25 =	simm.s32 $0x400;
	[sflag:s11] =	ssyncset.done $0x0  }
.LBB2_2:
0x30: {  	p0 =	sne.s32 s25, $0x4800  }
0x31: {  	[sflag:s11] =	ssyncadd.s32 $0xFFFFC000;
	s26 =	smov.u32 s25;
	s25 =	sadd.s32 $0x400, s25  }
0x32: {  	_ = 	snop  }
0x33: {  	_ =	swait.ge [sflag:s15], $0x4000  }
0x34: {  	s26 =	sshra.s32 s26, $0x2;
	[sflag:s15] =	ssyncset.done $0x0  }
0x35: {  	s28 =	sadd.s32 $0x80, s26;
	[sflag:s15] =	ssyncadd.s32 $0xFFFFC000  }
0x36: {  	[tilespmem:s16], [sflag:$0x2] =	stream.indirect.gather [hbm4b:s4+s13], $0x80, s28, s13, $0xb8;
	[tilespmem:$0x1E800] =	vst v63  }
0x37: {  	s28 =	sadd.s32 $0x1400, s26  }
0x38: {  	[spmem:s2] =	stream.indirect.scatter.add.f32 [tilespmem:s14], [sflag:$0x3], $0x80, s28, s13, $0xb8;
	[tilespmem:$0x1E800] =	vst v63  }
0x39: {  	_ =	swait.ge [sflag:s11], $0x4000  }
0x3a: {  	[sflag:s11] =	ssyncset.done $0x0  }
0x3b: {  	[sflag:s11] =	ssyncadd.s32 $0xFFFFC000  }
0x3c: {  	_ =	swait.ge [sflag:s17], $0x4000  }
0x3d: {  	[sflag:s17] =	ssyncset.done $0x0  }
0x3e: {  	s28 =	sadd.s32 $0x100, s26;
	[sflag:s17] =	ssyncadd.s32 $0xFFFFC000  }
0x3f: {  	[tilespmem:s14], [sflag:$0x1] =	stream.indirect.gather [hbm4b:s4+s13], $0x80, s28, s13, $0xb8;
	[tilespmem:$0x1E800] =	vst v63  }
.Ltmp0:
0x40: {  	_ = 	snop;
	(pc) =	sbr.rel @p0 .LBB2_2-.Ltmp0, $4  }
0x41: {  	s26 =	sadd.s32 $0x1480, s26  }
0x42: {  	[spmem:s2] =	stream.indirect.scatter.add.f32 [tilespmem:s16], [sflag:$0x3], $0x80, s26, s13, $0xb8;
	[tilespmem:$0x1E800] =	vst v63  }
0x43: {  	_ =	swait.ge [sflag:s11], $0x4000  }
0x44: {  	[sflag:s11] =	ssyncset.done $0x0  }
0x45: {  	[sflag:s11] =	ssyncadd.s32 $0xFFFFC000  }
0x46: {  	_ =	swait.ge [sflag:s15], $0x4000  }
0x47: {  	[sflag:s15] =	ssyncset.done $0x0  }
0x48: {  	[sflag:s15] =	ssyncadd.s32 $0xFFFFC000  }
0x49: {  	[tilespmem:s16], [sflag:$0x2] =	stream.indirect.gather [hbm4b:s4+s13], $0x80, s18, s13, $0xb8;
	[tilespmem:$0x1E800] =	vst v63  }
0x4a: {  	_ = 	snop  }
0x4b: {  	[spmem:s2] =	stream.indirect.scatter.add.f32 [tilespmem:s14], [sflag:$0x3], $0x80, s19, s13, $0xb8;
	[tilespmem:$0x1E800] =	vst v63  }
0x4c: {  	_ =	swait.ge [sflag:s11], $0x4000  }
0x4d: {  	[sflag:s11] =	ssyncset.done $0x0  }
0x4e: {  	[sflag:s11] =	ssyncadd.s32 $0xFFFFC000  }
0x4f: {  	_ =	swait.ge [sflag:s17], $0x4000  }
0x50: {  	[sflag:s17] =	ssyncset.done $0x0  }
0x51: {  	[sflag:s17] =	ssyncadd.s32 $0xFFFFC000  }
0x52: {  	[spmem:s2] =	stream.indirect.scatter.add.f32 [tilespmem:s16], [sflag:$0x3], $0x80, s20, s13, $0xb8;
	[tilespmem:$0x1E800] =	vst v63  }
0x53: {  	_ =	swait.ge [sflag:s11], $0x4000  }
0x54: {  	[sflag:s11] =	ssyncset.done $0x0  }
0x55: {  	s25 =	simm.s32 $0x0;
	[sflag:s11] =	ssyncadd.s32 $0xFFFFC000  }
0x56: {  	[tilespmem:s25], [sflag:$0x3] =	stream.linear.gather [hbm4b:s21+s25], $0x1400, $0x38;
	[tilespmem:$0x1E800] =	vst v63  }
0x57: {  	_ =	swait.ge [sflag:s11], $0x1400  }
0x58: {  	[sflag:s11] =	ssyncset.done $0x0  }
0x59: {  	[sflag:s11] =	ssyncadd.s32 $0xFFFFEC00  }
0x5a: {  	[tilespmem:s12], [sflag:$0x3] =	stream.linear.gather [hbm4b:s22+s25], $0x1400, $0x38;
	[tilespmem:$0x1E800] =	vst v63  }
0x5b: {  	_ =	swait.ge [sflag:s11], $0x1400  }
0x5c: {  	[sflag:s11] =	ssyncset.done $0x0  }
0x5d: {  	[sflag:s11] =	ssyncadd.s32 $0xFFFFEC00  }
0x5e: {  	[tilespmem:s14], [sflag:$0x1] =	stream.indirect.gather [hbm4b:s4+s13], $0x80, s25, s13, $0xb8;
	[tilespmem:$0x1E800] =	vst v63  }
0x5f: {  	_ =	swait.ge [sflag:s15], $0x4000  }
0x60: {  	[sflag:s15] =	ssyncset.done $0x0  }
0x61: {  	s28 =	simm.s32 $0x80;
	[sflag:s15] =	ssyncadd.s32 $0xFFFFC000  }
0x62: {  	[tilespmem:s16], [sflag:$0x2] =	stream.indirect.gather [hbm4b:s4+s13], $0x80, s28, s13, $0xb8;
	[tilespmem:$0x1E800] =	vst v63  }
0x63: {  	s29 =	simm.s32 $0x1400  }
0x64: {  	[spmem:s2] =	stream.indirect.scatter.add.f32 [tilespmem:s14], [sflag:$0x3], $0x80, s29, s13, $0xb8;
	[tilespmem:$0x1E800] =	vst v63  }
0x65: {  	_ =	swait.ge [sflag:s11], $0x4000  }
0x66: {  	[sflag:s11] =	ssyncset.done $0x0  }
0x67: {  	[sflag:s11] =	ssyncadd.s32 $0xFFFFC000  }
0x68: {  	_ =	swait.ge [sflag:s17], $0x4000  }
0x69: {  	[sflag:s17] =	ssyncset.done $0x0  }
0x6a: {  	s30 =	simm.s32 $0x100;
	[sflag:s17] =	ssyncadd.s32 $0xFFFFC000  }
0x6b: {  	[tilespmem:s14], [sflag:$0x1] =	stream.indirect.gather [hbm4b:s4+s13], $0x80, s30, s13, $0xb8;
	[tilespmem:$0x1E800] =	vst v63  }
0x6c: {  	s31 =	simm.s32 $0x1480  }
0x6d: {  	[spmem:s2] =	stream.indirect.scatter.add.f32 [tilespmem:s16], [sflag:$0x3], $0x80, s31, s13, $0xb8;
	[tilespmem:$0x1E800] =	vst v63  }
0x6e: {  	_ =	swait.ge [sflag:s11], $0x4000  }
0x6f: {  	s25 =	simm.s32 $0x400;
	[sflag:s11] =	ssyncset.done $0x0  }
.LBB2_4:
0x70: {  	p0 =	sne.s32 s25, $0x4800  }
0x71: {  	[sflag:s11] =	ssyncadd.s32 $0xFFFFC000;
	s26 =	smov.u32 s25;
	s25 =	sadd.s32 $0x400, s25  }
0x72: {  	_ = 	snop  }
0x73: {  	_ =	swait.ge [sflag:s15], $0x4000  }
0x74: {  	s26 =	sshra.s32 s26, $0x2;
	[sflag:s15] =	ssyncset.done $0x0  }
0x75: {  	s28 =	sadd.s32 $0x80, s26;
	[sflag:s15] =	ssyncadd.s32 $0xFFFFC000  }
0x76: {  	[tilespmem:s16], [sflag:$0x2] =	stream.indirect.gather [hbm4b:s4+s13], $0x80, s28, s13, $0xb8;
	[tilespmem:$0x1E800] =	vst v63  }
0x77: {  	s28 =	sadd.s32 $0x1400, s26  }
0x78: {  	[spmem:s2] =	stream.indirect.scatter.add.f32 [tilespmem:s14], [sflag:$0x3], $0x80, s28, s13, $0xb8;
	[tilespmem:$0x1E800] =	vst v63  }
0x79: {  	_ =	swait.ge [sflag:s11], $0x4000  }
0x7a: {  	[sflag:s11] =	ssyncset.done $0x0  }
0x7b: {  	[sflag:s11] =	ssyncadd.s32 $0xFFFFC000  }
0x7c: {  	_ =	swait.ge [sflag:s17], $0x4000  }
0x7d: {  	[sflag:s17] =	ssyncset.done $0x0  }
0x7e: {  	s28 =	sadd.s32 $0x100, s26;
	[sflag:s17] =	ssyncadd.s32 $0xFFFFC000  }
0x7f: {  	[tilespmem:s14], [sflag:$0x1] =	stream.indirect.gather [hbm4b:s4+s13], $0x80, s28, s13, $0xb8;
	[tilespmem:$0x1E800] =	vst v63  }
.Ltmp1:
0x80: {  	_ = 	snop;
	(pc) =	sbr.rel @p0 .LBB2_4-.Ltmp1, $4  }
0x81: {  	s26 =	sadd.s32 $0x1480, s26  }
0x82: {  	[spmem:s2] =	stream.indirect.scatter.add.f32 [tilespmem:s16], [sflag:$0x3], $0x80, s26, s13, $0xb8;
	[tilespmem:$0x1E800] =	vst v63  }
0x83: {  	_ =	swait.ge [sflag:s11], $0x4000  }
0x84: {  	[sflag:s11] =	ssyncset.done $0x0  }
0x85: {  	[sflag:s11] =	ssyncadd.s32 $0xFFFFC000  }
0x86: {  	_ =	swait.ge [sflag:s15], $0x4000  }
0x87: {  	[sflag:s15] =	ssyncset.done $0x0  }
0x88: {  	[sflag:s15] =	ssyncadd.s32 $0xFFFFC000  }
0x89: {  	[tilespmem:s16], [sflag:$0x2] =	stream.indirect.gather [hbm4b:s4+s13], $0x80, s18, s13, $0xb8;
	[tilespmem:$0x1E800] =	vst v63  }
0x8a: {  	_ = 	snop  }
0x8b: {  	[spmem:s2] =	stream.indirect.scatter.add.f32 [tilespmem:s14], [sflag:$0x3], $0x80, s19, s13, $0xb8;
	[tilespmem:$0x1E800] =	vst v63  }
0x8c: {  	_ =	swait.ge [sflag:s11], $0x4000  }
0x8d: {  	[sflag:s11] =	ssyncset.done $0x0  }
0x8e: {  	[sflag:s11] =	ssyncadd.s32 $0xFFFFC000  }
0x8f: {  	_ =	swait.ge [sflag:s17], $0x4000  }
0x90: {  	[sflag:s17] =	ssyncset.done $0x0  }
0x91: {  	[sflag:s17] =	ssyncadd.s32 $0xFFFFC000  }
0x92: {  	[spmem:s2] =	stream.indirect.scatter.add.f32 [tilespmem:s16], [sflag:$0x3], $0x80, s20, s13, $0xb8;
	[tilespmem:$0x1E800] =	vst v63  }
0x93: {  	_ =	swait.ge [sflag:s11], $0x4000  }
0x94: {  	s24 =	sadd.s32 $0x1, s24;
	[sflag:s11] =	ssyncset.done $0x0  }
0x95: {  	p0 =	sne.s32 s24, s9;
	[sflag:s11] =	ssyncadd.s32 $0xFFFFC000  }
.Ltmp2:
0x96: {  	[bflag:$0x0] =	sbarrier.arrive $0xFFFF;
	(pc) =	sbr.rel @p0 .LBB2_1-.Ltmp2, $4  }
0x97: {  	[hbm:s23], [sflag:s6] =	dma.local [spmem:s10], $0x2800  }
0x98: {  	_ =	swait.ge [sflag:s11], $0x2800  }
0x99: {  	[sflag:s11] =	ssyncset.done $0x0  }
0x9a: {  	[sflag:s11] =	ssyncadd.s32 $0xFFFFD800  }
0x9b: {  	_ =	sfence.sel $0x180000  }
0x9c: {  	[bflag:$0x0] =	sbarrier.arrive $0xFFFF  }
0x9d: {  	p0 =	sne.s32 s0, $0x0;
	_ =	strace $0x9000004D  }
0x9e: {  	s0 =	sadd.s32 @!p0 $0x100000, s1;
	[bflag:$0x2] =	sbarrier.arrive $0xFFFF  }
0x9f: {  	[sflag:s0] =	ssyncadd.tile.s32 @!p0 $0x1;
	_ =	shalt  }
.Lfunc_end2:
_tile_overlayer_lowered:
.L_overlay_start_2:
0xa0: {  	(tag) =	ssettag $0x2  }
0xa1: {  	s0 =	rddreg [dreg:$0x0];
	s2 =	stileid.u32  }
0xa2: {  	s1 =	rddreg [dreg:$0x1];
	p0 =	sne.s32 s2, $0x0  }
0xa3: {  	s3 =	rddreg [dreg:$0x2];
	[bflag:$0x3] =	sbarrier.arrive $0xFFFF;
	s2 =	simm.s32 @!p0 $0x1C03  }
0xa4: {  	[timem:s3], [sflag:s2] =	dma.local @!p0 [hbm:s0], s1  }
0xa5: {  	s0 =	simm.s32 @!p0 $0x3  }
0xa6: {  	_ =	swait.ge @!p0 [sflag:s0], s1  }
0xa7: {  	s1 =	ssub.s32 @!p0 $0x0, s1;
	[sflag:s0] =	ssyncset.done @!p0 $0x0  }
0xa8: {  	[sflag:s0] =	ssyncadd.s32 @!p0 s1  }
0xa9: {  	[bflag:$0x3] =	sbarrier.arrive $0xFFFF  }
0xaa: {  	_ =	shalt  }

// kernel: kernel.18.cloned.1.call-start
scs
__scs_entry_jumppad:
0x0: {  	(pc) =	sbr.rel $0x88, $3  }
0x1: {  	(tag) =	ssettag $0x0;
	lr =	simm.s32 $0x1  }
0x2: {  	[smem:$0x3F8D] =	sst lr;
	_ =	strace $0xD0000000  }
0x3: {  	_ = 	snop  }
0x4: {  	_ = 	snop  }
0x5: {  	_ = 	snop  }
0x6: {  	_ = 	snop  }
0x7: {  	_ = 	snop  }
__scs_overlays_trampoline_lowered:
0x8: {  	[smem:$0x3F9C] =	sst s0  }
0x9: {  	[smem:$0x3F9D] =	sst s1  }
0xa: {  	[smem:$0x3F9E] =	sst s2  }
0xb: {  	[smem:$0x3F9F] =	sst s3  }
0xc: {  	[smem:$0x3FA0] =	sst s4  }
0xd: {  	[smem:$0x3FA1] =	sst s5  }
0xe: {  	[smem:$0x3FA2] =	sst s6  }
0xf: {  	[smem:$0x3FA3] =	sst s7  }
0x10: {  	[smem:$0x3FA4] =	sst s8  }
0x11: {  	[smem:$0x3FA5] =	sst s9;
	s0 =	simm.s32 @!p0 $0x0  }
0x12: {  	s1 =	sld [smem:$0x3F8B];
	s0 =	simm.s32 @p0 $0x1  }
0x13: {  	[smem:$0x3FA6] =	sst s0;
	s0 =	simm.s32 @!p1 $0x0  }
0x14: {  	s2 =	sld [smem:$0x3F8A];
	s0 =	simm.s32 @p1 $0x1  }
0x15: {  	[smem:$0x3FA7] =	sst s0;
	s0 =	simm.s32 @!p2 $0x0  }
0x16: {  	s3 =	sld [smem:$0x3FDB];
	s0 =	simm.s32 @p2 $0x1  }
0x17: {  	s4 =	simm.s32 $0x1BF5;
	[smem:$0x3FA9] =	sst s0  }
0x18: {  	s0 =	sld [smem:$0x3F8C];
	_ =	swait.ge [sflag:s4], $0x0  }
0x19: {  	s7 =	sld [smem:$0x3F8D]  }
0x1a: {  	s8 =	sadd.s32 $0xFFFFE003, lr  }
0x1b: {  	s9 =	sadd.s32 $0xFFFFFEF7, lr;
	s5 =	simm.s32 $0xFFFFFFFF;
	p2 =	slt.u32 s8, $0xFFFFF086  }
0x1c: {  	p1 =	slt.u32 s9, $0xF7A;
	s5 =	simm.s32 @!p2 $0x0  }
0x1d: {  	s5 =	simm.s32 @p1 $0x1;
	p0 =	seq.s32 s7, s2  }
0x1e: {  	s7 =	smul.u32 @!p0 $0xF7A, s2;
	p2 =	seq.s32 @!p0 s5, $0x0  }
0x1f: {  	s9 =	smul.u32 $0xF7A, s1;
	s8 =	simm.s32 @!p0 $0x1BF5;
	p2 =	por !p2, p0  }
0x20: {  	[sflag:s8] =	ssyncset.s32 @!p0 $0xFFFFF086;
	s6 =	sadd.s32 @!p0 s3, s7;
	s7 =	simm.s32 @!p0 $0x108  }
0x21: {  	s3 =	sadd.s32 s3, s9;
	s6 =	sadd.s32 @!p0 $0x88, s6;
	s7 =	simm.s32 @p2 $0x1082  }
0x22: {  	[simem:s7], [sflag:s8] =	dma.local @!p0 [hbm:s6], $0xF7A  }
0x23: {  	s9 =	sor.u32 $0xD0000000, s2;
	s6 =	simm.s32 $0x108;
	_ =	swait.ge @!p0 [sflag:s8], $0x0  }
0x24: {  	s3 =	sadd.s32 $0x88, s3;
	s6 =	simm.s32 @!p1 $0x1082;
	[sflag:s4] =	ssyncset.s32 $0xFFFFF086  }
0x25: {  	[simem:s6], [sflag:s4] =	dma.local [hbm:s3], $0xF7A  }
0x26: {  	[smem:$0x3F8D] =	sst s1;
	(tag) =	ssettag s2;
	_ =	strace s9  }
0x27: {  	s1 =	sld [smem:$0x3F9D]  }
0x28: {  	s2 =	sld [smem:$0x3F9E]  }
0x29: {  	s4 =	sld [smem:$0x3FA0]  }
0x2a: {  	p0 =	seq.s32 s5, $0x0;
	s5 =	sld [smem:$0x3FA1]  }
0x2b: {  	s6 =	sld [smem:$0x3FA2]  }
0x2c: {  	s7 =	sld [smem:$0x3FA3]  }
0x2d: {  	s3 =	simm.s32 $0x108;
	s8 =	sld [smem:$0x3FA4]  }
0x2e: {  	s3 =	simm.s32 @!p0 $0x1082;
	s9 =	sld [smem:$0x3FA5]  }
0x2f: {  	lr =	sadd.s32 s0, s3;
	s0 =	sld [smem:$0x3F9C]  }
0x30: {  	s3 =	sld [smem:$0x3F9F]  }
0x31: {  	[smem:$0x3FA8] =	sst s10  }
0x32: {  	s10 =	sld [smem:$0x3FA6];
	_ =	sdelay $0x3  }
0x33: {  	p0 =	seq.s32 s10, $0x1;
	s10 =	sld [smem:$0x3FA8];
	_ =	sdelay $0x3  }
0x34: {  	[smem:$0x3FA8] =	sst s10  }
0x35: {  	s10 =	sld [smem:$0x3FA7];
	_ =	sdelay $0x3  }
0x36: {  	p1 =	seq.s32 s10, $0x1;
	s10 =	sld [smem:$0x3FA8];
	_ =	sdelay $0x3  }
0x37: {  	[smem:$0x3FA8] =	sst s10  }
0x38: {  	s10 =	sld [smem:$0x3FA9]  }
0x39: {  	_ = 	snop;
	(pc) =	sbr.ind lr, $3  }
0x3a: {  	_ = 	snop  }
0x3b: {  	_ = 	snop  }
0x3c: {  	p2 =	seq.s32 s10, $0x1;
	s10 =	sld [smem:$0x3FA8]  }
0x3d: {  	_ =	shalt  }
0x3e: {  	_ =	shalt  }
0x3f: {  	_ =	shalt  }
0x40: {  	_ =	shalt  }
0x41: {  	_ =	shalt  }
0x42: {  	_ =	shalt  }
0x43: {  	_ =	shalt  }
0x44: {  	_ =	shalt  }
0x45: {  	_ =	shalt  }
0x46: {  	_ =	shalt  }
0x47: {  	_ =	shalt  }
0x48: {  	_ =	shalt  }
0x49: {  	_ =	shalt  }
0x4a: {  	_ =	shalt  }
0x4b: {  	_ =	shalt  }
0x4c: {  	_ =	shalt  }
0x4d: {  	_ =	shalt  }
0x4e: {  	_ =	shalt  }
0x4f: {  	_ =	shalt  }
0x50: {  	_ =	shalt  }
0x51: {  	_ =	shalt  }
0x52: {  	_ =	shalt  }
0x53: {  	_ =	shalt  }
0x54: {  	_ =	shalt  }
0x55: {  	_ =	shalt  }
0x56: {  	_ =	shalt  }
0x57: {  	_ =	shalt  }
0x58: {  	_ =	shalt  }
0x59: {  	_ =	shalt  }
0x5a: {  	_ =	shalt  }
0x5b: {  	_ =	shalt  }
0x5c: {  	_ =	shalt  }
0x5d: {  	_ =	shalt  }
0x5e: {  	_ =	shalt  }
0x5f: {  	_ =	shalt  }
0x60: {  	_ =	shalt  }
0x61: {  	_ =	shalt  }
0x62: {  	_ =	shalt  }
0x63: {  	_ =	shalt  }
0x64: {  	_ =	shalt  }
0x65: {  	_ =	shalt  }
0x66: {  	_ =	shalt  }
0x67: {  	_ =	shalt  }
0x68: {  	_ =	shalt  }
0x69: {  	_ =	shalt  }
0x6a: {  	_ =	shalt  }
0x6b: {  	_ =	shalt  }
0x6c: {  	_ =	shalt  }
0x6d: {  	_ =	shalt  }
0x6e: {  	_ =	shalt  }
0x6f: {  	_ =	shalt  }
0x70: {  	_ =	shalt  }
0x71: {  	_ =	shalt  }
0x72: {  	_ =	shalt  }
0x73: {  	_ =	shalt  }
0x74: {  	_ =	shalt  }
0x75: {  	_ =	shalt  }
0x76: {  	_ =	shalt  }
0x77: {  	_ =	shalt  }
0x78: {  	_ =	shalt  }
0x79: {  	_ =	shalt  }
0x7a: {  	_ =	shalt  }
0x7b: {  	_ =	shalt  }
0x7c: {  	_ =	shalt  }
0x7d: {  	_ =	shalt  }
0x7e: {  	_ =	shalt  }
0x7f: {  	_ =	shalt  }
0x80: {  	_ =	shalt  }
0x81: {  	_ =	shalt  }
0x82: {  	_ =	shalt  }
0x83: {  	_ =	shalt  }
0x84: {  	_ =	shalt  }
0x85: {  	_ =	shalt  }
0x86: {  	_ =	shalt  }
0x87: {  	_ =	shalt  }
.Lfunc_end0:
.L_simem_size_0:
called_computation.3_lowered:
.L_overlay_start_0:
0x88: {  	s2 =	sld [smem:$0x3FD9]  }
0x89: {  	s3 =	sld [smem:$0x3FFE];
	_ =	sdelay $0x1  }
0x8a: {  	s1 =	srdreg.scid  }
0x8b: {  	s0 =	sand.u32 $0x1, s1  }
0x8c: {  	s16 =	sshll.u32 s0, $0xA;
	s2 =	sadd.s32 s3, s2  }
0x8d: {  	s2 =	sadd.s32 s2, s16  }
0x8e: {  	[smem:$0x3FB4] =	sst s2  }
0x8f: {  	_ = 	snop  }
0x90: {  	(tm) =	ssettm $0x1  }
0x91: {  	s17 =	sld [smem:$0x3FFB];
	_ =	sdelay $0x3  }
0x92: {  	_ =	strace s17  }
0x93: {  	s2 =	sld [smem:$0x3FFC];
	_ =	sdelay $0x3  }
0x94: {  	_ =	strace s2  }
0x95: {  	s2 =	sld [smem:$0x3FFD];
	_ =	sdelay $0x3  }
0x96: {  	_ =	strace s2  }
0x97: {  	_ =	strace $0x8FFFFFFF  }
0x98: {  	s18 =	sld [smem:$0x3FDB];
	_ =	sdelay $0x1  }
0x99: {  	s19 =	simm.s32 $_scs_section_size  }
0x9a: {  	s4 =	simm.s32 $_size__tile_overlayer_lowered;
	s5 =	simm.s32 $_tile_overlayer_lowered  }
0x9b: {  	s22 =	simm.s32 $0x1BFF;
	s21 =	sshll.u32 s5, $0x1;
	s2 =	sadd.s32 s19, s18  }
0x9c: {  	s6 =	simm.s32 $0x0;
	s20 =	sshll.u32 s4, $0x1;
	s4 =	sadd.s32 s21, s2  }
0x9d: {  	[timem:s6], [sflag:s22] =	dma.local [hbm:s4], s20  }
0x9e: {  	_ =	swait.ge [sflag:s22], s20  }
0x9f: {  	s3 =	ssub.s32 $0x0, s20;
	[sflag:s22] =	ssyncset.done $0x0  }
0xa0: {  	[sflag:s22] =	ssyncadd.s32 s3;
	_ =	sdelay $0x1  }
0xa1: {  	s23 =	simm.s32 $0x1B8B  }
0xa2: {  	_ =	swait.ge [sflag:s23], $0x1  }
0xa3: {  	[sflag:s23] =	ssyncset.done $0x0  }
0xa4: {  	s25 =	simm.s32 $0x1B8E;
	s24 =	sld [smem:$0x3FFE];
	[sflag:s23] =	ssyncadd.s32 $0xFFFFFFFF  }
0xa5: {  	s26 =	simm.s32 $execute0_lowered;
	[smem:$0x3FD2] =	sst s25  }
0xa6: {  	s4 =	sshll.u32 s26, $0x1;
	_ =	strace $0x8000004F;
	[dreg:$0x1] =	wrdreg $0xFFFFFFFF  }
0xa7: {  	s28 =	simm.s32 $_size_execute0_lowered;
	s2 =	sadd.s32 s2, s4;
	[dreg:$0x0] =	wrdreg $0x0  }
0xa8: {  	s4 =	sshll.u32 s28, $0x1;
	[dreg:$0x2] =	wrdreg s2  }
0xa9: {  	[dreg:$0x3] =	wrdreg s4  }
0xaa: {  	[dreg:$0x4] =	wrdreg $0xC0  }
0xab: {  	_ =	task [dreg:s6], $0x5FFFF  }
0xac: {  	[dreg:$0x1] =	wrdreg $0xFFFFFFFF  }
0xad: {  	[dreg:$0x0] =	wrdreg $0x60  }
0xae: {  	[dreg:$0x2] =	wrdreg s24  }
0xaf: {  	[dreg:$0x3] =	wrdreg $0xA8000  }
0xb0: {  	[dreg:$0x4] =	wrdreg $0x9  }
0xb1: {  	_ =	task.clear_ibuf [dreg:s6], $0x5FFFF;
	_ =	strace $0x9000004F  }
0xb2: {  	s29 =	simm.s32 $0x9;
	_ =	strace $0x80000051  }
0xb3: {  	_ =	swait.ge [sflag:s29], $0x1  }
0xb4: {  	[sflag:s29] =	ssyncadd.s32 $0xFFFFFFFF  }
0xb5: {  	_ =	strace $0x90000051  }
0xb6: {  	_ =	sfence  }
0xb7: {  	s30 =	sld [smem:$0x0];
	_ =	sdelay $0x2  }
0xb8: {  	s31 =	sshll.u32 s1, $0xD;
	s1 =	sshrl.u32 s1, $0x2  }
0xb9: {  	s3 =	sand.u32 $0x4000, s31;
	s1 =	sadd.s32 s1, s30  }
0xba: {  	s0 =	sor.u32 s3, s0;
	s1 =	sshll.u32 s1, $0x11  }
0xbb: {  	s0 =	sor.u32 s1, s0  }
0xbc: {  	s0 =	sadd.s32 $0x8F2B, s0  }
0xbd: {  	[sflag:s0] =	ssyncadd.remote.s32 $0x1  }
0xbe: {  	_ =	sfence.sel $0xFFFF  }
0xbf: {  	[dreg:$0x0] =	wrdreg $0xFFFFFFFF;
	(pc) =	sbr.abs _section_cstart, $3  }
0xc0: {  	[dreg:$0x1] =	wrdreg $0xFFFFFFFF  }
0xc1: {  	_ =	task.clear_ibuf [dreg:s6], $0x2FFFF;
	_ =	strace $0x9FFFFFFF  }
0xc2: {  	(tm) =	ssettm $0x7FFFFFFF  }
0xc3: {  	_ =	shalt  }
tec
execute0_lowered:
.L_overlay_start_1:
0x0: {  	(tag) =	ssettag $0x1  }
0x1: {  	s1 =	srdreg.scid;
	s6 =	rddreg [dreg:$0x0]  }
0x2: {  	s0 =	stileid.u32;
	s2 =	rddreg [dreg:$0x1]  }
0x3: {  	s3 =	simm.s32 $0x0;
	s13 =	simm.s32 $0x80;
	s14 =	simm.s32 $0x2800  }
0x4: {  	s15 =	simm.s32 $0x1;
	s16 =	simm.s32 $0x6800;
	s17 =	simm.s32 $0x2  }
0x5: {  	s18 =	simm.s32 $0x1380;
	s19 =	simm.s32 $0x2700;
	s20 =	simm.s32 $0x2780  }
0x6: {  	s5 =	sand.u32 $0x1, s1;
	s25 =	sshll.u32 s0, $0x1;
	s23 =	smul.u32 $0x2800, s0  }
0x7: {  	[smem:$0x7FF] =	sst s3;
	s4 =	sadd.s32 $0x40A00, s6;
	s9 =	smul.u32 $0x50000, s0  }
0x8: {  	s31 =	sshll.u32 s0, $0x6;
	s1 =	sor.u32 s5, s25;
	s8 =	smul.u32 $0x28000, s5  }
0x9: {  	s5 =	ssub.s32 $0x2, s5;
	s7 =	smul.u32 $0x500, s1;
	s1 =	rddreg [dreg:$0x2]  }
0xa: {  	_ =	strace $0x80000050;
	s26 =	sadd.s32 s23, s6;
	s28 =	sshrl.u32 s5, $0x1  }
0xb: {  	s29 =	sshrl.u32 s9, $0x2;
	s11 =	sadd.s32 s8, s6;
	s30 =	ssub.s32 s5, s28  }
0xc: {  	s12 =	sadd.s32 s29, s2;
	s5 =	sadd.s32 $0x18A00, s26;
	s10 =	sadd.s32 s7, s6  }
0xd: {  	s6 =	sor.u32 $0x1C03, s31;
	s24 =	sadd.s32 $0x67C00, s11;
	s9 =	smax.u32 s30, $0x1  }
0xe: {  	s11 =	simm.s32 $0x3;
	s7 =	sadd.s32 $0xEA00, s10;
	s8 =	sadd.s32 $0x4A00, s10  }
0xf: {  	s10 =	sshrl.u32 s12, $0x3;
	s12 =	simm.s32 $0x1400;
	s23 =	sadd.s32 s23, s24  }
0x10: {  	s24 =	simm.s32 $0x0;
	s21 =	sadd.s32 $0x280, s7;
	s22 =	sadd.s32 $0x280, s8  }
.LBB2_1:
0x11: {  	[spmem:s10], [sflag:s6] =	dma.local [hbm:s5], $0x2800  }
0x12: {  	_ =	swait.ge [sflag:s11], $0x2800  }
0x13: {  	[sflag:s11] =	ssyncset.done $0x0  }
0x14: {  	[sflag:s11] =	ssyncadd.s32 $0xFFFFD800  }
0x15: {  	[bflag:$0x0] =	sbarrier.arrive $0xFFFF  }
0x16: {  	[tilespmem:s3], [sflag:$0x3] =	stream.linear.gather [hbm4b:s7+s3], $0x1400, $0x38;
	[tilespmem:$0x1E800] =	vst v63  }
0x17: {  	_ =	swait.ge [sflag:s11], $0x1400  }
0x18: {  	[sflag:s11] =	ssyncset.done $0x0  }
0x19: {  	[sflag:s11] =	ssyncadd.s32 $0xFFFFEC00  }
0x1a: {  	[tilespmem:s12], [sflag:$0x3] =	stream.linear.gather [hbm4b:s8+s3], $0x1400, $0x38;
	[tilespmem:$0x1E800] =	vst v63  }
0x1b: {  	_ =	swait.ge [sflag:s11], $0x1400  }
0x1c: {  	[sflag:s11] =	ssyncset.done $0x0  }
0x1d: {  	[sflag:s11] =	ssyncadd.s32 $0xFFFFEC00  }
0x1e: {  	[tilespmem:s14], [sflag:$0x1] =	stream.indirect.gather [hbm4b:s4+s13], $0x80, s3, s13, $0xb8;
	[tilespmem:$0x1E800] =	vst v63  }
0x1f: {  	_ =	swait.ge [sflag:s15], $0x4000  }
0x20: {  	[sflag:s15] =	ssyncset.done $0x0  }
0x21: {  	s25 =	simm.s32 $0x80;
	[sflag:s15] =	ssyncadd.s32 $0xFFFFC000  }
0x22: {  	[tilespmem:s16], [sflag:$0x2] =	stream.indirect.gather [hbm4b:s4+s13], $0x80, s25, s13, $0xb8;
	[tilespmem:$0x1E800] =	vst v63  }
0x23: {  	s29 =	simm.s32 $0x1400  }
0x24: {  	[spmem:s2] =	stream.indirect.scatter.add.f32 [tilespmem:s14], [sflag:$0x3], $0x80, s29, s13, $0xb8;
	[tilespmem:$0x1E800] =	vst v63  }
0x25: {  	_ =	swait.ge [sflag:s11], $0x4000  }
0x26: {  	[sflag:s11] =	ssyncset.done $0x0  }
0x27: {  	[sflag:s11] =	ssyncadd.s32 $0xFFFFC000  }
0x28: {  	_ =	swait.ge [sflag:s17], $0x4000  }
0x29: {  	[sflag:s17] =	ssyncset.done $0x0  }
0x2a: {  	s30 =	simm.s32 $0x100;
	[sflag:s17] =	ssyncadd.s32 $0xFFFFC000  }
0x2b: {  	[tilespmem:s14], [sflag:$0x1] =	stream.indirect.gather [hbm4b:s4+s13], $0x80, s30, s13, $0xb8;
	[tilespmem:$0x1E800] =	vst v63  }
0x2c: {  	s31 =	simm.s32 $0x1480  }
0x2d: {  	[spmem:s2] =	stream.indirect.scatter.add.f32 [tilespmem:s16], [sflag:$0x3], $0x80, s31, s13, $0xb8;
	[tilespmem:$0x1E800] =	vst v63  }
0x2e: {  	_ =	swait.ge [sflag:s11], $0x4000  }
0x2f: {  	s25 =	simm.s32 $0x400;
	[sflag:s11] =	ssyncset.done $0x0  }
.LBB2_2:
0x30: {  	p0 =	sne.s32 s25, $0x4800  }
0x31: {  	[sflag:s11] =	ssyncadd.s32 $0xFFFFC000;
	s26 =	smov.u32 s25;
	s25 =	sadd.s32 $0x400, s25  }
0x32: {  	_ = 	snop  }
0x33: {  	_ =	swait.ge [sflag:s15], $0x4000  }
0x34: {  	s26 =	sshra.s32 s26, $0x2;
	[sflag:s15] =	ssyncset.done $0x0  }
0x35: {  	s28 =	sadd.s32 $0x80, s26;
	[sflag:s15] =	ssyncadd.s32 $0xFFFFC000  }
0x36: {  	[tilespmem:s16], [sflag:$0x2] =	stream.indirect.gather [hbm4b:s4+s13], $0x80, s28, s13, $0xb8;
	[tilespmem:$0x1E800] =	vst v63  }
0x37: {  	s28 =	sadd.s32 $0x1400, s26  }
0x38: {  	[spmem:s2] =	stream.indirect.scatter.add.f32 [tilespmem:s14], [sflag:$0x3], $0x80, s28, s13, $0xb8;
	[tilespmem:$0x1E800] =	vst v63  }
0x39: {  	_ =	swait.ge [sflag:s11], $0x4000  }
0x3a: {  	[sflag:s11] =	ssyncset.done $0x0  }
0x3b: {  	[sflag:s11] =	ssyncadd.s32 $0xFFFFC000  }
0x3c: {  	_ =	swait.ge [sflag:s17], $0x4000  }
0x3d: {  	[sflag:s17] =	ssyncset.done $0x0  }
0x3e: {  	s28 =	sadd.s32 $0x100, s26;
	[sflag:s17] =	ssyncadd.s32 $0xFFFFC000  }
0x3f: {  	[tilespmem:s14], [sflag:$0x1] =	stream.indirect.gather [hbm4b:s4+s13], $0x80, s28, s13, $0xb8;
	[tilespmem:$0x1E800] =	vst v63  }
.Ltmp0:
0x40: {  	_ = 	snop;
	(pc) =	sbr.rel @p0 .LBB2_2-.Ltmp0, $4  }
0x41: {  	s26 =	sadd.s32 $0x1480, s26  }
0x42: {  	[spmem:s2] =	stream.indirect.scatter.add.f32 [tilespmem:s16], [sflag:$0x3], $0x80, s26, s13, $0xb8;
	[tilespmem:$0x1E800] =	vst v63  }
0x43: {  	_ =	swait.ge [sflag:s11], $0x4000  }
0x44: {  	[sflag:s11] =	ssyncset.done $0x0  }
0x45: {  	[sflag:s11] =	ssyncadd.s32 $0xFFFFC000  }
0x46: {  	_ =	swait.ge [sflag:s15], $0x4000  }
0x47: {  	[sflag:s15] =	ssyncset.done $0x0  }
0x48: {  	[sflag:s15] =	ssyncadd.s32 $0xFFFFC000  }
0x49: {  	[tilespmem:s16], [sflag:$0x2] =	stream.indirect.gather [hbm4b:s4+s13], $0x80, s18, s13, $0xb8;
	[tilespmem:$0x1E800] =	vst v63  }
0x4a: {  	_ = 	snop  }
0x4b: {  	[spmem:s2] =	stream.indirect.scatter.add.f32 [tilespmem:s14], [sflag:$0x3], $0x80, s19, s13, $0xb8;
	[tilespmem:$0x1E800] =	vst v63  }
0x4c: {  	_ =	swait.ge [sflag:s11], $0x4000  }
0x4d: {  	[sflag:s11] =	ssyncset.done $0x0  }
0x4e: {  	[sflag:s11] =	ssyncadd.s32 $0xFFFFC000  }
0x4f: {  	_ =	swait.ge [sflag:s17], $0x4000  }
0x50: {  	[sflag:s17] =	ssyncset.done $0x0  }
0x51: {  	[sflag:s17] =	ssyncadd.s32 $0xFFFFC000  }
0x52: {  	[spmem:s2] =	stream.indirect.scatter.add.f32 [tilespmem:s16], [sflag:$0x3], $0x80, s20, s13, $0xb8;
	[tilespmem:$0x1E800] =	vst v63  }
0x53: {  	_ =	swait.ge [sflag:s11], $0x4000  }
0x54: {  	[sflag:s11] =	ssyncset.done $0x0  }
0x55: {  	s25 =	simm.s32 $0x0;
	[sflag:s11] =	ssyncadd.s32 $0xFFFFC000  }
0x56: {  	[tilespmem:s25], [sflag:$0x3] =	stream.linear.gather [hbm4b:s21+s25], $0x1400, $0x38;
	[tilespmem:$0x1E800] =	vst v63  }
0x57: {  	_ =	swait.ge [sflag:s11], $0x1400  }
0x58: {  	[sflag:s11] =	ssyncset.done $0x0  }
0x59: {  	[sflag:s11] =	ssyncadd.s32 $0xFFFFEC00  }
0x5a: {  	[tilespmem:s12], [sflag:$0x3] =	stream.linear.gather [hbm4b:s22+s25], $0x1400, $0x38;
	[tilespmem:$0x1E800] =	vst v63  }
0x5b: {  	_ =	swait.ge [sflag:s11], $0x1400  }
0x5c: {  	[sflag:s11] =	ssyncset.done $0x0  }
0x5d: {  	[sflag:s11] =	ssyncadd.s32 $0xFFFFEC00  }
0x5e: {  	[tilespmem:s14], [sflag:$0x1] =	stream.indirect.gather [hbm4b:s4+s13], $0x80, s25, s13, $0xb8;
	[tilespmem:$0x1E800] =	vst v63  }
0x5f: {  	_ =	swait.ge [sflag:s15], $0x4000  }
0x60: {  	[sflag:s15] =	ssyncset.done $0x0  }
0x61: {  	s28 =	simm.s32 $0x80;
	[sflag:s15] =	ssyncadd.s32 $0xFFFFC000  }
0x62: {  	[tilespmem:s16], [sflag:$0x2] =	stream.indirect.gather [hbm4b:s4+s13], $0x80, s28, s13, $0xb8;
	[tilespmem:$0x1E800] =	vst v63  }
0x63: {  	s29 =	simm.s32 $0x1400  }
0x64: {  	[spmem:s2] =	stream.indirect.scatter.add.f32 [tilespmem:s14], [sflag:$0x3], $0x80, s29, s13, $0xb8;
	[tilespmem:$0x1E800] =	vst v63  }
0x65: {  	_ =	swait.ge [sflag:s11], $0x4000  }
0x66: {  	[sflag:s11] =	ssyncset.done $0x0  }
0x67: {  	[sflag:s11] =	ssyncadd.s32 $0xFFFFC000  }
0x68: {  	_ =	swait.ge [sflag:s17], $0x4000  }
0x69: {  	[sflag:s17] =	ssyncset.done $0x0  }
0x6a: {  	s30 =	simm.s32 $0x100;
	[sflag:s17] =	ssyncadd.s32 $0xFFFFC000  }
0x6b: {  	[tilespmem:s14], [sflag:$0x1] =	stream.indirect.gather [hbm4b:s4+s13], $0x80, s30, s13, $0xb8;
	[tilespmem:$0x1E800] =	vst v63  }
0x6c: {  	s31 =	simm.s32 $0x1480  }
0x6d: {  	[spmem:s2] =	stream.indirect.scatter.add.f32 [tilespmem:s16], [sflag:$0x3], $0x80, s31, s13, $0xb8;
	[tilespmem:$0x1E800] =	vst v63  }
0x6e: {  	_ =	swait.ge [sflag:s11], $0x4000  }
0x6f: {  	s25 =	simm.s32 $0x400;
	[sflag:s11] =	ssyncset.done $0x0  }
.LBB2_4:
0x70: {  	p0 =	sne.s32 s25, $0x4800  }
0x71: {  	[sflag:s11] =	ssyncadd.s32 $0xFFFFC000;
	s26 =	smov.u32 s25;
	s25 =	sadd.s32 $0x400, s25  }
0x72: {  	_ = 	snop  }
0x73: {  	_ =	swait.ge [sflag:s15], $0x4000  }
0x74: {  	s26 =	sshra.s32 s26, $0x2;
	[sflag:s15] =	ssyncset.done $0x0  }
0x75: {  	s28 =	sadd.s32 $0x80, s26;
	[sflag:s15] =	ssyncadd.s32 $0xFFFFC000  }
0x76: {  	[tilespmem:s16], [sflag:$0x2] =	stream.indirect.gather [hbm4b:s4+s13], $0x80, s28, s13, $0xb8;
	[tilespmem:$0x1E800] =	vst v63  }
0x77: {  	s28 =	sadd.s32 $0x1400, s26  }
0x78: {  	[spmem:s2] =	stream.indirect.scatter.add.f32 [tilespmem:s14], [sflag:$0x3], $0x80, s28, s13, $0xb8;
	[tilespmem:$0x1E800] =	vst v63  }
0x79: {  	_ =	swait.ge [sflag:s11], $0x4000  }
0x7a: {  	[sflag:s11] =	ssyncset.done $0x0  }
0x7b: {  	[sflag:s11] =	ssyncadd.s32 $0xFFFFC000  }
0x7c: {  	_ =	swait.ge [sflag:s17], $0x4000  }
0x7d: {  	[sflag:s17] =	ssyncset.done $0x0  }
0x7e: {  	s28 =	sadd.s32 $0x100, s26;
	[sflag:s17] =	ssyncadd.s32 $0xFFFFC000  }
0x7f: {  	[tilespmem:s14], [sflag:$0x1] =	stream.indirect.gather [hbm4b:s4+s13], $0x80, s28, s13, $0xb8;
	[tilespmem:$0x1E800] =	vst v63  }
.Ltmp1:
0x80: {  	_ = 	snop;
	(pc) =	sbr.rel @p0 .LBB2_4-.Ltmp1, $4  }
0x81: {  	s26 =	sadd.s32 $0x1480, s26  }
0x82: {  	[spmem:s2] =	stream.indirect.scatter.add.f32 [tilespmem:s16], [sflag:$0x3], $0x80, s26, s13, $0xb8;
	[tilespmem:$0x1E800] =	vst v63  }
0x83: {  	_ =	swait.ge [sflag:s11], $0x4000  }
0x84: {  	[sflag:s11] =	ssyncset.done $0x0  }
0x85: {  	[sflag:s11] =	ssyncadd.s32 $0xFFFFC000  }
0x86: {  	_ =	swait.ge [sflag:s15], $0x4000  }
0x87: {  	[sflag:s15] =	ssyncset.done $0x0  }
0x88: {  	[sflag:s15] =	ssyncadd.s32 $0xFFFFC000  }
0x89: {  	[tilespmem:s16], [sflag:$0x2] =	stream.indirect.gather [hbm4b:s4+s13], $0x80, s18, s13, $0xb8;
	[tilespmem:$0x1E800] =	vst v63  }
0x8a: {  	_ = 	snop  }
0x8b: {  	[spmem:s2] =	stream.indirect.scatter.add.f32 [tilespmem:s14], [sflag:$0x3], $0x80, s19, s13, $0xb8;
	[tilespmem:$0x1E800] =	vst v63  }
0x8c: {  	_ =	swait.ge [sflag:s11], $0x4000  }
0x8d: {  	[sflag:s11] =	ssyncset.done $0x0  }
0x8e: {  	[sflag:s11] =	ssyncadd.s32 $0xFFFFC000  }
0x8f: {  	_ =	swait.ge [sflag:s17], $0x4000  }
0x90: {  	[sflag:s17] =	ssyncset.done $0x0  }
0x91: {  	[sflag:s17] =	ssyncadd.s32 $0xFFFFC000  }
0x92: {  	[spmem:s2] =	stream.indirect.scatter.add.f32 [tilespmem:s16], [sflag:$0x3], $0x80, s20, s13, $0xb8;
	[tilespmem:$0x1E800] =	vst v63  }
0x93: {  	_ =	swait.ge [sflag:s11], $0x4000  }
0x94: {  	s24 =	sadd.s32 $0x1, s24;
	[sflag:s11] =	ssyncset.done $0x0  }
0x95: {  	p0 =	sne.s32 s24, s9;
	[sflag:s11] =	ssyncadd.s32 $0xFFFFC000  }
.Ltmp2:
0x96: {  	[bflag:$0x0] =	sbarrier.arrive $0xFFFF;
	(pc) =	sbr.rel @p0 .LBB2_1-.Ltmp2, $4  }
0x97: {  	[hbm:s23], [sflag:s6] =	dma.local [spmem:s10], $0x2800  }
0x98: {  	_ =	swait.ge [sflag:s11], $0x2800  }
0x99: {  	[sflag:s11] =	ssyncset.done $0x0  }
0x9a: {  	[sflag:s11] =	ssyncadd.s32 $0xFFFFD800  }
0x9b: {  	_ =	sfence.sel $0x180000  }
0x9c: {  	[bflag:$0x0] =	sbarrier.arrive $0xFFFF  }
0x9d: {  	p0 =	sne.s32 s0, $0x0;
	_ =	strace $0x90000050  }
0x9e: {  	s0 =	sadd.s32 @!p0 $0x100000, s1;
	[bflag:$0x2] =	sbarrier.arrive $0xFFFF  }
0x9f: {  	[sflag:s0] =	ssyncadd.tile.s32 @!p0 $0x1;
	_ =	shalt  }
.Lfunc_end2:
_tile_overlayer_lowered:
.L_overlay_start_2:
0xa0: {  	(tag) =	ssettag $0x2  }
0xa1: {  	s0 =	rddreg [dreg:$0x0];
	s2 =	stileid.u32  }
0xa2: {  	s1 =	rddreg [dreg:$0x1];
	p0 =	sne.s32 s2, $0x0  }
0xa3: {  	s3 =	rddreg [dreg:$0x2];
	[bflag:$0x3] =	sbarrier.arrive $0xFFFF;
	s2 =	simm.s32 @!p0 $0x1C03  }
0xa4: {  	[timem:s3], [sflag:s2] =	dma.local @!p0 [hbm:s0], s1  }
0xa5: {  	s0 =	simm.s32 @!p0 $0x3  }
0xa6: {  	_ =	swait.ge @!p0 [sflag:s0], s1  }
0xa7: {  	s1 =	ssub.s32 @!p0 $0x0, s1;
	[sflag:s0] =	ssyncset.done @!p0 $0x0  }
0xa8: {  	[sflag:s0] =	ssyncadd.s32 @!p0 s1  }
0xa9: {  	[bflag:$0x3] =	sbarrier.arrive $0xFFFF  }
0xaa: {  	_ =	shalt  }

// kernel: kernel.9.cloned.1.call-start
scs
__scs_entry_jumppad:
0x0: {  	(pc) =	sbr.rel $0x88, $3  }
0x1: {  	(tag) =	ssettag $0x0;
	lr =	simm.s32 $0x1  }
0x2: {  	[smem:$0x3F8D] =	sst lr;
	_ =	strace $0xD0000000  }
0x3: {  	_ = 	snop  }
0x4: {  	_ = 	snop  }
0x5: {  	_ = 	snop  }
0x6: {  	_ = 	snop  }
0x7: {  	_ = 	snop  }
__scs_overlays_trampoline_lowered:
0x8: {  	[smem:$0x3F9C] =	sst s0  }
0x9: {  	[smem:$0x3F9D] =	sst s1  }
0xa: {  	[smem:$0x3F9E] =	sst s2  }
0xb: {  	[smem:$0x3F9F] =	sst s3  }
0xc: {  	[smem:$0x3FA0] =	sst s4  }
0xd: {  	[smem:$0x3FA1] =	sst s5  }
0xe: {  	[smem:$0x3FA2] =	sst s6  }
0xf: {  	[smem:$0x3FA3] =	sst s7  }
0x10: {  	[smem:$0x3FA4] =	sst s8  }
0x11: {  	[smem:$0x3FA5] =	sst s9;
	s0 =	simm.s32 @!p0 $0x0  }
0x12: {  	s1 =	sld [smem:$0x3F8B];
	s0 =	simm.s32 @p0 $0x1  }
0x13: {  	[smem:$0x3FA6] =	sst s0;
	s0 =	simm.s32 @!p1 $0x0  }
0x14: {  	s2 =	sld [smem:$0x3F8A];
	s0 =	simm.s32 @p1 $0x1  }
0x15: {  	[smem:$0x3FA7] =	sst s0;
	s0 =	simm.s32 @!p2 $0x0  }
0x16: {  	s3 =	sld [smem:$0x3FDB];
	s0 =	simm.s32 @p2 $0x1  }
0x17: {  	s4 =	simm.s32 $0x1BF5;
	[smem:$0x3FA9] =	sst s0  }
0x18: {  	s0 =	sld [smem:$0x3F8C];
	_ =	swait.ge [sflag:s4], $0x0  }
0x19: {  	s7 =	sld [smem:$0x3F8D]  }
0x1a: {  	s8 =	sadd.s32 $0xFFFFE003, lr  }
0x1b: {  	s9 =	sadd.s32 $0xFFFFFEF7, lr;
	s5 =	simm.s32 $0xFFFFFFFF;
	p2 =	slt.u32 s8, $0xFFFFF086  }
0x1c: {  	p1 =	slt.u32 s9, $0xF7A;
	s5 =	simm.s32 @!p2 $0x0  }
0x1d: {  	s5 =	simm.s32 @p1 $0x1;
	p0 =	seq.s32 s7, s2  }
0x1e: {  	s7 =	smul.u32 @!p0 $0xF7A, s2;
	p2 =	seq.s32 @!p0 s5, $0x0  }
0x1f: {  	s9 =	smul.u32 $0xF7A, s1;
	s8 =	simm.s32 @!p0 $0x1BF5;
	p2 =	por !p2, p0  }
0x20: {  	[sflag:s8] =	ssyncset.s32 @!p0 $0xFFFFF086;
	s6 =	sadd.s32 @!p0 s3, s7;
	s7 =	simm.s32 @!p0 $0x108  }
0x21: {  	s3 =	sadd.s32 s3, s9;
	s6 =	sadd.s32 @!p0 $0x88, s6;
	s7 =	simm.s32 @p2 $0x1082  }
0x22: {  	[simem:s7], [sflag:s8] =	dma.local @!p0 [hbm:s6], $0xF7A  }
0x23: {  	s9 =	sor.u32 $0xD0000000, s2;
	s6 =	simm.s32 $0x108;
	_ =	swait.ge @!p0 [sflag:s8], $0x0  }
0x24: {  	s3 =	sadd.s32 $0x88, s3;
	s6 =	simm.s32 @!p1 $0x1082;
	[sflag:s4] =	ssyncset.s32 $0xFFFFF086  }
0x25: {  	[simem:s6], [sflag:s4] =	dma.local [hbm:s3], $0xF7A  }
0x26: {  	[smem:$0x3F8D] =	sst s1;
	(tag) =	ssettag s2;
	_ =	strace s9  }
0x27: {  	s1 =	sld [smem:$0x3F9D]  }
0x28: {  	s2 =	sld [smem:$0x3F9E]  }
0x29: {  	s4 =	sld [smem:$0x3FA0]  }
0x2a: {  	p0 =	seq.s32 s5, $0x0;
	s5 =	sld [smem:$0x3FA1]  }
0x2b: {  	s6 =	sld [smem:$0x3FA2]  }
0x2c: {  	s7 =	sld [smem:$0x3FA3]  }
0x2d: {  	s3 =	simm.s32 $0x108;
	s8 =	sld [smem:$0x3FA4]  }
0x2e: {  	s3 =	simm.s32 @!p0 $0x1082;
	s9 =	sld [smem:$0x3FA5]  }
0x2f: {  	lr =	sadd.s32 s0, s3;
	s0 =	sld [smem:$0x3F9C]  }
0x30: {  	s3 =	sld [smem:$0x3F9F]  }
0x31: {  	[smem:$0x3FA8] =	sst s10  }
0x32: {  	s10 =	sld [smem:$0x3FA6];
	_ =	sdelay $0x3  }
0x33: {  	p0 =	seq.s32 s10, $0x1;
	s10 =	sld [smem:$0x3FA8];
	_ =	sdelay $0x3  }
0x34: {  	[smem:$0x3FA8] =	sst s10  }
0x35: {  	s10 =	sld [smem:$0x3FA7];
	_ =	sdelay $0x3  }
0x36: {  	p1 =	seq.s32 s10, $0x1;
	s10 =	sld [smem:$0x3FA8];
	_ =	sdelay $0x3  }
0x37: {  	[smem:$0x3FA8] =	sst s10  }
0x38: {  	s10 =	sld [smem:$0x3FA9]  }
0x39: {  	_ = 	snop;
	(pc) =	sbr.ind lr, $3  }
0x3a: {  	_ = 	snop  }
0x3b: {  	_ = 	snop  }
0x3c: {  	p2 =	seq.s32 s10, $0x1;
	s10 =	sld [smem:$0x3FA8]  }
0x3d: {  	_ =	shalt  }
0x3e: {  	_ =	shalt  }
0x3f: {  	_ =	shalt  }
0x40: {  	_ =	shalt  }
0x41: {  	_ =	shalt  }
0x42: {  	_ =	shalt  }
0x43: {  	_ =	shalt  }
0x44: {  	_ =	shalt  }
0x45: {  	_ =	shalt  }
0x46: {  	_ =	shalt  }
0x47: {  	_ =	shalt  }
0x48: {  	_ =	shalt  }
0x49: {  	_ =	shalt  }
0x4a: {  	_ =	shalt  }
0x4b: {  	_ =	shalt  }
0x4c: {  	_ =	shalt  }
0x4d: {  	_ =	shalt  }
0x4e: {  	_ =	shalt  }
0x4f: {  	_ =	shalt  }
0x50: {  	_ =	shalt  }
0x51: {  	_ =	shalt  }
0x52: {  	_ =	shalt  }
0x53: {  	_ =	shalt  }
0x54: {  	_ =	shalt  }
0x55: {  	_ =	shalt  }
0x56: {  	_ =	shalt  }
0x57: {  	_ =	shalt  }
0x58: {  	_ =	shalt  }
0x59: {  	_ =	shalt  }
0x5a: {  	_ =	shalt  }
0x5b: {  	_ =	shalt  }
0x5c: {  	_ =	shalt  }
0x5d: {  	_ =	shalt  }
0x5e: {  	_ =	shalt  }
0x5f: {  	_ =	shalt  }
0x60: {  	_ =	shalt  }
0x61: {  	_ =	shalt  }
0x62: {  	_ =	shalt  }
0x63: {  	_ =	shalt  }
0x64: {  	_ =	shalt  }
0x65: {  	_ =	shalt  }
0x66: {  	_ =	shalt  }
0x67: {  	_ =	shalt  }
0x68: {  	_ =	shalt  }
0x69: {  	_ =	shalt  }
0x6a: {  	_ =	shalt  }
0x6b: {  	_ =	shalt  }
0x6c: {  	_ =	shalt  }
0x6d: {  	_ =	shalt  }
0x6e: {  	_ =	shalt  }
0x6f: {  	_ =	shalt  }
0x70: {  	_ =	shalt  }
0x71: {  	_ =	shalt  }
0x72: {  	_ =	shalt  }
0x73: {  	_ =	shalt  }
0x74: {  	_ =	shalt  }
0x75: {  	_ =	shalt  }
0x76: {  	_ =	shalt  }
0x77: {  	_ =	shalt  }
0x78: {  	_ =	shalt  }
0x79: {  	_ =	shalt  }
0x7a: {  	_ =	shalt  }
0x7b: {  	_ =	shalt  }
0x7c: {  	_ =	shalt  }
0x7d: {  	_ =	shalt  }
0x7e: {  	_ =	shalt  }
0x7f: {  	_ =	shalt  }
0x80: {  	_ =	shalt  }
0x81: {  	_ =	shalt  }
0x82: {  	_ =	shalt  }
0x83: {  	_ =	shalt  }
0x84: {  	_ =	shalt  }
0x85: {  	_ =	shalt  }
0x86: {  	_ =	shalt  }
0x87: {  	_ =	shalt  }
.Lfunc_end0:
.L_simem_size_0:
called_computation_lowered:
.L_overlay_start_0:
0x88: {  	s2 =	sld [smem:$0x3FD9]  }
0x89: {  	s3 =	sld [smem:$0x3FFE];
	_ =	sdelay $0x1  }
0x8a: {  	s1 =	srdreg.scid  }
0x8b: {  	s0 =	sand.u32 $0x1, s1  }
0x8c: {  	s17 =	sshll.u32 s0, $0xA;
	s2 =	sadd.s32 s3, s2  }
0x8d: {  	s2 =	sadd.s32 s2, s17  }
0x8e: {  	[smem:$0x3FB4] =	sst s2  }
0x8f: {  	_ = 	snop  }
0x90: {  	(tm) =	ssettm $0x1  }
0x91: {  	s18 =	sld [smem:$0x3FFB];
	_ =	sdelay $0x3  }
0x92: {  	_ =	strace s18  }
0x93: {  	s2 =	sld [smem:$0x3FFC];
	_ =	sdelay $0x3  }
0x94: {  	_ =	strace s2  }
0x95: {  	s2 =	sld [smem:$0x3FFD];
	_ =	sdelay $0x3  }
0x96: {  	_ =	strace s2  }
0x97: {  	_ =	strace $0x8FFFFFFF  }
0x98: {  	s19 =	sld [smem:$0x3FDB];
	_ =	sdelay $0x1  }
0x99: {  	s20 =	simm.s32 $_scs_section_size  }
0x9a: {  	s4 =	simm.s32 $_size__tile_overlayer_lowered;
	s5 =	simm.s32 $_tile_overlayer_lowered  }
0x9b: {  	s6 =	simm.s32 $0x1BFF;
	s21 =	sshll.u32 s5, $0x1;
	s3 =	sadd.s32 s20, s19  }
0x9c: {  	s22 =	simm.s32 $0x0;
	s4 =	sshll.u32 s4, $0x1;
	s5 =	sadd.s32 s21, s3  }
0x9d: {  	[timem:s22], [sflag:s6] =	dma.local [hbm:s5], s4  }
0x9e: {  	_ =	swait.ge [sflag:s6], s4  }
0x9f: {  	s4 =	ssub.s32 $0x0, s4;
	[sflag:s6] =	ssyncset.done $0x0  }
0xa0: {  	[sflag:s6] =	ssyncadd.s32 s4;
	_ =	sdelay $0x1  }
0xa1: {  	s23 =	simm.s32 $0x1B8B  }
0xa2: {  	_ =	swait.ge [sflag:s23], $0x1  }
0xa3: {  	[sflag:s23] =	ssyncset.done $0x0  }
0xa4: {  	[sflag:s23] =	ssyncadd.s32 $0xFFFFFFFF  }
0xa5: {  	s4 =	sld [smem:$0x0]  }
0xa6: {  	s5 =	sand.u32 $0xFFFFFFFE, s1  }
0xa7: {  	p0 =	sne.s32 s1, s5  }
0xa8: {  	s5 =	sshll.u32 @p0 s5, $0xE  }
0xa9: {  	s5 =	sadd.s32 @p0 $0x11B8D, s5;
	s6 =	sshll.u32 @p0 s4, $0x11  }
0xaa: {  	s5 =	sor.u32 @p0 s6, s5  }
0xab: {  	[sflag:s5] =	ssyncadd.remote.s32 @p0 $0x1;
	_ =	sdelay $0x1  }
0xac: {  	s5 =	simm.s32 @p0 $0x1B8D  }
0xad: {  	_ =	swait.eq @p0 [sflag:s5], $0x1  }
0xae: {  	[sflag:s5] =	ssyncadd.s32 @p0 $0xFFFFFFFF  }
0xaf: {  	s6 =	sshll.u32 @!p0 s1, $0xE  }
0xb0: {  	s6 =	sor.u32 @!p0 $0x4000, s6;
	s5 =	simm.s32 @!p0 $0x1B8D  }
0xb1: {  	s4 =	sshll.u32 @!p0 s4, $0x11;
	s6 =	sadd.s32 @!p0 $0x11B8D, s6;
	_ =	swait.eq @!p0 [sflag:s5], $0x1  }
0xb2: {  	s4 =	sor.u32 @!p0 s4, s6;
	[sflag:s5] =	ssyncadd.s32 @!p0 $0xFFFFFFFF  }
0xb3: {  	s25 =	simm.s32 $0x1B8E;
	s24 =	sld [smem:$0x3FFE];
	[sflag:s4] =	ssyncadd.remote.s32 @!p0 $0x1  }
0xb4: {  	s26 =	simm.s32 $execute0_lowered;
	[smem:$0x3FD2] =	sst s25  }
0xb5: {  	s5 =	sshll.u32 s26, $0x1;
	_ =	strace $0x80000049;
	[dreg:$0x1] =	wrdreg $0xFFFFFFFF  }
0xb6: {  	s28 =	simm.s32 $_size_execute0_lowered;
	s3 =	sadd.s32 s3, s5;
	[dreg:$0x0] =	wrdreg $0x0  }
0xb7: {  	s5 =	sshll.u32 s28, $0x1;
	[dreg:$0x2] =	wrdreg s3  }
0xb8: {  	[dreg:$0x3] =	wrdreg s5  }
0xb9: {  	[dreg:$0x4] =	wrdreg $0xC0  }
0xba: {  	_ =	task [dreg:s22], $0x5FFFF  }
0xbb: {  	[dreg:$0x1] =	wrdreg $0xFFFFFFFF  }
0xbc: {  	[dreg:$0x0] =	wrdreg $0x60  }
0xbd: {  	[dreg:$0x2] =	wrdreg s24  }
0xbe: {  	[dreg:$0x3] =	wrdreg $0x9  }
0xbf: {  	_ =	task.clear_ibuf [dreg:s22], $0x4FFFF;
	_ =	strace $0x90000049  }
0xc0: {  	s29 =	simm.s32 $0x9;
	_ =	strace $0x8000004B  }
0xc1: {  	_ =	swait.ge [sflag:s29], $0x1  }
0xc2: {  	[sflag:s29] =	ssyncadd.s32 $0xFFFFFFFF  }
0xc3: {  	_ =	strace $0x9000004B  }
0xc4: {  	_ =	sfence  }
0xc5: {  	s30 =	sld [smem:$0x0];
	_ =	sdelay $0x2  }
0xc6: {  	s31 =	sshll.u32 s1, $0xD;
	s1 =	sshrl.u32 s1, $0x2  }
0xc7: {  	s4 =	sand.u32 $0x4000, s31;
	s1 =	sadd.s32 s1, s30  }
0xc8: {  	s0 =	sor.u32 s4, s0;
	s1 =	sshll.u32 s1, $0x11  }
0xc9: {  	s0 =	sor.u32 s1, s0  }
0xca: {  	s0 =	sadd.s32 $0x8F2B, s0  }
0xcb: {  	[sflag:s0] =	ssyncadd.remote.s32 $0x1  }
0xcc: {  	_ =	sfence.sel $0xFFFF  }
0xcd: {  	[dreg:$0x0] =	wrdreg $0xFFFFFFFF;
	(pc) =	sbr.abs _section_cstart, $3  }
0xce: {  	[dreg:$0x1] =	wrdreg $0xFFFFFFFF  }
0xcf: {  	_ =	task.clear_ibuf [dreg:s22], $0x2FFFF;
	_ =	strace $0x9FFFFFFF  }
0xd0: {  	(tm) =	ssettm $0x7FFFFFFF  }
0xd1: {  	_ =	shalt  }
tec
execute0_lowered:
.L_overlay_start_1:
0x0: {  	(tag) =	ssettag $0x1  }
0x1: {  	s1 =	srdreg.scid  }
0x2: {  	s0 =	stileid.u32;
	s4 =	rddreg [dreg:$0x0];
	s2 =	simm.s32 $0x0  }
0x3: {  	s7 =	simm.s32 $0x1;
	s3 =	sand.u32 $0x1, s1;
	s30 =	sshll.u32 s0, $0x1  }
0x4: {  	s8 =	simm.s32 $0x1400;
	s1 =	sor.u32 s3, s30;
	s3 =	ssub.s32 $0x2, s3  }
0x5: {  	[smem:$0x7FF] =	sst s2;
	s5 =	smul.u32 $0x500, s1;
	s31 =	sshrl.u32 s3, $0x1  }
0x6: {  	s9 =	simm.s32 $0x0;
	s1 =	rddreg [dreg:$0x1];
	s6 =	ssub.s32 s3, s31  }
0x7: {  	_ =	strace $0x8000004A;
	s5 =	sadd.s32 s5, s4;
	s6 =	smax.u32 s6, $0x1  }
0x8: {  	v0 =	vimm.f32 $0.0e+00;
	v1 =	vimm.f32 $1.000000000e+00;
	s3 =	sadd.s32 $0x4A00, s5;
	s4 =	sadd.s32 $0x4C80, s5;
	s5 =	sadd.s32 $0x90A00, s5  }
.LBB2_1:
0x9: {  	s10 =	simm.s32 $0x40;
	s11 =	simm.s32 $0x0  }
.LBB2_2:
0xa: {  	p0 =	sne.s32 s10, $0x9FC0;
	[tilespmem:s11+$0x1400] =	vst v0;
	s11 =	smov.u32 s10;
	s10 =	sadd.s32 $0x40, s10  }
.Ltmp0:
0xb: {  	(pc) =	sbr.rel @p0 .LBB2_2-.Ltmp0, $2  }
0xc: {  	_ =	sdelay $0x2  }
0xd: {  	s11 =	sshra.s32 s11, $0x2  }
0xe: {  	[tilespmem:s11+$0x1400] =	vst v0;
	s10 =	simm.s32 $0x0  }
0xf: {  	[tilespmem:s10], [sflag:$0x1] =	stream.linear.gather [hbm4b:s3+s10], $0x1400, $0x38;
	[tilespmem:$0x3C00] =	vst v63  }
0x10: {  	_ =	swait.ge [sflag:s7], $0x1400  }
0x11: {  	[sflag:s7] =	ssyncset.done $0x0  }
0x12: {  	s11 =	sand.u32 $0x1FF0, s10;
	s10 =	simm.s32 $0x10;
	[sflag:s7] =	ssyncadd.s32 $0xFFFFEC00  }
.LBB2_4:
0x13: {  	p0 =	sne.s32 s10, $0x13F0;
	v2 =	vld [tilespmem:s11+$0x0];
	_ =	sdelay $0x3  }
.Ltmp1:
0x14: {  	(pc) =	sbr.rel @p0 .LBB2_4-.Ltmp1, $2  }
0x15: {  	_ =	sdelay $0x2  }
0x16: {  	s11 =	sand.u32 $0x1FF0, s10;
	s10 =	sadd.s32 $0x10, s10;
	[tilespmem:v2+s8+$0x0] =	vst.idx.add.f32.msk $0xffff, v1  }
0x17: {  	v2 =	vld [tilespmem:s11+$0x0];
	_ =	sdelay $0x7  }
0x18: {  	s10 =	simm.s32 $0x0;
	[tilespmem:v2+s8+$0x0] =	vst.idx.add.f32.msk $0xffff, v1  }
0x19: {  	[tilespmem:s10], [sflag:$0x1] =	stream.linear.gather [hbm4b:s4+s10], $0x1400, $0x38;
	[tilespmem:$0x3C00] =	vst v63  }
0x1a: {  	_ =	swait.ge [sflag:s7], $0x1400  }
0x1b: {  	[sflag:s7] =	ssyncset.done $0x0  }
0x1c: {  	s11 =	sand.u32 $0x1FF0, s10;
	s10 =	simm.s32 $0x10;
	[sflag:s7] =	ssyncadd.s32 $0xFFFFEC00  }
.LBB2_6:
0x1d: {  	p0 =	sne.s32 s10, $0x13F0;
	v2 =	vld [tilespmem:s11+$0x0];
	_ =	sdelay $0x3  }
.Ltmp2:
0x1e: {  	(pc) =	sbr.rel @p0 .LBB2_6-.Ltmp2, $2  }
0x1f: {  	_ =	sdelay $0x2  }
0x20: {  	s11 =	sand.u32 $0x1FF0, s10;
	s10 =	sadd.s32 $0x10, s10;
	[tilespmem:v2+s8+$0x0] =	vst.idx.add.f32.msk $0xffff, v1  }
0x21: {  	v2 =	vld [tilespmem:s11+$0x0];
	_ =	sdelay $0x5  }
0x22: {  	s9 =	sadd.s32 $0x1, s9  }
0x23: {  	p0 =	sne.s32 s9, s6  }
.Ltmp3:
0x24: {  	[tilespmem:v2+s8+$0x0] =	vst.idx.add.f32.msk $0xffff, v1;
	(pc) =	sbr.rel @p0 .LBB2_1-.Ltmp3, $4  }
0x25: {  	[hbm4b:s5+s2] =	stream.linear.scatter [tilespmem:s8], [sflag:$0x1], $0x2800, $0x38;
	[tilespmem:$0x3C00] =	vst v63  }
0x26: {  	_ =	swait.ge [sflag:s7], $0x2800  }
0x27: {  	[sflag:s7] =	ssyncset.done $0x0  }
0x28: {  	[sflag:s7] =	ssyncadd.s32 $0xFFFFD800  }
0x29: {  	_ =	sfence.sel $0x180000  }
0x2a: {  	[bflag:$0x0] =	sbarrier.arrive $0xFFFF  }
0x2b: {  	p0 =	sne.s32 s0, $0x0;
	_ =	strace $0x9000004A  }
0x2c: {  	s0 =	sadd.s32 @!p0 $0x100000, s1;
	[bflag:$0x2] =	sbarrier.arrive $0xFFFF  }
0x2d: {  	[sflag:s0] =	ssyncadd.tile.s32 @!p0 $0x1;
	_ =	shalt  }
.Lfunc_end2:
_tile_overlayer_lowered:
.L_overlay_start_2:
0x2e: {  	(tag) =	ssettag $0x2  }
0x2f: {  	s0 =	rddreg [dreg:$0x0];
	s2 =	stileid.u32  }
0x30: {  	s1 =	rddreg [dreg:$0x1];
	p0 =	sne.s32 s2, $0x0  }
0x31: {  	s3 =	rddreg [dreg:$0x2];
	[bflag:$0x3] =	sbarrier.arrive $0xFFFF;
	s2 =	simm.s32 @!p0 $0x1C01  }
0x32: {  	[timem:s3], [sflag:s2] =	dma.local @!p0 [hbm:s0], s1  }
0x33: {  	s0 =	simm.s32 @!p0 $0x1  }
0x34: {  	_ =	swait.ge @!p0 [sflag:s0], s1  }
0x35: {  	s1 =	ssub.s32 @!p0 $0x0, s1;
	[sflag:s0] =	ssyncset.done @!p0 $0x0  }
0x36: {  	[sflag:s0] =	ssyncadd.s32 @!p0 s1  }
0x37: {  	[bflag:$0x3] =	sbarrier.arrive $0xFFFF  }
0x38: {  	_ =	shalt  }

</sc_bundles>
